<compile_context>
chip_gen: v7x
topology: tpu7x:2x2x1
jax: 0.10.2.dev20260603
libtpu: 0.0.44.dev20260713+nightly
codegen_flags: <defaults>
</compile_context>

<pallas_src>
import functools

import jax
import jax.numpy as jnp
from jax import lax
from jax.experimental import pallas as pl
from jax.experimental.pallas import tpu as pltpu, tpu_sc as plsc

VOCAB = 1000000
EMBED = 16
N = 1638400
B = 16384
HIDDEN = 128
NUM_CLASS = 10

NC = 2
NS = 16
NW = NC * NS
PER_W = N // NW
CHUNK = 2560
CPW = PER_W // CHUNK
SUB = 128
SUBS = CHUNK // SUB
ROWS_PER_TILE = B // NS
ZROWS = 128

BLK = 1024
N128 = N // 128


def _sc_pool_body(tags_hbm, seg_hbm, tab_hbm, out_hbm,
                  idx0, idx1, seg0, seg1, rows0, rows1, zero_v, acc_sh,
                  gsem, ssem0, ssem1, lsem):
    cid = lax.axis_index("c")
    sid = lax.axis_index("s")
    wid = cid * NS + sid
    idx = (idx0, idx1)
    seg = (seg0, seg1)
    rows = (rows0, rows1)
    ssem = (ssem0, ssem1)

    def zbody(i, carry):
        zero_v[i] = jnp.zeros((EMBED,), jnp.float32)
        return carry
    lax.fori_loop(0, ZROWS, zbody, 0)
    for z in range(ROWS_PER_TILE // ZROWS):
        pltpu.sync_copy(zero_v,
                        acc_sh.at[pl.ds(sid * ROWS_PER_TILE + z * ZROWS, ZROWS)])
    plsc.subcore_barrier()

    def load(g, p):
        base = wid * PER_W + g * CHUNK
        i_cp = pltpu.async_copy(tags_hbm.at[pl.ds(base, CHUNK)], idx[p], lsem)
        s_cp = pltpu.async_copy(seg_hbm.at[pl.ds(base // 128, SUBS)], seg[p],
                                lsem)
        i_cp.wait()
        s_cp.wait()
        ref = idx[p]

        def tbody(k, carry):
            v = ref[pl.ds(k * 16, 16)]
            ref[pl.ds(k * 16, 16)] = ((v & -TBK) | ((v & (TQ - 1)) << 3)
                                      | ((v >> 11) & 7))
            return carry
        lax.fori_loop(0, CHUNK // 16, tbody, 0, unroll=8)

    def gather(p):
        return pltpu.make_async_copy(tab_hbm.at[idx[p]], rows[p], gsem)

    def scatter_start(p):
        for j in range(SUBS):
            pltpu.make_async_copy(rows[p].at[pl.ds(j * SUB, SUB)],
                                  acc_sh.at[seg[p].at[j]], ssem[p]).start(add=True)

    def scatter_drain(p):
        for j in range(SUBS):
            pltpu.make_async_copy(rows[p].at[pl.ds(j * SUB, SUB)],
                                  acc_sh.at[seg[p].at[j]], ssem[p]).wait()

    load(0, 0)
    gather(0).start()

    def body(g, carry):
        for p in (0, 1):
            @pl.when(g % 2 == p)
            def _():
                @pl.when(g > 0)
                def _():
                    scatter_drain(1 - p)

                @pl.when(g + 1 < CPW)
                def _():
                    load(g + 1, 1 - p)
                gather(p).wait()

                @pl.when(g + 1 < CPW)
                def _():
                    gather(1 - p).start()
                scatter_start(p)
        return carry
    lax.fori_loop(0, CPW, body, 0)
    scatter_drain((CPW - 1) % 2)

    plsc.subcore_barrier()
    pltpu.sync_copy(
        acc_sh.at[pl.ds(sid * ROWS_PER_TILE, ROWS_PER_TILE)],
        out_hbm.at[pl.ds(cid * B + sid * ROWS_PER_TILE, ROWS_PER_TILE)])


TBK = 16384
TGRID = (VOCAB + TBK - 1) // TBK
VOCABP = TGRID * TBK
TQ = TBK // 8


def _tr_body(xt_ref, out_ref):
    y = jnp.concatenate(
        [xt_ref[:, TQ * u:TQ * (u + 1)] for u in range(8)], axis=0)
    out_ref[...] = y.T


def _mlp_body(pa_ref, pb_ref, lab_ref, w1_ref, b1_ref, w2_ref, b2_ref,
              out_ref, loss_ref):
    i = pl.program_id(0)
    pooled = pa_ref[...] + pb_ref[...]
    h = jnp.maximum(
        jnp.dot(pooled, w1_ref[...], preferred_element_type=jnp.float32)
        + b1_ref[...], 0.0)
    logits = jnp.dot(h, w2_ref[...],
                     preferred_element_type=jnp.float32) + b2_ref[...]
    out_ref[...] = logits
    lab = lab_ref[...]
    cls = lax.broadcasted_iota(jnp.int32, (BLK, NUM_CLASS), 1)
    logit_lab = jnp.sum(jnp.where(cls == lab, logits, 0.0), axis=1,
                        keepdims=True)
    m = jnp.max(logits, axis=1, keepdims=True)
    lse = jnp.log(jnp.sum(jnp.exp(logits - m), axis=1, keepdims=True)) + m
    part = (jnp.sum(lse - logit_lab) / B).reshape(1, 1)

    @pl.when(i == 0)
    def _():
        loss_ref[...] = jnp.zeros_like(loss_ref)
    loss_ref[...] += part


def kernel(node_tags, segment_ids, labels, table, W1, b1, W2, b2):
    tab_lin = pl.pallas_call(
        _tr_body,
        grid=(TGRID,),
        in_specs=[pl.BlockSpec((EMBED, TBK), lambda i: (0, i))],
        out_specs=pl.BlockSpec((TQ, 128), lambda i: (i, 0)),
        out_shape=jax.ShapeDtypeStruct((VOCABP // 8, 128), jnp.float32),
    )(table.T).reshape(VOCABP, EMBED)

    mesh = plsc.VectorSubcoreMesh(core_axis_name="c", subcore_axis_name="s",
                                  num_cores=NC, num_subcores=NS)
    sc_pool = pl.kernel(
        _sc_pool_body,
        out_type=jax.ShapeDtypeStruct((NC * B, EMBED), jnp.float32),
        mesh=mesh,
        scratch_types=[
            pltpu.VMEM((CHUNK,), jnp.int32),
            pltpu.VMEM((CHUNK,), jnp.int32),
            pltpu.VMEM((SUBS, SUB), jnp.int32),
            pltpu.VMEM((SUBS, SUB), jnp.int32),
            pltpu.VMEM((CHUNK, EMBED), jnp.float32),
            pltpu.VMEM((CHUNK, EMBED), jnp.float32),
            pltpu.VMEM((ZROWS, EMBED), jnp.float32),
            pltpu.VMEM_SHARED((B, EMBED), jnp.float32),
            pltpu.SemaphoreType.DMA,
            pltpu.SemaphoreType.DMA,
            pltpu.SemaphoreType.DMA,
            pltpu.SemaphoreType.DMA,
        ],
        compiler_params=pltpu.CompilerParams(use_tc_tiling_on_sc=False),
    )
    part = sc_pool(node_tags, segment_ids.reshape(N128, 128), tab_lin)

    grid = (B // BLK,)
    logits, loss2 = pl.pallas_call(
        _mlp_body,
        grid=grid,
        in_specs=[
            pl.BlockSpec((BLK, EMBED), lambda i: (i, 0)),
            pl.BlockSpec((BLK, EMBED), lambda i: (i + B // BLK, 0)),
            pl.BlockSpec((BLK, 1), lambda i: (i, 0)),
            pl.BlockSpec((EMBED, HIDDEN), lambda i: (0, 0)),
            pl.BlockSpec((1, HIDDEN), lambda i: (0, 0)),
            pl.BlockSpec((HIDDEN, NUM_CLASS), lambda i: (0, 0)),
            pl.BlockSpec((1, NUM_CLASS), lambda i: (0, 0)),
        ],
        out_specs=[
            pl.BlockSpec((BLK, NUM_CLASS), lambda i: (i, 0)),
            pl.BlockSpec((1, 1), lambda i: (0, 0)),
        ],
        out_shape=[
            jax.ShapeDtypeStruct((B, NUM_CLASS), jnp.float32),
            jax.ShapeDtypeStruct((1, 1), jnp.float32),
        ],
    )(part, part, labels.reshape(B, 1), W1, b1.reshape(1, HIDDEN),
      W2, b2.reshape(1, NUM_CLASS))
    return logits, loss2[0, 0]

# --- scband reference (transcript-rebuilt; emitter-appended) ---
"""Pipeline reference for scband-classifier-42434276884990 (READ-ONLY COPY).

The authoritative reference and input builder live on the scoring server;
editing this copy changes nothing except your own understanding.
"""

import jax, jax.numpy as jnp
import numpy as np

VOCAB = 1000000
EMBED = 16
N = 1638400
B = 16384
HIDDEN = 128
NUM_CLASS = 10


def setup_inputs(seed: int = 0) -> dict:
    key = jax.random.key(seed)
    k1, k2, k3, k4, k5 = jax.random.split(key, 5)
    node_tags = jax.random.randint(k1, (N,), 0, VOCAB, dtype=jnp.int32)
    segment_ids = jnp.sort(jax.random.randint(k2, (N,), 0, B, dtype=jnp.int32))
    labels = jax.random.randint(k3, (B,), 0, NUM_CLASS, dtype=jnp.int32)
    table = jax.random.normal(k4, (VOCAB, EMBED), dtype=jnp.float32) * 0.02
    kk = jax.random.split(k5, 2)
    W1 = jax.random.normal(kk[0], (EMBED, HIDDEN), dtype=jnp.float32) * (1.0 / np.sqrt(EMBED))
    b1 = jnp.zeros((HIDDEN,), dtype=jnp.float32)
    W2 = jax.random.normal(kk[1], (HIDDEN, NUM_CLASS), dtype=jnp.float32) * (1.0 / np.sqrt(HIDDEN))
    b2 = jnp.zeros((NUM_CLASS,), dtype=jnp.float32)
    return {"node_tags": node_tags, "segment_ids": segment_ids, "labels": labels,
            "table": table, "W1": W1, "b1": b1, "W2": W2, "b2": b2}


def reference(node_tags, segment_ids, labels, table, W1, b1, W2, b2):
    # Node-tag embedding lookup (args.embedding == True path in PrepareData):
    # memory-bound gather from a large table.
    emb = jnp.take(table, node_tags, axis=0)            # [N, EMBED]
    # Per-graph pooling (stand-in for DGCNN graph readout): scatter-add by graph id.
    pooled = jax.ops.segment_sum(emb, segment_ids, num_segments=B)  # [B, EMBED]
    # MLPClassifier head.
    h = jax.nn.relu(pooled @ W1 + b1)
    logits = h @ W2 + b2                                # [B, NUM_CLASS]
    # Cross-entropy loss against labels (as the original mlp(embed, labels) returns).
    logp = jax.nn.log_softmax(logits, axis=-1)
    loss = -jnp.mean(jnp.take_along_axis(logp, labels[:, None].astype(jnp.int32), axis=1))
    return logits, loss

if __name__ == "__main__":
    import jax
    _d = setup_inputs()
    print(jax.jit(kernel)(*tuple(_d.values())))

</pallas_src>

<mosaic_0001>
#map = affine_map<(d0, d1) -> (0)>
#map1 = affine_map<(d0, d1) -> (0, 0)>
module attributes {stable_mosaic.version = 14 : i64} {
  func.func @_sc_pool_body(%arg0: i32, %arg1: i32, %arg2: memref<1638400xi32, #tpu.memory_space<hbm>>, %arg3: memref<12800x128xi32, #tpu.memory_space<hbm>>, %arg4: memref<1015808x16xf32, #tpu.memory_space<hbm>>, %arg5: memref<32768x16xf32, #tpu.memory_space<hbm>>, %arg6: memref<2560xi32, #tpu.memory_space<vmem>>, %arg7: memref<2560xi32, #tpu.memory_space<vmem>>, %arg8: memref<20x128xi32, #tpu.memory_space<vmem>>, %arg9: memref<20x128xi32, #tpu.memory_space<vmem>>, %arg10: memref<2560x16xf32, #tpu.memory_space<vmem>>, %arg11: memref<2560x16xf32, #tpu.memory_space<vmem>>, %arg12: memref<128x16xf32, #tpu.memory_space<vmem>>, %arg13: memref<16384x16xf32, #tpu.memory_space<vmem_shared>>, %arg14: memref<!tpu.dma_semaphore, #tpu.memory_space<semaphore_mem>>, %arg15: memref<!tpu.dma_semaphore, #tpu.memory_space<semaphore_mem>>, %arg16: memref<!tpu.dma_semaphore, #tpu.memory_space<semaphore_mem>>, %arg17: memref<!tpu.dma_semaphore, #tpu.memory_space<semaphore_mem>>) attributes {dimension_semantics = [#tpu.dimension_semantics<core_parallel>, #tpu.dimension_semantics<subcore_parallel>], iteration_bounds = array<i64: 2, 16>, scalar_prefetch = 0 : i64, scratch_operands = 12 : i64, tpu.core_type = #tpu.core_type<sc_vector_subcore>, window_params = [{transform_indices = #map}, {transform_indices = #map1}, {transform_indices = #map1}, {transform_indices = #map1}]} {
    %mul3A = arith.constant 16 : i32
    %mul3A_0 = arith.muli %arg0, %mul3A : i32
    %add3A = arith.addi %mul3A_0, %arg1 : i32
    %scan3A = arith.constant 0 : i32
    %scan3A_1 = arith.constant 0 : i32
    %scan3A_2 = arith.constant 128 : i32
    %scan3A_3 = arith.addi %scan3A_1, %scan3A_2 : i32
    %scan3A_4 = arith.constant 1 : i32
    scf.for %scan3A_291 = %scan3A_1 to %scan3A_3 step %scan3A_4  : i32 {
      %broadcast_in_dim3A = arith.constant 0.000000e+00 : f32
      %broadcast_in_dim3A_292 = vector.broadcast %broadcast_in_dim3A : f32 to vector<16xf32>
      %swap3A = arith.index_cast %scan3A_291 : i32 to index
      %swap3A_293 = arith.constant 0 : index
      %swap3A_294 = tpu.vector_load %arg12[%swap3A, %swap3A_293] {strides = array<i32>} : memref<128x16xf32, #tpu.memory_space<vmem>>, vector<1x16xf32>,
      %swap3A_295 = vector.shape_cast %swap3A_294 : vector<1x16xf32> to vector<16xf32>
      %swap3A_296 = vector.shape_cast %broadcast_in_dim3A_292 : vector<16xf32> to vector<1x16xf32>
      tpu.vector_store %arg12[%swap3A, %swap3A_293], %swap3A_296 {strides = array<i32>} : memref<128x16xf32, #tpu.memory_space<vmem>>, vector<1x16xf32>,
    }
    %scan3A_5 = arith.constant 128 : i32
    %mul3A_6 = arith.constant 1024 : i32
    %mul3A_7 = arith.muli %arg1, %mul3A_6 : i32
    %add3A_8 = arith.constant 0 : i32
    %add3A_9 = arith.addi %mul3A_7, %add3A_8 : i32
    "tpu.region"() ({
      %run_scoped3A = tpu.sem_alloc : memref<!tpu.dma_semaphore, #tpu.memory_space<semaphore_mem>>
      %dma_start3A_291 = arith.constant 0 : i32
      %dma_start3A_292 = tpu.memref_slice %arg13[%add3A_9, %dma_start3A_291] : memref<16384x16xf32, #tpu.memory_space<vmem_shared>> -> memref<128x16xf32, #tpu.memory_space<vmem_shared>>
      %dma_start3A_293 = arith.constant 0 : i32
      %dma_start3A_294 = tpu.memref_slice %arg13[%add3A_9, %dma_start3A_293] : memref<16384x16xf32, #tpu.memory_space<vmem_shared>> -> memref<128x16xf32, #tpu.memory_space<vmem_shared>>
      tpu.enqueue_dma source(%arg12 : memref<128x16xf32, #tpu.memory_space<vmem>>) target(%dma_start3A_294 : memref<128x16xf32, #tpu.memory_space<vmem_shared>>) target_semaphore(%run_scoped3A : memref<!tpu.dma_semaphore, #tpu.memory_space<semaphore_mem>>)
      %dma_wait3A_295 = arith.constant 0 : i32
      %dma_wait3A_296 = tpu.memref_slice %arg13[%add3A_9, %dma_wait3A_295] : memref<16384x16xf32, #tpu.memory_space<vmem_shared>> -> memref<128x16xf32, #tpu.memory_space<vmem_shared>>
      %dma_wait3A_297 = arith.constant 0 : i32
      %dma_wait3A_298 = tpu.memref_slice %arg13[%add3A_9, %dma_wait3A_297] : memref<16384x16xf32, #tpu.memory_space<vmem_shared>> -> memref<128x16xf32, #tpu.memory_space<vmem_shared>>
      tpu.wait_dma2 semaphore(%run_scoped3A : memref<!tpu.dma_semaphore, #tpu.memory_space<semaphore_mem>>) src(%arg12 : memref<128x16xf32, #tpu.memory_space<vmem>>) dst(%dma_wait3A_298 : memref<128x16xf32, #tpu.memory_space<vmem_shared>>)
      tpu.yield
    }) : () -> ()
    %mul3A_10 = arith.constant 1024 : i32
    %mul3A_11 = arith.muli %arg1, %mul3A_10 : i32
    %add3A_12 = arith.constant 128 : i32
    %add3A_13 = arith.addi %mul3A_11, %add3A_12 : i32
    "tpu.region"() ({
      %run_scoped3A = tpu.sem_alloc : memref<!tpu.dma_semaphore, #tpu.memory_space<semaphore_mem>>
      %dma_start3A_291 = arith.constant 0 : i32
      %dma_start3A_292 = tpu.memref_slice %arg13[%add3A_13, %dma_start3A_291] : memref<16384x16xf32, #tpu.memory_space<vmem_shared>> -> memref<128x16xf32, #tpu.memory_space<vmem_shared>>
      %dma_start3A_293 = arith.constant 0 : i32
      %dma_start3A_294 = tpu.memref_slice %arg13[%add3A_13, %dma_start3A_293] : memref<16384x16xf32, #tpu.memory_space<vmem_shared>> -> memref<128x16xf32, #tpu.memory_space<vmem_shared>>
      tpu.enqueue_dma source(%arg12 : memref<128x16xf32, #tpu.memory_space<vmem>>) target(%dma_start3A_294 : memref<128x16xf32, #tpu.memory_space<vmem_shared>>) target_semaphore(%run_scoped3A : memref<!tpu.dma_semaphore, #tpu.memory_space<semaphore_mem>>)
      %dma_wait3A_295 = arith.constant 0 : i32
      %dma_wait3A_296 = tpu.memref_slice %arg13[%add3A_13, %dma_wait3A_295] : memref<16384x16xf32, #tpu.memory_space<vmem_shared>> -> memref<128x16xf32, #tpu.memory_space<vmem_shared>>
      %dma_wait3A_297 = arith.constant 0 : i32
      %dma_wait3A_298 = tpu.memref_slice %arg13[%add3A_13, %dma_wait3A_297] : memref<16384x16xf32, #tpu.memory_space<vmem_shared>> -> memref<128x16xf32, #tpu.memory_space<vmem_shared>>
      tpu.wait_dma2 semaphore(%run_scoped3A : memref<!tpu.dma_semaphore, #tpu.memory_space<semaphore_mem>>) src(%arg12 : memref<128x16xf32, #tpu.memory_space<vmem>>) dst(%dma_wait3A_298 : memref<128x16xf32, #tpu.memory_space<vmem_shared>>)
      tpu.yield
    }) : () -> ()
    %mul3A_14 = arith.constant 1024 : i32
    %mul3A_15 = arith.muli %arg1, %mul3A_14 : i32
    %add3A_16 = arith.constant 256 : i32
    %add3A_17 = arith.addi %mul3A_15, %add3A_16 : i32
    "tpu.region"() ({
      %run_scoped3A = tpu.sem_alloc : memref<!tpu.dma_semaphore, #tpu.memory_space<semaphore_mem>>
      %dma_start3A_291 = arith.constant 0 : i32
      %dma_start3A_292 = tpu.memref_slice %arg13[%add3A_17, %dma_start3A_291] : memref<16384x16xf32, #tpu.memory_space<vmem_shared>> -> memref<128x16xf32, #tpu.memory_space<vmem_shared>>
      %dma_start3A_293 = arith.constant 0 : i32
      %dma_start3A_294 = tpu.memref_slice %arg13[%add3A_17, %dma_start3A_293] : memref<16384x16xf32, #tpu.memory_space<vmem_shared>> -> memref<128x16xf32, #tpu.memory_space<vmem_shared>>
      tpu.enqueue_dma source(%arg12 : memref<128x16xf32, #tpu.memory_space<vmem>>) target(%dma_start3A_294 : memref<128x16xf32, #tpu.memory_space<vmem_shared>>) target_semaphore(%run_scoped3A : memref<!tpu.dma_semaphore, #tpu.memory_space<semaphore_mem>>)
      %dma_wait3A_295 = arith.constant 0 : i32
      %dma_wait3A_296 = tpu.memref_slice %arg13[%add3A_17, %dma_wait3A_295] : memref<16384x16xf32, #tpu.memory_space<vmem_shared>> -> memref<128x16xf32, #tpu.memory_space<vmem_shared>>
      %dma_wait3A_297 = arith.constant 0 : i32
      %dma_wait3A_298 = tpu.memref_slice %arg13[%add3A_17, %dma_wait3A_297] : memref<16384x16xf32, #tpu.memory_space<vmem_shared>> -> memref<128x16xf32, #tpu.memory_space<vmem_shared>>
      tpu.wait_dma2 semaphore(%run_scoped3A : memref<!tpu.dma_semaphore, #tpu.memory_space<semaphore_mem>>) src(%arg12 : memref<128x16xf32, #tpu.memory_space<vmem>>) dst(%dma_wait3A_298 : memref<128x16xf32, #tpu.memory_space<vmem_shared>>)
      tpu.yield
    }) : () -> ()
    %mul3A_18 = arith.constant 1024 : i32
    %mul3A_19 = arith.muli %arg1, %mul3A_18 : i32
    %add3A_20 = arith.constant 384 : i32
    %add3A_21 = arith.addi %mul3A_19, %add3A_20 : i32
    "tpu.region"() ({
      %run_scoped3A = tpu.sem_alloc : memref<!tpu.dma_semaphore, #tpu.memory_space<semaphore_mem>>
      %dma_start3A_291 = arith.constant 0 : i32
      %dma_start3A_292 = tpu.memref_slice %arg13[%add3A_21, %dma_start3A_291] : memref<16384x16xf32, #tpu.memory_space<vmem_shared>> -> memref<128x16xf32, #tpu.memory_space<vmem_shared>>
      %dma_start3A_293 = arith.constant 0 : i32
      %dma_start3A_294 = tpu.memref_slice %arg13[%add3A_21, %dma_start3A_293] : memref<16384x16xf32, #tpu.memory_space<vmem_shared>> -> memref<128x16xf32, #tpu.memory_space<vmem_shared>>
      tpu.enqueue_dma source(%arg12 : memref<128x16xf32, #tpu.memory_space<vmem>>) target(%dma_start3A_294 : memref<128x16xf32, #tpu.memory_space<vmem_shared>>) target_semaphore(%run_scoped3A : memref<!tpu.dma_semaphore, #tpu.memory_space<semaphore_mem>>)
      %dma_wait3A_295 = arith.constant 0 : i32
      %dma_wait3A_296 = tpu.memref_slice %arg13[%add3A_21, %dma_wait3A_295] : memref<16384x16xf32, #tpu.memory_space<vmem_shared>> -> memref<128x16xf32, #tpu.memory_space<vmem_shared>>
      %dma_wait3A_297 = arith.constant 0 : i32
      %dma_wait3A_298 = tpu.memref_slice %arg13[%add3A_21, %dma_wait3A_297] : memref<16384x16xf32, #tpu.memory_space<vmem_shared>> -> memref<128x16xf32, #tpu.memory_space<vmem_shared>>
      tpu.wait_dma2 semaphore(%run_scoped3A : memref<!tpu.dma_semaphore, #tpu.memory_space<semaphore_mem>>) src(%arg12 : memref<128x16xf32, #tpu.memory_space<vmem>>) dst(%dma_wait3A_298 : memref<128x16xf32, #tpu.memory_space<vmem_shared>>)
      tpu.yield
    }) : () -> ()
    %mul3A_22 = arith.constant 1024 : i32
    %mul3A_23 = arith.muli %arg1, %mul3A_22 : i32
    %add3A_24 = arith.constant 512 : i32
    %add3A_25 = arith.addi %mul3A_23, %add3A_24 : i32
    "tpu.region"() ({
      %run_scoped3A = tpu.sem_alloc : memref<!tpu.dma_semaphore, #tpu.memory_space<semaphore_mem>>
      %dma_start3A_291 = arith.constant 0 : i32
      %dma_start3A_292 = tpu.memref_slice %arg13[%add3A_25, %dma_start3A_291] : memref<16384x16xf32, #tpu.memory_space<vmem_shared>> -> memref<128x16xf32, #tpu.memory_space<vmem_shared>>
      %dma_start3A_293 = arith.constant 0 : i32
      %dma_start3A_294 = tpu.memref_slice %arg13[%add3A_25, %dma_start3A_293] : memref<16384x16xf32, #tpu.memory_space<vmem_shared>> -> memref<128x16xf32, #tpu.memory_space<vmem_shared>>
      tpu.enqueue_dma source(%arg12 : memref<128x16xf32, #tpu.memory_space<vmem>>) target(%dma_start3A_294 : memref<128x16xf32, #tpu.memory_space<vmem_shared>>) target_semaphore(%run_scoped3A : memref<!tpu.dma_semaphore, #tpu.memory_space<semaphore_mem>>)
      %dma_wait3A_295 = arith.constant 0 : i32
      %dma_wait3A_296 = tpu.memref_slice %arg13[%add3A_25, %dma_wait3A_295] : memref<16384x16xf32, #tpu.memory_space<vmem_shared>> -> memref<128x16xf32, #tpu.memory_space<vmem_shared>>
      %dma_wait3A_297 = arith.constant 0 : i32
      %dma_wait3A_298 = tpu.memref_slice %arg13[%add3A_25, %dma_wait3A_297] : memref<16384x16xf32, #tpu.memory_space<vmem_shared>> -> memref<128x16xf32, #tpu.memory_space<vmem_shared>>
      tpu.wait_dma2 semaphore(%run_scoped3A : memref<!tpu.dma_semaphore, #tpu.memory_space<semaphore_mem>>) src(%arg12 : memref<128x16xf32, #tpu.memory_space<vmem>>) dst(%dma_wait3A_298 : memref<128x16xf32, #tpu.memory_space<vmem_shared>>)
      tpu.yield
    }) : () -> ()
    %mul3A_26 = arith.constant 1024 : i32
    %mul3A_27 = arith.muli %arg1, %mul3A_26 : i32
    %add3A_28 = arith.constant 640 : i32
    %add3A_29 = arith.addi %mul3A_27, %add3A_28 : i32
    "tpu.region"() ({
      %run_scoped3A = tpu.sem_alloc : memref<!tpu.dma_semaphore, #tpu.memory_space<semaphore_mem>>
      %dma_start3A_291 = arith.constant 0 : i32
      %dma_start3A_292 = tpu.memref_slice %arg13[%add3A_29, %dma_start3A_291] : memref<16384x16xf32, #tpu.memory_space<vmem_shared>> -> memref<128x16xf32, #tpu.memory_space<vmem_shared>>
      %dma_start3A_293 = arith.constant 0 : i32
      %dma_start3A_294 = tpu.memref_slice %arg13[%add3A_29, %dma_start3A_293] : memref<16384x16xf32, #tpu.memory_space<vmem_shared>> -> memref<128x16xf32, #tpu.memory_space<vmem_shared>>
      tpu.enqueue_dma source(%arg12 : memref<128x16xf32, #tpu.memory_space<vmem>>) target(%dma_start3A_294 : memref<128x16xf32, #tpu.memory_space<vmem_shared>>) target_semaphore(%run_scoped3A : memref<!tpu.dma_semaphore, #tpu.memory_space<semaphore_mem>>)
      %dma_wait3A_295 = arith.constant 0 : i32
      %dma_wait3A_296 = tpu.memref_slice %arg13[%add3A_29, %dma_wait3A_295] : memref<16384x16xf32, #tpu.memory_space<vmem_shared>> -> memref<128x16xf32, #tpu.memory_space<vmem_shared>>
      %dma_wait3A_297 = arith.constant 0 : i32
      %dma_wait3A_298 = tpu.memref_slice %arg13[%add3A_29, %dma_wait3A_297] : memref<16384x16xf32, #tpu.memory_space<vmem_shared>> -> memref<128x16xf32, #tpu.memory_space<vmem_shared>>
      tpu.wait_dma2 semaphore(%run_scoped3A : memref<!tpu.dma_semaphore, #tpu.memory_space<semaphore_mem>>) src(%arg12 : memref<128x16xf32, #tpu.memory_space<vmem>>) dst(%dma_wait3A_298 : memref<128x16xf32, #tpu.memory_space<vmem_shared>>)
      tpu.yield
    }) : () -> ()
    %mul3A_30 = arith.constant 1024 : i32
    %mul3A_31 = arith.muli %arg1, %mul3A_30 : i32
    %add3A_32 = arith.constant 768 : i32
    %add3A_33 = arith.addi %mul3A_31, %add3A_32 : i32
    "tpu.region"() ({
      %run_scoped3A = tpu.sem_alloc : memref<!tpu.dma_semaphore, #tpu.memory_space<semaphore_mem>>
      %dma_start3A_291 = arith.constant 0 : i32
      %dma_start3A_292 = tpu.memref_slice %arg13[%add3A_33, %dma_start3A_291] : memref<16384x16xf32, #tpu.memory_space<vmem_shared>> -> memref<128x16xf32, #tpu.memory_space<vmem_shared>>
      %dma_start3A_293 = arith.constant 0 : i32
      %dma_start3A_294 = tpu.memref_slice %arg13[%add3A_33, %dma_start3A_293] : memref<16384x16xf32, #tpu.memory_space<vmem_shared>> -> memref<128x16xf32, #tpu.memory_space<vmem_shared>>
      tpu.enqueue_dma source(%arg12 : memref<128x16xf32, #tpu.memory_space<vmem>>) target(%dma_start3A_294 : memref<128x16xf32, #tpu.memory_space<vmem_shared>>) target_semaphore(%run_scoped3A : memref<!tpu.dma_semaphore, #tpu.memory_space<semaphore_mem>>)
      %dma_wait3A_295 = arith.constant 0 : i32
      %dma_wait3A_296 = tpu.memref_slice %arg13[%add3A_33, %dma_wait3A_295] : memref<16384x16xf32, #tpu.memory_space<vmem_shared>> -> memref<128x16xf32, #tpu.memory_space<vmem_shared>>
      %dma_wait3A_297 = arith.constant 0 : i32
      %dma_wait3A_298 = tpu.memref_slice %arg13[%add3A_33, %dma_wait3A_297] : memref<16384x16xf32, #tpu.memory_space<vmem_shared>> -> memref<128x16xf32, #tpu.memory_space<vmem_shared>>
      tpu.wait_dma2 semaphore(%run_scoped3A : memref<!tpu.dma_semaphore, #tpu.memory_space<semaphore_mem>>) src(%arg12 : memref<128x16xf32, #tpu.memory_space<vmem>>) dst(%dma_wait3A_298 : memref<128x16xf32, #tpu.memory_space<vmem_shared>>)
      tpu.yield
    }) : () -> ()
    %mul3A_34 = arith.constant 1024 : i32
    %mul3A_35 = arith.muli %arg1, %mul3A_34 : i32
    %add3A_36 = arith.constant 896 : i32
    %add3A_37 = arith.addi %mul3A_35, %add3A_36 : i32
    "tpu.region"() ({
      %run_scoped3A = tpu.sem_alloc : memref<!tpu.dma_semaphore, #tpu.memory_space<semaphore_mem>>
      %dma_start3A_291 = arith.constant 0 : i32
      %dma_start3A_292 = tpu.memref_slice %arg13[%add3A_37, %dma_start3A_291] : memref<16384x16xf32, #tpu.memory_space<vmem_shared>> -> memref<128x16xf32, #tpu.memory_space<vmem_shared>>
      %dma_start3A_293 = arith.constant 0 : i32
      %dma_start3A_294 = tpu.memref_slice %arg13[%add3A_37, %dma_start3A_293] : memref<16384x16xf32, #tpu.memory_space<vmem_shared>> -> memref<128x16xf32, #tpu.memory_space<vmem_shared>>
      tpu.enqueue_dma source(%arg12 : memref<128x16xf32, #tpu.memory_space<vmem>>) target(%dma_start3A_294 : memref<128x16xf32, #tpu.memory_space<vmem_shared>>) target_semaphore(%run_scoped3A : memref<!tpu.dma_semaphore, #tpu.memory_space<semaphore_mem>>)
      %dma_wait3A_295 = arith.constant 0 : i32
      %dma_wait3A_296 = tpu.memref_slice %arg13[%add3A_37, %dma_wait3A_295] : memref<16384x16xf32, #tpu.memory_space<vmem_shared>> -> memref<128x16xf32, #tpu.memory_space<vmem_shared>>
      %dma_wait3A_297 = arith.constant 0 : i32
      %dma_wait3A_298 = tpu.memref_slice %arg13[%add3A_37, %dma_wait3A_297] : memref<16384x16xf32, #tpu.memory_space<vmem_shared>> -> memref<128x16xf32, #tpu.memory_space<vmem_shared>>
      tpu.wait_dma2 semaphore(%run_scoped3A : memref<!tpu.dma_semaphore, #tpu.memory_space<semaphore_mem>>) src(%arg12 : memref<128x16xf32, #tpu.memory_space<vmem>>) dst(%dma_wait3A_298 : memref<128x16xf32, #tpu.memory_space<vmem_shared>>)
      tpu.yield
    }) : () -> ()
    %barrier3A = arith.constant 0 : index
    tpu.barrier barrier_id(%barrier3A)
    %mul3A_38 = arith.constant 51200 : i32
    %mul3A_39 = arith.muli %add3A, %mul3A_38 : i32
    %add3A_40 = arith.constant 0 : i32
    %add3A_41 = arith.addi %mul3A_39, %add3A_40 : i32
    %dma_start3A = tpu.memref_slice %arg2[%add3A_41] : memref<1638400xi32, #tpu.memory_space<hbm>> -> memref<2560xi32, #tpu.memory_space<hbm>>
    %dma_start3A_42 = tpu.memref_slice %arg2[%add3A_41] : memref<1638400xi32, #tpu.memory_space<hbm>> -> memref<2560xi32, #tpu.memory_space<hbm>>
    tpu.enqueue_dma source(%dma_start3A_42 : memref<2560xi32, #tpu.memory_space<hbm>>) target(%arg6 : memref<2560xi32, #tpu.memory_space<vmem>>) target_semaphore(%arg17 : memref<!tpu.dma_semaphore, #tpu.memory_space<semaphore_mem>>)
    %jit3A = arith.constant 128 : i32
    %div3A = arith.divsi %add3A_41, %jit3A : i32
    %sign3A = arith.constant 0 : i32
    %sign3A_43 = arith.cmpi sgt, %add3A_41, %sign3A : i32
    %sign3A_44 = arith.extui %sign3A_43 : i1 to i32
    %sign3A_45 = arith.constant 0 : i32
    %sign3A_46 = arith.cmpi slt, %add3A_41, %sign3A_45 : i32
    %sign3A_47 = arith.extui %sign3A_46 : i1 to i32
    %sign3A_48 = arith.subi %sign3A_44, %sign3A_47 : i32
    %sign3A_49 = arith.constant 0 : i32
    %sign3A_50 = arith.cmpi sgt, %jit3A, %sign3A_49 : i32
    %sign3A_51 = arith.extui %sign3A_50 : i1 to i32
    %sign3A_52 = arith.constant 0 : i32
    %sign3A_53 = arith.cmpi slt, %jit3A, %sign3A_52 : i32
    %sign3A_54 = arith.extui %sign3A_53 : i1 to i32
    %sign3A_55 = arith.subi %sign3A_51, %sign3A_54 : i32
    %ne3A = arith.cmpi ne, %sign3A_48, %sign3A_55 : i32
    %rem3A = arith.remsi %add3A_41, %jit3A : i32
    %ne3A_56 = arith.constant 0 : i32
    %ne3A_57 = arith.cmpi ne, %rem3A, %ne3A_56 : i32
    %and3A = arith.andi %ne3A, %ne3A_57 : i1
    %sub3A = arith.constant 1 : i32
    %sub3A_58 = arith.subi %div3A, %sub3A : i32
    %select_n3A = arith.select %and3A, %sub3A_58, %div3A : i32
    %dma_start3A_59 = arith.constant 0 : i32
    %dma_start3A_60 = tpu.memref_slice %arg3[%select_n3A, %dma_start3A_59] : memref<12800x128xi32, #tpu.memory_space<hbm>> -> memref<20x128xi32, #tpu.memory_space<hbm>>
    %dma_start3A_61 = arith.constant 0 : i32
    %dma_start3A_62 = tpu.memref_slice %arg3[%select_n3A, %dma_start3A_61] : memref<12800x128xi32, #tpu.memory_space<hbm>> -> memref<20x128xi32, #tpu.memory_space<hbm>>
    tpu.enqueue_dma source(%dma_start3A_62 : memref<20x128xi32, #tpu.memory_space<hbm>>) target(%arg8 : memref<20x128xi32, #tpu.memory_space<vmem>>) target_semaphore(%arg17 : memref<!tpu.dma_semaphore, #tpu.memory_space<semaphore_mem>>)
    %dma_wait3A = tpu.memref_slice %arg2[%add3A_41] : memref<1638400xi32, #tpu.memory_space<hbm>> -> memref<2560xi32, #tpu.memory_space<hbm>>
    %dma_wait3A_63 = tpu.memref_slice %arg2[%add3A_41] : memref<1638400xi32, #tpu.memory_space<hbm>> -> memref<2560xi32, #tpu.memory_space<hbm>>
    tpu.wait_dma2 semaphore(%arg17 : memref<!tpu.dma_semaphore, #tpu.memory_space<semaphore_mem>>) src(%dma_wait3A_63 : memref<2560xi32, #tpu.memory_space<hbm>>) dst(%arg6 : memref<2560xi32, #tpu.memory_space<vmem>>)
    %dma_wait3A_64 = arith.constant 0 : i32
    %dma_wait3A_65 = tpu.memref_slice %arg3[%select_n3A, %dma_wait3A_64] : memref<12800x128xi32, #tpu.memory_space<hbm>> -> memref<20x128xi32, #tpu.memory_space<hbm>>
    %dma_wait3A_66 = arith.constant 0 : i32
    %dma_wait3A_67 = tpu.memref_slice %arg3[%select_n3A, %dma_wait3A_66] : memref<12800x128xi32, #tpu.memory_space<hbm>> -> memref<20x128xi32, #tpu.memory_space<hbm>>
    tpu.wait_dma2 semaphore(%arg17 : memref<!tpu.dma_semaphore, #tpu.memory_space<semaphore_mem>>) src(%dma_wait3A_67 : memref<20x128xi32, #tpu.memory_space<hbm>>) dst(%arg8 : memref<20x128xi32, #tpu.memory_space<vmem>>)
    %scan3A_68 = arith.constant 0 : i32
    %scan3A_69 = arith.constant 0 : i32
    %scan3A_70 = arith.constant 160 : i32
    %scan3A_71 = arith.addi %scan3A_69, %scan3A_70 : i32
    %scan3A_72 = arith.constant 8 : i32
    scf.for %scan3A_291 = %scan3A_69 to %scan3A_71 step %scan3A_72  : i32 {
      %mul3A_292 = arith.constant 16 : i32
      %mul3A_293 = arith.muli %scan3A_291, %mul3A_292 : i32
      %get3A = arith.index_cast %mul3A_293 : i32 to index
      %get3A_294 = tpu.vector_load %arg6[%get3A] {strides = array<i32>} : memref<2560xi32, #tpu.memory_space<vmem>>, vector<16xi32>,
      %get3A_295 = vector.shape_cast %get3A_294 : vector<16xi32> to vector<16xi32>
      %and3A_296 = arith.constant -16384 : i32
      %and3A_297 = vector.broadcast %and3A_296 : i32 to vector<16xi32>
      %and3A_298 = arith.andi %get3A_295, %and3A_297 : vector<16xi32>
      %and3A_299 = arith.constant 2047 : i32
      %and3A_300 = vector.broadcast %and3A_299 : i32 to vector<16xi32>
      %and3A_301 = arith.andi %get3A_295, %and3A_300 : vector<16xi32>
      %shift_left3A = arith.constant 3 : i32
      %shift_left3A_302 = vector.broadcast %shift_left3A : i32 to vector<16xi32>
      %shift_left3A_303 = arith.shli %and3A_301, %shift_left3A_302 : vector<16xi32>
      %or3A = arith.ori %and3A_298, %shift_left3A_303 : vector<16xi32>
      %shift_right_arithmetic3A = arith.constant 11 : i32
      %shift_right_arithmetic3A_304 = vector.broadcast %shift_right_arithmetic3A : i32 to vector<16xi32>
      %shift_right_arithmetic3A_305 = arith.shrsi %get3A_295, %shift_right_arithmetic3A_304 : vector<16xi32>
      %and3A_306 = arith.constant 7 : i32
      %and3A_307 = vector.broadcast %and3A_306 : i32 to vector<16xi32>
      %and3A_308 = arith.andi %shift_right_arithmetic3A_305, %and3A_307 : vector<16xi32>
      %or3A_309 = arith.ori %or3A, %and3A_308 : vector<16xi32>
      %mul3A_310 = arith.constant 16 : i32
      %mul3A_311 = arith.muli %scan3A_291, %mul3A_310 : i32
      %swap3A = arith.index_cast %mul3A_311 : i32 to index
      %swap3A_312 = tpu.vector_load %arg6[%swap3A] {strides = array<i32>} : memref<2560xi32, #tpu.memory_space<vmem>>, vector<16xi32>,
      %swap3A_313 = vector.shape_cast %swap3A_312 : vector<16xi32> to vector<16xi32>
      %swap3A_314 = vector.shape_cast %or3A_309 : vector<16xi32> to vector<16xi32>
      tpu.vector_store %arg6[%swap3A], %swap3A_314 {strides = array<i32>} : memref<2560xi32, #tpu.memory_space<vmem>>, vector<16xi32>,
      %scan3A_315 = arith.constant 1 : i32
      %scan3A_316 = arith.addi %scan3A_291, %scan3A_315 : i32
      %mul3A_317 = arith.constant 16 : i32
      %mul3A_318 = arith.muli %scan3A_316, %mul3A_317 : i32
      %get3A_319 = arith.index_cast %mul3A_318 : i32 to index
      %get3A_320 = tpu.vector_load %arg6[%get3A_319] {strides = array<i32>} : memref<2560xi32, #tpu.memory_space<vmem>>, vector<16xi32>,
      %get3A_321 = vector.shape_cast %get3A_320 : vector<16xi32> to vector<16xi32>
      %and3A_322 = arith.constant -16384 : i32
      %and3A_323 = vector.broadcast %and3A_322 : i32 to vector<16xi32>
      %and3A_324 = arith.andi %get3A_321, %and3A_323 : vector<16xi32>
      %and3A_325 = arith.constant 2047 : i32
      %and3A_326 = vector.broadcast %and3A_325 : i32 to vector<16xi32>
      %and3A_327 = arith.andi %get3A_321, %and3A_326 : vector<16xi32>
      %shift_left3A_328 = arith.constant 3 : i32
      %shift_left3A_329 = vector.broadcast %shift_left3A_328 : i32 to vector<16xi32>
      %shift_left3A_330 = arith.shli %and3A_327, %shift_left3A_329 : vector<16xi32>
      %or3A_331 = arith.ori %and3A_324, %shift_left3A_330 : vector<16xi32>
      %shift_right_arithmetic3A_332 = arith.constant 11 : i32
      %shift_right_arithmetic3A_333 = vector.broadcast %shift_right_arithmetic3A_332 : i32 to vector<16xi32>
      %shift_right_arithmetic3A_334 = arith.shrsi %get3A_321, %shift_right_arithmetic3A_333 : vector<16xi32>
      %and3A_335 = arith.constant 7 : i32
      %and3A_336 = vector.broadcast %and3A_335 : i32 to vector<16xi32>
      %and3A_337 = arith.andi %shift_right_arithmetic3A_334, %and3A_336 : vector<16xi32>
      %or3A_338 = arith.ori %or3A_331, %and3A_337 : vector<16xi32>
      %mul3A_339 = arith.constant 16 : i32
      %mul3A_340 = arith.muli %scan3A_316, %mul3A_339 : i32
      %swap3A_341 = arith.index_cast %mul3A_340 : i32 to index
      %swap3A_342 = tpu.vector_load %arg6[%swap3A_341] {strides = array<i32>} : memref<2560xi32, #tpu.memory_space<vmem>>, vector<16xi32>,
      %swap3A_343 = vector.shape_cast %swap3A_342 : vector<16xi32> to vector<16xi32>
      %swap3A_344 = vector.shape_cast %or3A_338 : vector<16xi32> to vector<16xi32>
      tpu.vector_store %arg6[%swap3A_341], %swap3A_344 {strides = array<i32>} : memref<2560xi32, #tpu.memory_space<vmem>>, vector<16xi32>,
      %scan3A_345 = arith.constant 2 : i32
      %scan3A_346 = arith.addi %scan3A_291, %scan3A_345 : i32
      %mul3A_347 = arith.constant 16 : i32
      %mul3A_348 = arith.muli %scan3A_346, %mul3A_347 : i32
      %get3A_349 = arith.index_cast %mul3A_348 : i32 to index
      %get3A_350 = tpu.vector_load %arg6[%get3A_349] {strides = array<i32>} : memref<2560xi32, #tpu.memory_space<vmem>>, vector<16xi32>,
      %get3A_351 = vector.shape_cast %get3A_350 : vector<16xi32> to vector<16xi32>
      %and3A_352 = arith.constant -16384 : i32
      %and3A_353 = vector.broadcast %and3A_352 : i32 to vector<16xi32>
      %and3A_354 = arith.andi %get3A_351, %and3A_353 : vector<16xi32>
      %and3A_355 = arith.constant 2047 : i32
      %and3A_356 = vector.broadcast %and3A_355 : i32 to vector<16xi32>
      %and3A_357 = arith.andi %get3A_351, %and3A_356 : vector<16xi32>
      %shift_left3A_358 = arith.constant 3 : i32
      %shift_left3A_359 = vector.broadcast %shift_left3A_358 : i32 to vector<16xi32>
      %shift_left3A_360 = arith.shli %and3A_357, %shift_left3A_359 : vector<16xi32>
      %or3A_361 = arith.ori %and3A_354, %shift_left3A_360 : vector<16xi32>
      %shift_right_arithmetic3A_362 = arith.constant 11 : i32
      %shift_right_arithmetic3A_363 = vector.broadcast %shift_right_arithmetic3A_362 : i32 to vector<16xi32>
      %shift_right_arithmetic3A_364 = arith.shrsi %get3A_351, %shift_right_arithmetic3A_363 : vector<16xi32>
      %and3A_365 = arith.constant 7 : i32
      %and3A_366 = vector.broadcast %and3A_365 : i32 to vector<16xi32>
      %and3A_367 = arith.andi %shift_right_arithmetic3A_364, %and3A_366 : vector<16xi32>
      %or3A_368 = arith.ori %or3A_361, %and3A_367 : vector<16xi32>
      %mul3A_369 = arith.constant 16 : i32
      %mul3A_370 = arith.muli %scan3A_346, %mul3A_369 : i32
      %swap3A_371 = arith.index_cast %mul3A_370 : i32 to index
      %swap3A_372 = tpu.vector_load %arg6[%swap3A_371] {strides = array<i32>} : memref<2560xi32, #tpu.memory_space<vmem>>, vector<16xi32>,
      %swap3A_373 = vector.shape_cast %swap3A_372 : vector<16xi32> to vector<16xi32>
      %swap3A_374 = vector.shape_cast %or3A_368 : vector<16xi32> to vector<16xi32>
      tpu.vector_store %arg6[%swap3A_371], %swap3A_374 {strides = array<i32>} : memref<2560xi32, #tpu.memory_space<vmem>>, vector<16xi32>,
      %scan3A_375 = arith.constant 3 : i32
      %scan3A_376 = arith.addi %scan3A_291, %scan3A_375 : i32
      %mul3A_377 = arith.constant 16 : i32
      %mul3A_378 = arith.muli %scan3A_376, %mul3A_377 : i32
      %get3A_379 = arith.index_cast %mul3A_378 : i32 to index
      %get3A_380 = tpu.vector_load %arg6[%get3A_379] {strides = array<i32>} : memref<2560xi32, #tpu.memory_space<vmem>>, vector<16xi32>,
      %get3A_381 = vector.shape_cast %get3A_380 : vector<16xi32> to vector<16xi32>
      %and3A_382 = arith.constant -16384 : i32
      %and3A_383 = vector.broadcast %and3A_382 : i32 to vector<16xi32>
      %and3A_384 = arith.andi %get3A_381, %and3A_383 : vector<16xi32>
      %and3A_385 = arith.constant 2047 : i32
      %and3A_386 = vector.broadcast %and3A_385 : i32 to vector<16xi32>
      %and3A_387 = arith.andi %get3A_381, %and3A_386 : vector<16xi32>
      %shift_left3A_388 = arith.constant 3 : i32
      %shift_left3A_389 = vector.broadcast %shift_left3A_388 : i32 to vector<16xi32>
      %shift_left3A_390 = arith.shli %and3A_387, %shift_left3A_389 : vector<16xi32>
      %or3A_391 = arith.ori %and3A_384, %shift_left3A_390 : vector<16xi32>
      %shift_right_arithmetic3A_392 = arith.constant 11 : i32
      %shift_right_arithmetic3A_393 = vector.broadcast %shift_right_arithmetic3A_392 : i32 to vector<16xi32>
      %shift_right_arithmetic3A_394 = arith.shrsi %get3A_381, %shift_right_arithmetic3A_393 : vector<16xi32>
      %and3A_395 = arith.constant 7 : i32
      %and3A_396 = vector.broadcast %and3A_395 : i32 to vector<16xi32>
      %and3A_397 = arith.andi %shift_right_arithmetic3A_394, %and3A_396 : vector<16xi32>
      %or3A_398 = arith.ori %or3A_391, %and3A_397 : vector<16xi32>
      %mul3A_399 = arith.constant 16 : i32
      %mul3A_400 = arith.muli %scan3A_376, %mul3A_399 : i32
      %swap3A_401 = arith.index_cast %mul3A_400 : i32 to index
      %swap3A_402 = tpu.vector_load %arg6[%swap3A_401] {strides = array<i32>} : memref<2560xi32, #tpu.memory_space<vmem>>, vector<16xi32>,
      %swap3A_403 = vector.shape_cast %swap3A_402 : vector<16xi32> to vector<16xi32>
      %swap3A_404 = vector.shape_cast %or3A_398 : vector<16xi32> to vector<16xi32>
      tpu.vector_store %arg6[%swap3A_401], %swap3A_404 {strides = array<i32>} : memref<2560xi32, #tpu.memory_space<vmem>>, vector<16xi32>,
      %scan3A_405 = arith.constant 4 : i32
      %scan3A_406 = arith.addi %scan3A_291, %scan3A_405 : i32
      %mul3A_407 = arith.constant 16 : i32
      %mul3A_408 = arith.muli %scan3A_406, %mul3A_407 : i32
      %get3A_409 = arith.index_cast %mul3A_408 : i32 to index
      %get3A_410 = tpu.vector_load %arg6[%get3A_409] {strides = array<i32>} : memref<2560xi32, #tpu.memory_space<vmem>>, vector<16xi32>,
      %get3A_411 = vector.shape_cast %get3A_410 : vector<16xi32> to vector<16xi32>
      %and3A_412 = arith.constant -16384 : i32
      %and3A_413 = vector.broadcast %and3A_412 : i32 to vector<16xi32>
      %and3A_414 = arith.andi %get3A_411, %and3A_413 : vector<16xi32>
      %and3A_415 = arith.constant 2047 : i32
      %and3A_416 = vector.broadcast %and3A_415 : i32 to vector<16xi32>
      %and3A_417 = arith.andi %get3A_411, %and3A_416 : vector<16xi32>
      %shift_left3A_418 = arith.constant 3 : i32
      %shift_left3A_419 = vector.broadcast %shift_left3A_418 : i32 to vector<16xi32>
      %shift_left3A_420 = arith.shli %and3A_417, %shift_left3A_419 : vector<16xi32>
      %or3A_421 = arith.ori %and3A_414, %shift_left3A_420 : vector<16xi32>
      %shift_right_arithmetic3A_422 = arith.constant 11 : i32
      %shift_right_arithmetic3A_423 = vector.broadcast %shift_right_arithmetic3A_422 : i32 to vector<16xi32>
      %shift_right_arithmetic3A_424 = arith.shrsi %get3A_411, %shift_right_arithmetic3A_423 : vector<16xi32>
      %and3A_425 = arith.constant 7 : i32
      %and3A_426 = vector.broadcast %and3A_425 : i32 to vector<16xi32>
      %and3A_427 = arith.andi %shift_right_arithmetic3A_424, %and3A_426 : vector<16xi32>
      %or3A_428 = arith.ori %or3A_421, %and3A_427 : vector<16xi32>
      %mul3A_429 = arith.constant 16 : i32
      %mul3A_430 = arith.muli %scan3A_406, %mul3A_429 : i32
      %swap3A_431 = arith.index_cast %mul3A_430 : i32 to index
      %swap3A_432 = tpu.vector_load %arg6[%swap3A_431] {strides = array<i32>} : memref<2560xi32, #tpu.memory_space<vmem>>, vector<16xi32>,
      %swap3A_433 = vector.shape_cast %swap3A_432 : vector<16xi32> to vector<16xi32>
      %swap3A_434 = vector.shape_cast %or3A_428 : vector<16xi32> to vector<16xi32>
      tpu.vector_store %arg6[%swap3A_431], %swap3A_434 {strides = array<i32>} : memref<2560xi32, #tpu.memory_space<vmem>>, vector<16xi32>,
      %scan3A_435 = arith.constant 5 : i32
      %scan3A_436 = arith.addi %scan3A_291, %scan3A_435 : i32
      %mul3A_437 = arith.constant 16 : i32
      %mul3A_438 = arith.muli %scan3A_436, %mul3A_437 : i32
      %get3A_439 = arith.index_cast %mul3A_438 : i32 to index
      %get3A_440 = tpu.vector_load %arg6[%get3A_439] {strides = array<i32>} : memref<2560xi32, #tpu.memory_space<vmem>>, vector<16xi32>,
      %get3A_441 = vector.shape_cast %get3A_440 : vector<16xi32> to vector<16xi32>
      %and3A_442 = arith.constant -16384 : i32
      %and3A_443 = vector.broadcast %and3A_442 : i32 to vector<16xi32>
      %and3A_444 = arith.andi %get3A_441, %and3A_443 : vector<16xi32>
      %and3A_445 = arith.constant 2047 : i32
      %and3A_446 = vector.broadcast %and3A_445 : i32 to vector<16xi32>
      %and3A_447 = arith.andi %get3A_441, %and3A_446 : vector<16xi32>
      %shift_left3A_448 = arith.constant 3 : i32
      %shift_left3A_449 = vector.broadcast %shift_left3A_448 : i32 to vector<16xi32>
      %shift_left3A_450 = arith.shli %and3A_447, %shift_left3A_449 : vector<16xi32>
      %or3A_451 = arith.ori %and3A_444, %shift_left3A_450 : vector<16xi32>
      %shift_right_arithmetic3A_452 = arith.constant 11 : i32
      %shift_right_arithmetic3A_453 = vector.broadcast %shift_right_arithmetic3A_452 : i32 to vector<16xi32>
      %shift_right_arithmetic3A_454 = arith.shrsi %get3A_441, %shift_right_arithmetic3A_453 : vector<16xi32>
      %and3A_455 = arith.constant 7 : i32
      %and3A_456 = vector.broadcast %and3A_455 : i32 to vector<16xi32>
      %and3A_457 = arith.andi %shift_right_arithmetic3A_454, %and3A_456 : vector<16xi32>
      %or3A_458 = arith.ori %or3A_451, %and3A_457 : vector<16xi32>
      %mul3A_459 = arith.constant 16 : i32
      %mul3A_460 = arith.muli %scan3A_436, %mul3A_459 : i32
      %swap3A_461 = arith.index_cast %mul3A_460 : i32 to index
      %swap3A_462 = tpu.vector_load %arg6[%swap3A_461] {strides = array<i32>} : memref<2560xi32, #tpu.memory_space<vmem>>, vector<16xi32>,
      %swap3A_463 = vector.shape_cast %swap3A_462 : vector<16xi32> to vector<16xi32>
      %swap3A_464 = vector.shape_cast %or3A_458 : vector<16xi32> to vector<16xi32>
      tpu.vector_store %arg6[%swap3A_461], %swap3A_464 {strides = array<i32>} : memref<2560xi32, #tpu.memory_space<vmem>>, vector<16xi32>,
      %scan3A_465 = arith.constant 6 : i32
      %scan3A_466 = arith.addi %scan3A_291, %scan3A_465 : i32
      %mul3A_467 = arith.constant 16 : i32
      %mul3A_468 = arith.muli %scan3A_466, %mul3A_467 : i32
      %get3A_469 = arith.index_cast %mul3A_468 : i32 to index
      %get3A_470 = tpu.vector_load %arg6[%get3A_469] {strides = array<i32>} : memref<2560xi32, #tpu.memory_space<vmem>>, vector<16xi32>,
      %get3A_471 = vector.shape_cast %get3A_470 : vector<16xi32> to vector<16xi32>
      %and3A_472 = arith.constant -16384 : i32
      %and3A_473 = vector.broadcast %and3A_472 : i32 to vector<16xi32>
      %and3A_474 = arith.andi %get3A_471, %and3A_473 : vector<16xi32>
      %and3A_475 = arith.constant 2047 : i32
      %and3A_476 = vector.broadcast %and3A_475 : i32 to vector<16xi32>
      %and3A_477 = arith.andi %get3A_471, %and3A_476 : vector<16xi32>
      %shift_left3A_478 = arith.constant 3 : i32
      %shift_left3A_479 = vector.broadcast %shift_left3A_478 : i32 to vector<16xi32>
      %shift_left3A_480 = arith.shli %and3A_477, %shift_left3A_479 : vector<16xi32>
      %or3A_481 = arith.ori %and3A_474, %shift_left3A_480 : vector<16xi32>
      %shift_right_arithmetic3A_482 = arith.constant 11 : i32
      %shift_right_arithmetic3A_483 = vector.broadcast %shift_right_arithmetic3A_482 : i32 to vector<16xi32>
      %shift_right_arithmetic3A_484 = arith.shrsi %get3A_471, %shift_right_arithmetic3A_483 : vector<16xi32>
      %and3A_485 = arith.constant 7 : i32
      %and3A_486 = vector.broadcast %and3A_485 : i32 to vector<16xi32>
      %and3A_487 = arith.andi %shift_right_arithmetic3A_484, %and3A_486 : vector<16xi32>
      %or3A_488 = arith.ori %or3A_481, %and3A_487 : vector<16xi32>
      %mul3A_489 = arith.constant 16 : i32
      %mul3A_490 = arith.muli %scan3A_466, %mul3A_489 : i32
      %swap3A_491 = arith.index_cast %mul3A_490 : i32 to index
      %swap3A_492 = tpu.vector_load %arg6[%swap3A_491] {strides = array<i32>} : memref<2560xi32, #tpu.memory_space<vmem>>, vector<16xi32>,
      %swap3A_493 = vector.shape_cast %swap3A_492 : vector<16xi32> to vector<16xi32>
      %swap3A_494 = vector.shape_cast %or3A_488 : vector<16xi32> to vector<16xi32>
      tpu.vector_store %arg6[%swap3A_491], %swap3A_494 {strides = array<i32>} : memref<2560xi32, #tpu.memory_space<vmem>>, vector<16xi32>,
      %scan3A_495 = arith.constant 7 : i32
      %scan3A_496 = arith.addi %scan3A_291, %scan3A_495 : i32
      %mul3A_497 = arith.constant 16 : i32
      %mul3A_498 = arith.muli %scan3A_496, %mul3A_497 : i32
      %get3A_499 = arith.index_cast %mul3A_498 : i32 to index
      %get3A_500 = tpu.vector_load %arg6[%get3A_499] {strides = array<i32>} : memref<2560xi32, #tpu.memory_space<vmem>>, vector<16xi32>,
      %get3A_501 = vector.shape_cast %get3A_500 : vector<16xi32> to vector<16xi32>
      %and3A_502 = arith.constant -16384 : i32
      %and3A_503 = vector.broadcast %and3A_502 : i32 to vector<16xi32>
      %and3A_504 = arith.andi %get3A_501, %and3A_503 : vector<16xi32>
      %and3A_505 = arith.constant 2047 : i32
      %and3A_506 = vector.broadcast %and3A_505 : i32 to vector<16xi32>
      %and3A_507 = arith.andi %get3A_501, %and3A_506 : vector<16xi32>
      %shift_left3A_508 = arith.constant 3 : i32
      %shift_left3A_509 = vector.broadcast %shift_left3A_508 : i32 to vector<16xi32>
      %shift_left3A_510 = arith.shli %and3A_507, %shift_left3A_509 : vector<16xi32>
      %or3A_511 = arith.ori %and3A_504, %shift_left3A_510 : vector<16xi32>
      %shift_right_arithmetic3A_512 = arith.constant 11 : i32
      %shift_right_arithmetic3A_513 = vector.broadcast %shift_right_arithmetic3A_512 : i32 to vector<16xi32>
      %shift_right_arithmetic3A_514 = arith.shrsi %get3A_501, %shift_right_arithmetic3A_513 : vector<16xi32>
      %and3A_515 = arith.constant 7 : i32
      %and3A_516 = vector.broadcast %and3A_515 : i32 to vector<16xi32>
      %and3A_517 = arith.andi %shift_right_arithmetic3A_514, %and3A_516 : vector<16xi32>
      %or3A_518 = arith.ori %or3A_511, %and3A_517 : vector<16xi32>
      %mul3A_519 = arith.constant 16 : i32
      %mul3A_520 = arith.muli %scan3A_496, %mul3A_519 : i32
      %swap3A_521 = arith.index_cast %mul3A_520 : i32 to index
      %swap3A_522 = tpu.vector_load %arg6[%swap3A_521] {strides = array<i32>} : memref<2560xi32, #tpu.memory_space<vmem>>, vector<16xi32>,
      %swap3A_523 = vector.shape_cast %swap3A_522 : vector<16xi32> to vector<16xi32>
      %swap3A_524 = vector.shape_cast %or3A_518 : vector<16xi32> to vector<16xi32>
      tpu.vector_store %arg6[%swap3A_521], %swap3A_524 {strides = array<i32>} : memref<2560xi32, #tpu.memory_space<vmem>>, vector<16xi32>,
    }
    %scan3A_73 = arith.constant 160 : i32
    %dma_start3A_74 = arith.constant 0 : i32
    %dma_start3A_75 = arith.constant 0 : i32
    %dma_start3A_76 = tpu.memref_slice %arg4[%dma_start3A_74, %dma_start3A_75] : memref<1015808x16xf32, #tpu.memory_space<hbm>> -> memref<1015808x16xf32, #tpu.memory_space<hbm>>
    tpu.enqueue_indirect_dma source(%dma_start3A_76 : memref<1015808x16xf32, #tpu.memory_space<hbm>>) target(%arg10 : memref<2560x16xf32, #tpu.memory_space<vmem>>) offsets(%arg6 : memref<2560xi32, #tpu.memory_space<vmem>>) semaphore(%arg14 : memref<!tpu.dma_semaphore, #tpu.memory_space<semaphore_mem>>)
    %scan3A_77 = arith.constant 0 : i32
    %scan3A_78 = arith.constant 0 : i32
    %scan3A_79 = arith.constant 20 : i32
    %scan3A_80 = arith.addi %scan3A_78, %scan3A_79 : i32
    %scan3A_81 = arith.constant 1 : i32
    scf.for %scan3A_291 = %scan3A_78 to %scan3A_80 step %scan3A_81  : i32 {
      %jit3A_292 = arith.constant 2 : i32
      %eq3A = arith.constant 0 : i32
      %eq3A_293 = arith.cmpi eq, %jit3A_292, %eq3A : i32
      %jit3A_294 = arith.constant 1 : i32
      %select_n3A_295 = arith.select %eq3A_293, %jit3A_294, %jit3A_292 : i32
      %rem3A_296 = arith.remsi %scan3A_291, %select_n3A_295 : i32
      %ne3A_297 = arith.constant 0 : i32
      %ne3A_298 = arith.cmpi ne, %rem3A_296, %ne3A_297 : i32
      %lt3A = arith.constant 0 : i32
      %lt3A_299 = arith.cmpi slt, %rem3A_296, %lt3A : i32
      %lt3A_300 = arith.constant 0 : i32
      %lt3A_301 = arith.cmpi slt, %select_n3A_295, %lt3A_300 : i32
      %ne3A_302 = arith.xori %lt3A_299, %lt3A_301 : i1
      %and3A_303 = arith.andi %ne3A_302, %ne3A_298 : i1
      %add3A_304 = arith.addi %rem3A_296, %select_n3A_295 : i32
      %select_n3A_305 = arith.select %and3A_303, %add3A_304, %rem3A_296 : i32
      %eq3A_306 = arith.constant 0 : i32
      %eq3A_307 = arith.cmpi eq, %select_n3A_305, %eq3A_306 : i32
      %convert_element_type3A = arith.extui %eq3A_307 : i1 to i32
      %cond3A = arith.constant 0 : i32
      %cond3A_308 = arith.cmpi ne, %convert_element_type3A, %cond3A : i32
      scf.if %cond3A_308 {
        %gt3A = arith.constant 0 : i32
        %gt3A_330 = arith.cmpi sgt, %scan3A_291, %gt3A : i32
        %convert_element_type3A_331 = arith.extui %gt3A_330 : i1 to i32
        %cond3A_332 = arith.constant 0 : i32
        %cond3A_333 = arith.cmpi ne, %convert_element_type3A_331, %cond3A_332 : i32
        scf.if %cond3A_333 {
          %dma_wait3A_551 = arith.constant 0 : i32
          %dma_wait3A_552 = arith.constant 0 : i32
          %dma_wait3A_553 = arith.constant 0 : i32
          %dma_wait3A_554 = tpu.memref_slice %arg11[%dma_wait3A_552, %dma_wait3A_553] : memref<2560x16xf32, #tpu.memory_space<vmem>> -> memref<128x16xf32, #tpu.memory_space<vmem>>
          %dma_wait3A_555 = arith.constant 0 : i32
          %dma_wait3A_556 = tpu.memref_slice %arg9[%dma_wait3A_551, %dma_wait3A_555] : memref<20x128xi32, #tpu.memory_space<vmem>> -> memref<1x128xi32, #tpu.memory_space<vmem>>
          %dma_wait3A_557 = tpu.memref_squeeze %dma_wait3A_556 : memref<1x128xi32, #tpu.memory_space<vmem>> -> memref<128xi32, #tpu.memory_space<vmem>>
          %dma_wait3A_558 = arith.constant 0 : i32
          %dma_wait3A_559 = arith.constant 0 : i32
          %dma_wait3A_560 = tpu.memref_slice %arg13[%dma_wait3A_558, %dma_wait3A_559] : memref<16384x16xf32, #tpu.memory_space<vmem_shared>> -> memref<16384x16xf32, #tpu.memory_space<vmem_shared>>
          tpu.wait_indirect_dma semaphore(%arg16 : memref<!tpu.dma_semaphore, #tpu.memory_space<semaphore_mem>>) src(%dma_wait3A_554 : memref<128x16xf32, #tpu.memory_space<vmem>>) dst(%dma_wait3A_560 : memref<16384x16xf32, #tpu.memory_space<vmem_shared>>)
          %dma_wait3A_561 = arith.constant 1 : i32
          %dma_wait3A_562 = arith.constant 128 : i32
          %dma_wait3A_563 = arith.constant 0 : i32
          %dma_wait3A_564 = tpu.memref_slice %arg11[%dma_wait3A_562, %dma_wait3A_563] : memref<2560x16xf32, #tpu.memory_space<vmem>> -> memref<128x16xf32, #tpu.memory_space<vmem>>
          %dma_wait3A_565 = arith.constant 0 : i32
          %dma_wait3A_566 = tpu.memref_slice %arg9[%dma_wait3A_561, %dma_wait3A_565] : memref<20x128xi32, #tpu.memory_space<vmem>> -> memref<1x128xi32, #tpu.memory_space<vmem>>
          %dma_wait3A_567 = tpu.memref_squeeze %dma_wait3A_566 : memref<1x128xi32, #tpu.memory_space<vmem>> -> memref<128xi32, #tpu.memory_space<vmem>>
          %dma_wait3A_568 = arith.constant 0 : i32
          %dma_wait3A_569 = arith.constant 0 : i32
          %dma_wait3A_570 = tpu.memref_slice %arg13[%dma_wait3A_568, %dma_wait3A_569] : memref<16384x16xf32, #tpu.memory_space<vmem_shared>> -> memref<16384x16xf32, #tpu.memory_space<vmem_shared>>
          tpu.wait_indirect_dma semaphore(%arg16 : memref<!tpu.dma_semaphore, #tpu.memory_space<semaphore_mem>>) src(%dma_wait3A_564 : memref<128x16xf32, #tpu.memory_space<vmem>>) dst(%dma_wait3A_570 : memref<16384x16xf32, #tpu.memory_space<vmem_shared>>)
          %dma_wait3A_571 = arith.constant 2 : i32
          %dma_wait3A_572 = arith.constant 256 : i32
          %dma_wait3A_573 = arith.constant 0 : i32
          %dma_wait3A_574 = tpu.memref_slice %arg11[%dma_wait3A_572, %dma_wait3A_573] : memref<2560x16xf32, #tpu.memory_space<vmem>> -> memref<128x16xf32, #tpu.memory_space<vmem>>
          %dma_wait3A_575 = arith.constant 0 : i32
          %dma_wait3A_576 = tpu.memref_slice %arg9[%dma_wait3A_571, %dma_wait3A_575] : memref<20x128xi32, #tpu.memory_space<vmem>> -> memref<1x128xi32, #tpu.memory_space<vmem>>
          %dma_wait3A_577 = tpu.memref_squeeze %dma_wait3A_576 : memref<1x128xi32, #tpu.memory_space<vmem>> -> memref<128xi32, #tpu.memory_space<vmem>>
          %dma_wait3A_578 = arith.constant 0 : i32
          %dma_wait3A_579 = arith.constant 0 : i32
          %dma_wait3A_580 = tpu.memref_slice %arg13[%dma_wait3A_578, %dma_wait3A_579] : memref<16384x16xf32, #tpu.memory_space<vmem_shared>> -> memref<16384x16xf32, #tpu.memory_space<vmem_shared>>
          tpu.wait_indirect_dma semaphore(%arg16 : memref<!tpu.dma_semaphore, #tpu.memory_space<semaphore_mem>>) src(%dma_wait3A_574 : memref<128x16xf32, #tpu.memory_space<vmem>>) dst(%dma_wait3A_580 : memref<16384x16xf32, #tpu.memory_space<vmem_shared>>)
          %dma_wait3A_581 = arith.constant 3 : i32
          %dma_wait3A_582 = arith.constant 384 : i32
          %dma_wait3A_583 = arith.constant 0 : i32
          %dma_wait3A_584 = tpu.memref_slice %arg11[%dma_wait3A_582, %dma_wait3A_583] : memref<2560x16xf32, #tpu.memory_space<vmem>> -> memref<128x16xf32, #tpu.memory_space<vmem>>
          %dma_wait3A_585 = arith.constant 0 : i32
          %dma_wait3A_586 = tpu.memref_slice %arg9[%dma_wait3A_581, %dma_wait3A_585] : memref<20x128xi32, #tpu.memory_space<vmem>> -> memref<1x128xi32, #tpu.memory_space<vmem>>
          %dma_wait3A_587 = tpu.memref_squeeze %dma_wait3A_586 : memref<1x128xi32, #tpu.memory_space<vmem>> -> memref<128xi32, #tpu.memory_space<vmem>>
          %dma_wait3A_588 = arith.constant 0 : i32
          %dma_wait3A_589 = arith.constant 0 : i32
          %dma_wait3A_590 = tpu.memref_slice %arg13[%dma_wait3A_588, %dma_wait3A_589] : memref<16384x16xf32, #tpu.memory_space<vmem_shared>> -> memref<16384x16xf32, #tpu.memory_space<vmem_shared>>
          tpu.wait_indirect_dma semaphore(%arg16 : memref<!tpu.dma_semaphore, #tpu.memory_space<semaphore_mem>>) src(%dma_wait3A_584 : memref<128x16xf32, #tpu.memory_space<vmem>>) dst(%dma_wait3A_590 : memref<16384x16xf32, #tpu.memory_space<vmem_shared>>)
          %dma_wait3A_591 = arith.constant 4 : i32
          %dma_wait3A_592 = arith.constant 512 : i32
          %dma_wait3A_593 = arith.constant 0 : i32
          %dma_wait3A_594 = tpu.memref_slice %arg11[%dma_wait3A_592, %dma_wait3A_593] : memref<2560x16xf32, #tpu.memory_space<vmem>> -> memref<128x16xf32, #tpu.memory_space<vmem>>
          %dma_wait3A_595 = arith.constant 0 : i32
          %dma_wait3A_596 = tpu.memref_slice %arg9[%dma_wait3A_591, %dma_wait3A_595] : memref<20x128xi32, #tpu.memory_space<vmem>> -> memref<1x128xi32, #tpu.memory_space<vmem>>
          %dma_wait3A_597 = tpu.memref_squeeze %dma_wait3A_596 : memref<1x128xi32, #tpu.memory_space<vmem>> -> memref<128xi32, #tpu.memory_space<vmem>>
          %dma_wait3A_598 = arith.constant 0 : i32
          %dma_wait3A_599 = arith.constant 0 : i32
          %dma_wait3A_600 = tpu.memref_slice %arg13[%dma_wait3A_598, %dma_wait3A_599] : memref<16384x16xf32, #tpu.memory_space<vmem_shared>> -> memref<16384x16xf32, #tpu.memory_space<vmem_shared>>
          tpu.wait_indirect_dma semaphore(%arg16 : memref<!tpu.dma_semaphore, #tpu.memory_space<semaphore_mem>>) src(%dma_wait3A_594 : memref<128x16xf32, #tpu.memory_space<vmem>>) dst(%dma_wait3A_600 : memref<16384x16xf32, #tpu.memory_space<vmem_shared>>)
          %dma_wait3A_601 = arith.constant 5 : i32
          %dma_wait3A_602 = arith.constant 640 : i32
          %dma_wait3A_603 = arith.constant 0 : i32
          %dma_wait3A_604 = tpu.memref_slice %arg11[%dma_wait3A_602, %dma_wait3A_603] : memref<2560x16xf32, #tpu.memory_space<vmem>> -> memref<128x16xf32, #tpu.memory_space<vmem>>
          %dma_wait3A_605 = arith.constant 0 : i32
          %dma_wait3A_606 = tpu.memref_slice %arg9[%dma_wait3A_601, %dma_wait3A_605] : memref<20x128xi32, #tpu.memory_space<vmem>> -> memref<1x128xi32, #tpu.memory_space<vmem>>
          %dma_wait3A_607 = tpu.memref_squeeze %dma_wait3A_606 : memref<1x128xi32, #tpu.memory_space<vmem>> -> memref<128xi32, #tpu.memory_space<vmem>>
          %dma_wait3A_608 = arith.constant 0 : i32
          %dma_wait3A_609 = arith.constant 0 : i32
          %dma_wait3A_610 = tpu.memref_slice %arg13[%dma_wait3A_608, %dma_wait3A_609] : memref<16384x16xf32, #tpu.memory_space<vmem_shared>> -> memref<16384x16xf32, #tpu.memory_space<vmem_shared>>
          tpu.wait_indirect_dma semaphore(%arg16 : memref<!tpu.dma_semaphore, #tpu.memory_space<semaphore_mem>>) src(%dma_wait3A_604 : memref<128x16xf32, #tpu.memory_space<vmem>>) dst(%dma_wait3A_610 : memref<16384x16xf32, #tpu.memory_space<vmem_shared>>)
          %dma_wait3A_611 = arith.constant 6 : i32
          %dma_wait3A_612 = arith.constant 768 : i32
          %dma_wait3A_613 = arith.constant 0 : i32
          %dma_wait3A_614 = tpu.memref_slice %arg11[%dma_wait3A_612, %dma_wait3A_613] : memref<2560x16xf32, #tpu.memory_space<vmem>> -> memref<128x16xf32, #tpu.memory_space<vmem>>
          %dma_wait3A_615 = arith.constant 0 : i32
          %dma_wait3A_616 = tpu.memref_slice %arg9[%dma_wait3A_611, %dma_wait3A_615] : memref<20x128xi32, #tpu.memory_space<vmem>> -> memref<1x128xi32, #tpu.memory_space<vmem>>
          %dma_wait3A_617 = tpu.memref_squeeze %dma_wait3A_616 : memref<1x128xi32, #tpu.memory_space<vmem>> -> memref<128xi32, #tpu.memory_space<vmem>>
          %dma_wait3A_618 = arith.constant 0 : i32
          %dma_wait3A_619 = arith.constant 0 : i32
          %dma_wait3A_620 = tpu.memref_slice %arg13[%dma_wait3A_618, %dma_wait3A_619] : memref<16384x16xf32, #tpu.memory_space<vmem_shared>> -> memref<16384x16xf32, #tpu.memory_space<vmem_shared>>
          tpu.wait_indirect_dma semaphore(%arg16 : memref<!tpu.dma_semaphore, #tpu.memory_space<semaphore_mem>>) src(%dma_wait3A_614 : memref<128x16xf32, #tpu.memory_space<vmem>>) dst(%dma_wait3A_620 : memref<16384x16xf32, #tpu.memory_space<vmem_shared>>)
          %dma_wait3A_621 = arith.constant 7 : i32
          %dma_wait3A_622 = arith.constant 896 : i32
          %dma_wait3A_623 = arith.constant 0 : i32
          %dma_wait3A_624 = tpu.memref_slice %arg11[%dma_wait3A_622, %dma_wait3A_623] : memref<2560x16xf32, #tpu.memory_space<vmem>> -> memref<128x16xf32, #tpu.memory_space<vmem>>
          %dma_wait3A_625 = arith.constant 0 : i32
          %dma_wait3A_626 = tpu.memref_slice %arg9[%dma_wait3A_621, %dma_wait3A_625] : memref<20x128xi32, #tpu.memory_space<vmem>> -> memref<1x128xi32, #tpu.memory_space<vmem>>
          %dma_wait3A_627 = tpu.memref_squeeze %dma_wait3A_626 : memref<1x128xi32, #tpu.memory_space<vmem>> -> memref<128xi32, #tpu.memory_space<vmem>>
          %dma_wait3A_628 = arith.constant 0 : i32
          %dma_wait3A_629 = arith.constant 0 : i32
          %dma_wait3A_630 = tpu.memref_slice %arg13[%dma_wait3A_628, %dma_wait3A_629] : memref<16384x16xf32, #tpu.memory_space<vmem_shared>> -> memref<16384x16xf32, #tpu.memory_space<vmem_shared>>
          tpu.wait_indirect_dma semaphore(%arg16 : memref<!tpu.dma_semaphore, #tpu.memory_space<semaphore_mem>>) src(%dma_wait3A_624 : memref<128x16xf32, #tpu.memory_space<vmem>>) dst(%dma_wait3A_630 : memref<16384x16xf32, #tpu.memory_space<vmem_shared>>)
          %dma_wait3A_631 = arith.constant 8 : i32
          %dma_wait3A_632 = arith.constant 1024 : i32
          %dma_wait3A_633 = arith.constant 0 : i32
          %dma_wait3A_634 = tpu.memref_slice %arg11[%dma_wait3A_632, %dma_wait3A_633] : memref<2560x16xf32, #tpu.memory_space<vmem>> -> memref<128x16xf32, #tpu.memory_space<vmem>>
          %dma_wait3A_635 = arith.constant 0 : i32
          %dma_wait3A_636 = tpu.memref_slice %arg9[%dma_wait3A_631, %dma_wait3A_635] : memref<20x128xi32, #tpu.memory_space<vmem>> -> memref<1x128xi32, #tpu.memory_space<vmem>>
          %dma_wait3A_637 = tpu.memref_squeeze %dma_wait3A_636 : memref<1x128xi32, #tpu.memory_space<vmem>> -> memref<128xi32, #tpu.memory_space<vmem>>
          %dma_wait3A_638 = arith.constant 0 : i32
          %dma_wait3A_639 = arith.constant 0 : i32
          %dma_wait3A_640 = tpu.memref_slice %arg13[%dma_wait3A_638, %dma_wait3A_639] : memref<16384x16xf32, #tpu.memory_space<vmem_shared>> -> memref<16384x16xf32, #tpu.memory_space<vmem_shared>>
          tpu.wait_indirect_dma semaphore(%arg16 : memref<!tpu.dma_semaphore, #tpu.memory_space<semaphore_mem>>) src(%dma_wait3A_634 : memref<128x16xf32, #tpu.memory_space<vmem>>) dst(%dma_wait3A_640 : memref<16384x16xf32, #tpu.memory_space<vmem_shared>>)
          %dma_wait3A_641 = arith.constant 9 : i32
          %dma_wait3A_642 = arith.constant 1152 : i32
          %dma_wait3A_643 = arith.constant 0 : i32
          %dma_wait3A_644 = tpu.memref_slice %arg11[%dma_wait3A_642, %dma_wait3A_643] : memref<2560x16xf32, #tpu.memory_space<vmem>> -> memref<128x16xf32, #tpu.memory_space<vmem>>
          %dma_wait3A_645 = arith.constant 0 : i32
          %dma_wait3A_646 = tpu.memref_slice %arg9[%dma_wait3A_641, %dma_wait3A_645] : memref<20x128xi32, #tpu.memory_space<vmem>> -> memref<1x128xi32, #tpu.memory_space<vmem>>
          %dma_wait3A_647 = tpu.memref_squeeze %dma_wait3A_646 : memref<1x128xi32, #tpu.memory_space<vmem>> -> memref<128xi32, #tpu.memory_space<vmem>>
          %dma_wait3A_648 = arith.constant 0 : i32
          %dma_wait3A_649 = arith.constant 0 : i32
          %dma_wait3A_650 = tpu.memref_slice %arg13[%dma_wait3A_648, %dma_wait3A_649] : memref<16384x16xf32, #tpu.memory_space<vmem_shared>> -> memref<16384x16xf32, #tpu.memory_space<vmem_shared>>
          tpu.wait_indirect_dma semaphore(%arg16 : memref<!tpu.dma_semaphore, #tpu.memory_space<semaphore_mem>>) src(%dma_wait3A_644 : memref<128x16xf32, #tpu.memory_space<vmem>>) dst(%dma_wait3A_650 : memref<16384x16xf32, #tpu.memory_space<vmem_shared>>)
          %dma_wait3A_651 = arith.constant 10 : i32
          %dma_wait3A_652 = arith.constant 1280 : i32
          %dma_wait3A_653 = arith.constant 0 : i32
          %dma_wait3A_654 = tpu.memref_slice %arg11[%dma_wait3A_652, %dma_wait3A_653] : memref<2560x16xf32, #tpu.memory_space<vmem>> -> memref<128x16xf32, #tpu.memory_space<vmem>>
          %dma_wait3A_655 = arith.constant 0 : i32
          %dma_wait3A_656 = tpu.memref_slice %arg9[%dma_wait3A_651, %dma_wait3A_655] : memref<20x128xi32, #tpu.memory_space<vmem>> -> memref<1x128xi32, #tpu.memory_space<vmem>>
          %dma_wait3A_657 = tpu.memref_squeeze %dma_wait3A_656 : memref<1x128xi32, #tpu.memory_space<vmem>> -> memref<128xi32, #tpu.memory_space<vmem>>
          %dma_wait3A_658 = arith.constant 0 : i32
          %dma_wait3A_659 = arith.constant 0 : i32
          %dma_wait3A_660 = tpu.memref_slice %arg13[%dma_wait3A_658, %dma_wait3A_659] : memref<16384x16xf32, #tpu.memory_space<vmem_shared>> -> memref<16384x16xf32, #tpu.memory_space<vmem_shared>>
          tpu.wait_indirect_dma semaphore(%arg16 : memref<!tpu.dma_semaphore, #tpu.memory_space<semaphore_mem>>) src(%dma_wait3A_654 : memref<128x16xf32, #tpu.memory_space<vmem>>) dst(%dma_wait3A_660 : memref<16384x16xf32, #tpu.memory_space<vmem_shared>>)
          %dma_wait3A_661 = arith.constant 11 : i32
          %dma_wait3A_662 = arith.constant 1408 : i32
          %dma_wait3A_663 = arith.constant 0 : i32
          %dma_wait3A_664 = tpu.memref_slice %arg11[%dma_wait3A_662, %dma_wait3A_663] : memref<2560x16xf32, #tpu.memory_space<vmem>> -> memref<128x16xf32, #tpu.memory_space<vmem>>
          %dma_wait3A_665 = arith.constant 0 : i32
          %dma_wait3A_666 = tpu.memref_slice %arg9[%dma_wait3A_661, %dma_wait3A_665] : memref<20x128xi32, #tpu.memory_space<vmem>> -> memref<1x128xi32, #tpu.memory_space<vmem>>
          %dma_wait3A_667 = tpu.memref_squeeze %dma_wait3A_666 : memref<1x128xi32, #tpu.memory_space<vmem>> -> memref<128xi32, #tpu.memory_space<vmem>>
          %dma_wait3A_668 = arith.constant 0 : i32
          %dma_wait3A_669 = arith.constant 0 : i32
          %dma_wait3A_670 = tpu.memref_slice %arg13[%dma_wait3A_668, %dma_wait3A_669] : memref<16384x16xf32, #tpu.memory_space<vmem_shared>> -> memref<16384x16xf32, #tpu.memory_space<vmem_shared>>
          tpu.wait_indirect_dma semaphore(%arg16 : memref<!tpu.dma_semaphore, #tpu.memory_space<semaphore_mem>>) src(%dma_wait3A_664 : memref<128x16xf32, #tpu.memory_space<vmem>>) dst(%dma_wait3A_670 : memref<16384x16xf32, #tpu.memory_space<vmem_shared>>)
          %dma_wait3A_671 = arith.constant 12 : i32
          %dma_wait3A_672 = arith.constant 1536 : i32
          %dma_wait3A_673 = arith.constant 0 : i32
          %dma_wait3A_674 = tpu.memref_slice %arg11[%dma_wait3A_672, %dma_wait3A_673] : memref<2560x16xf32, #tpu.memory_space<vmem>> -> memref<128x16xf32, #tpu.memory_space<vmem>>
          %dma_wait3A_675 = arith.constant 0 : i32
          %dma_wait3A_676 = tpu.memref_slice %arg9[%dma_wait3A_671, %dma_wait3A_675] : memref<20x128xi32, #tpu.memory_space<vmem>> -> memref<1x128xi32, #tpu.memory_space<vmem>>
          %dma_wait3A_677 = tpu.memref_squeeze %dma_wait3A_676 : memref<1x128xi32, #tpu.memory_space<vmem>> -> memref<128xi32, #tpu.memory_space<vmem>>
          %dma_wait3A_678 = arith.constant 0 : i32
          %dma_wait3A_679 = arith.constant 0 : i32
          %dma_wait3A_680 = tpu.memref_slice %arg13[%dma_wait3A_678, %dma_wait3A_679] : memref<16384x16xf32, #tpu.memory_space<vmem_shared>> -> memref<16384x16xf32, #tpu.memory_space<vmem_shared>>
          tpu.wait_indirect_dma semaphore(%arg16 : memref<!tpu.dma_semaphore, #tpu.memory_space<semaphore_mem>>) src(%dma_wait3A_674 : memref<128x16xf32, #tpu.memory_space<vmem>>) dst(%dma_wait3A_680 : memref<16384x16xf32, #tpu.memory_space<vmem_shared>>)
          %dma_wait3A_681 = arith.constant 13 : i32
          %dma_wait3A_682 = arith.constant 1664 : i32
          %dma_wait3A_683 = arith.constant 0 : i32
          %dma_wait3A_684 = tpu.memref_slice %arg11[%dma_wait3A_682, %dma_wait3A_683] : memref<2560x16xf32, #tpu.memory_space<vmem>> -> memref<128x16xf32, #tpu.memory_space<vmem>>
          %dma_wait3A_685 = arith.constant 0 : i32
          %dma_wait3A_686 = tpu.memref_slice %arg9[%dma_wait3A_681, %dma_wait3A_685] : memref<20x128xi32, #tpu.memory_space<vmem>> -> memref<1x128xi32, #tpu.memory_space<vmem>>
          %dma_wait3A_687 = tpu.memref_squeeze %dma_wait3A_686 : memref<1x128xi32, #tpu.memory_space<vmem>> -> memref<128xi32, #tpu.memory_space<vmem>>
          %dma_wait3A_688 = arith.constant 0 : i32
          %dma_wait3A_689 = arith.constant 0 : i32
          %dma_wait3A_690 = tpu.memref_slice %arg13[%dma_wait3A_688, %dma_wait3A_689] : memref<16384x16xf32, #tpu.memory_space<vmem_shared>> -> memref<16384x16xf32, #tpu.memory_space<vmem_shared>>
          tpu.wait_indirect_dma semaphore(%arg16 : memref<!tpu.dma_semaphore, #tpu.memory_space<semaphore_mem>>) src(%dma_wait3A_684 : memref<128x16xf32, #tpu.memory_space<vmem>>) dst(%dma_wait3A_690 : memref<16384x16xf32, #tpu.memory_space<vmem_shared>>)
          %dma_wait3A_691 = arith.constant 14 : i32
          %dma_wait3A_692 = arith.constant 1792 : i32
          %dma_wait3A_693 = arith.constant 0 : i32
          %dma_wait3A_694 = tpu.memref_slice %arg11[%dma_wait3A_692, %dma_wait3A_693] : memref<2560x16xf32, #tpu.memory_space<vmem>> -> memref<128x16xf32, #tpu.memory_space<vmem>>
          %dma_wait3A_695 = arith.constant 0 : i32
          %dma_wait3A_696 = tpu.memref_slice %arg9[%dma_wait3A_691, %dma_wait3A_695] : memref<20x128xi32, #tpu.memory_space<vmem>> -> memref<1x128xi32, #tpu.memory_space<vmem>>
          %dma_wait3A_697 = tpu.memref_squeeze %dma_wait3A_696 : memref<1x128xi32, #tpu.memory_space<vmem>> -> memref<128xi32, #tpu.memory_space<vmem>>
          %dma_wait3A_698 = arith.constant 0 : i32
          %dma_wait3A_699 = arith.constant 0 : i32
          %dma_wait3A_700 = tpu.memref_slice %arg13[%dma_wait3A_698, %dma_wait3A_699] : memref<16384x16xf32, #tpu.memory_space<vmem_shared>> -> memref<16384x16xf32, #tpu.memory_space<vmem_shared>>
          tpu.wait_indirect_dma semaphore(%arg16 : memref<!tpu.dma_semaphore, #tpu.memory_space<semaphore_mem>>) src(%dma_wait3A_694 : memref<128x16xf32, #tpu.memory_space<vmem>>) dst(%dma_wait3A_700 : memref<16384x16xf32, #tpu.memory_space<vmem_shared>>)
          %dma_wait3A_701 = arith.constant 15 : i32
          %dma_wait3A_702 = arith.constant 1920 : i32
          %dma_wait3A_703 = arith.constant 0 : i32
          %dma_wait3A_704 = tpu.memref_slice %arg11[%dma_wait3A_702, %dma_wait3A_703] : memref<2560x16xf32, #tpu.memory_space<vmem>> -> memref<128x16xf32, #tpu.memory_space<vmem>>
          %dma_wait3A_705 = arith.constant 0 : i32
          %dma_wait3A_706 = tpu.memref_slice %arg9[%dma_wait3A_701, %dma_wait3A_705] : memref<20x128xi32, #tpu.memory_space<vmem>> -> memref<1x128xi32, #tpu.memory_space<vmem>>
          %dma_wait3A_707 = tpu.memref_squeeze %dma_wait3A_706 : memref<1x128xi32, #tpu.memory_space<vmem>> -> memref<128xi32, #tpu.memory_space<vmem>>
          %dma_wait3A_708 = arith.constant 0 : i32
          %dma_wait3A_709 = arith.constant 0 : i32
          %dma_wait3A_710 = tpu.memref_slice %arg13[%dma_wait3A_708, %dma_wait3A_709] : memref<16384x16xf32, #tpu.memory_space<vmem_shared>> -> memref<16384x16xf32, #tpu.memory_space<vmem_shared>>
          tpu.wait_indirect_dma semaphore(%arg16 : memref<!tpu.dma_semaphore, #tpu.memory_space<semaphore_mem>>) src(%dma_wait3A_704 : memref<128x16xf32, #tpu.memory_space<vmem>>) dst(%dma_wait3A_710 : memref<16384x16xf32, #tpu.memory_space<vmem_shared>>)
          %dma_wait3A_711 = arith.constant 16 : i32
          %dma_wait3A_712 = arith.constant 2048 : i32
          %dma_wait3A_713 = arith.constant 0 : i32
          %dma_wait3A_714 = tpu.memref_slice %arg11[%dma_wait3A_712, %dma_wait3A_713] : memref<2560x16xf32, #tpu.memory_space<vmem>> -> memref<128x16xf32, #tpu.memory_space<vmem>>
          %dma_wait3A_715 = arith.constant 0 : i32
          %dma_wait3A_716 = tpu.memref_slice %arg9[%dma_wait3A_711, %dma_wait3A_715] : memref<20x128xi32, #tpu.memory_space<vmem>> -> memref<1x128xi32, #tpu.memory_space<vmem>>
          %dma_wait3A_717 = tpu.memref_squeeze %dma_wait3A_716 : memref<1x128xi32, #tpu.memory_space<vmem>> -> memref<128xi32, #tpu.memory_space<vmem>>
          %dma_wait3A_718 = arith.constant 0 : i32
          %dma_wait3A_719 = arith.constant 0 : i32
          %dma_wait3A_720 = tpu.memref_slice %arg13[%dma_wait3A_718, %dma_wait3A_719] : memref<16384x16xf32, #tpu.memory_space<vmem_shared>> -> memref<16384x16xf32, #tpu.memory_space<vmem_shared>>
          tpu.wait_indirect_dma semaphore(%arg16 : memref<!tpu.dma_semaphore, #tpu.memory_space<semaphore_mem>>) src(%dma_wait3A_714 : memref<128x16xf32, #tpu.memory_space<vmem>>) dst(%dma_wait3A_720 : memref<16384x16xf32, #tpu.memory_space<vmem_shared>>)
          %dma_wait3A_721 = arith.constant 17 : i32
          %dma_wait3A_722 = arith.constant 2176 : i32
          %dma_wait3A_723 = arith.constant 0 : i32
          %dma_wait3A_724 = tpu.memref_slice %arg11[%dma_wait3A_722, %dma_wait3A_723] : memref<2560x16xf32, #tpu.memory_space<vmem>> -> memref<128x16xf32, #tpu.memory_space<vmem>>
          %dma_wait3A_725 = arith.constant 0 : i32
          %dma_wait3A_726 = tpu.memref_slice %arg9[%dma_wait3A_721, %dma_wait3A_725] : memref<20x128xi32, #tpu.memory_space<vmem>> -> memref<1x128xi32, #tpu.memory_space<vmem>>
          %dma_wait3A_727 = tpu.memref_squeeze %dma_wait3A_726 : memref<1x128xi32, #tpu.memory_space<vmem>> -> memref<128xi32, #tpu.memory_space<vmem>>
          %dma_wait3A_728 = arith.constant 0 : i32
          %dma_wait3A_729 = arith.constant 0 : i32
          %dma_wait3A_730 = tpu.memref_slice %arg13[%dma_wait3A_728, %dma_wait3A_729] : memref<16384x16xf32, #tpu.memory_space<vmem_shared>> -> memref<16384x16xf32, #tpu.memory_space<vmem_shared>>
          tpu.wait_indirect_dma semaphore(%arg16 : memref<!tpu.dma_semaphore, #tpu.memory_space<semaphore_mem>>) src(%dma_wait3A_724 : memref<128x16xf32, #tpu.memory_space<vmem>>) dst(%dma_wait3A_730 : memref<16384x16xf32, #tpu.memory_space<vmem_shared>>)
          %dma_wait3A_731 = arith.constant 18 : i32
          %dma_wait3A_732 = arith.constant 2304 : i32
          %dma_wait3A_733 = arith.constant 0 : i32
          %dma_wait3A_734 = tpu.memref_slice %arg11[%dma_wait3A_732, %dma_wait3A_733] : memref<2560x16xf32, #tpu.memory_space<vmem>> -> memref<128x16xf32, #tpu.memory_space<vmem>>
          %dma_wait3A_735 = arith.constant 0 : i32
          %dma_wait3A_736 = tpu.memref_slice %arg9[%dma_wait3A_731, %dma_wait3A_735] : memref<20x128xi32, #tpu.memory_space<vmem>> -> memref<1x128xi32, #tpu.memory_space<vmem>>
          %dma_wait3A_737 = tpu.memref_squeeze %dma_wait3A_736 : memref<1x128xi32, #tpu.memory_space<vmem>> -> memref<128xi32, #tpu.memory_space<vmem>>
          %dma_wait3A_738 = arith.constant 0 : i32
          %dma_wait3A_739 = arith.constant 0 : i32
          %dma_wait3A_740 = tpu.memref_slice %arg13[%dma_wait3A_738, %dma_wait3A_739] : memref<16384x16xf32, #tpu.memory_space<vmem_shared>> -> memref<16384x16xf32, #tpu.memory_space<vmem_shared>>
          tpu.wait_indirect_dma semaphore(%arg16 : memref<!tpu.dma_semaphore, #tpu.memory_space<semaphore_mem>>) src(%dma_wait3A_734 : memref<128x16xf32, #tpu.memory_space<vmem>>) dst(%dma_wait3A_740 : memref<16384x16xf32, #tpu.memory_space<vmem_shared>>)
          %dma_wait3A_741 = arith.constant 19 : i32
          %dma_wait3A_742 = arith.constant 2432 : i32
          %dma_wait3A_743 = arith.constant 0 : i32
          %dma_wait3A_744 = tpu.memref_slice %arg11[%dma_wait3A_742, %dma_wait3A_743] : memref<2560x16xf32, #tpu.memory_space<vmem>> -> memref<128x16xf32, #tpu.memory_space<vmem>>
          %dma_wait3A_745 = arith.constant 0 : i32
          %dma_wait3A_746 = tpu.memref_slice %arg9[%dma_wait3A_741, %dma_wait3A_745] : memref<20x128xi32, #tpu.memory_space<vmem>> -> memref<1x128xi32, #tpu.memory_space<vmem>>
          %dma_wait3A_747 = tpu.memref_squeeze %dma_wait3A_746 : memref<1x128xi32, #tpu.memory_space<vmem>> -> memref<128xi32, #tpu.memory_space<vmem>>
          %dma_wait3A_748 = arith.constant 0 : i32
          %dma_wait3A_749 = arith.constant 0 : i32
          %dma_wait3A_750 = tpu.memref_slice %arg13[%dma_wait3A_748, %dma_wait3A_749] : memref<16384x16xf32, #tpu.memory_space<vmem_shared>> -> memref<16384x16xf32, #tpu.memory_space<vmem_shared>>
          tpu.wait_indirect_dma semaphore(%arg16 : memref<!tpu.dma_semaphore, #tpu.memory_space<semaphore_mem>>) src(%dma_wait3A_744 : memref<128x16xf32, #tpu.memory_space<vmem>>) dst(%dma_wait3A_750 : memref<16384x16xf32, #tpu.memory_space<vmem_shared>>)
        } else {
        }
        %add3A_334 = arith.constant 1 : i32
        %add3A_335 = arith.addi %scan3A_291, %add3A_334 : i32
        %lt3A_336 = arith.constant 20 : i32
        %lt3A_337 = arith.cmpi slt, %add3A_335, %lt3A_336 : i32
        %convert_element_type3A_338 = arith.extui %lt3A_337 : i1 to i32
        %cond3A_339 = arith.constant 0 : i32
        %cond3A_340 = arith.cmpi ne, %convert_element_type3A_338, %cond3A_339 : i32
        scf.if %cond3A_340 {
          %add3A_551 = arith.constant 1 : i32
          %add3A_552 = arith.addi %scan3A_291, %add3A_551 : i32
          %mul3A_553 = arith.constant 51200 : i32
          %mul3A_554 = arith.muli %add3A, %mul3A_553 : i32
          %mul3A_555 = arith.constant 2560 : i32
          %mul3A_556 = arith.muli %add3A_552, %mul3A_555 : i32
          %add3A_557 = arith.addi %mul3A_554, %mul3A_556 : i32
          %dma_start3A_558 = tpu.memref_slice %arg2[%add3A_557] : memref<1638400xi32, #tpu.memory_space<hbm>> -> memref<2560xi32, #tpu.memory_space<hbm>>
          %dma_start3A_559 = tpu.memref_slice %arg2[%add3A_557] : memref<1638400xi32, #tpu.memory_space<hbm>> -> memref<2560xi32, #tpu.memory_space<hbm>>
          tpu.enqueue_dma source(%dma_start3A_559 : memref<2560xi32, #tpu.memory_space<hbm>>) target(%arg7 : memref<2560xi32, #tpu.memory_space<vmem>>) target_semaphore(%arg17 : memref<!tpu.dma_semaphore, #tpu.memory_space<semaphore_mem>>)
          %jit3A_560 = arith.constant 128 : i32
          %div3A_561 = arith.divsi %add3A_557, %jit3A_560 : i32
          %sign3A_562 = arith.constant 0 : i32
          %sign3A_563 = arith.cmpi sgt, %add3A_557, %sign3A_562 : i32
          %sign3A_564 = arith.extui %sign3A_563 : i1 to i32
          %sign3A_565 = arith.constant 0 : i32
          %sign3A_566 = arith.cmpi slt, %add3A_557, %sign3A_565 : i32
          %sign3A_567 = arith.extui %sign3A_566 : i1 to i32
          %sign3A_568 = arith.subi %sign3A_564, %sign3A_567 : i32
          %sign3A_569 = arith.constant 0 : i32
          %sign3A_570 = arith.cmpi sgt, %jit3A_560, %sign3A_569 : i32
          %sign3A_571 = arith.extui %sign3A_570 : i1 to i32
          %sign3A_572 = arith.constant 0 : i32
          %sign3A_573 = arith.cmpi slt, %jit3A_560, %sign3A_572 : i32
          %sign3A_574 = arith.extui %sign3A_573 : i1 to i32
          %sign3A_575 = arith.subi %sign3A_571, %sign3A_574 : i32
          %ne3A_576 = arith.cmpi ne, %sign3A_568, %sign3A_575 : i32
          %rem3A_577 = arith.remsi %add3A_557, %jit3A_560 : i32
          %ne3A_578 = arith.constant 0 : i32
          %ne3A_579 = arith.cmpi ne, %rem3A_577, %ne3A_578 : i32
          %and3A_580 = arith.andi %ne3A_576, %ne3A_579 : i1
          %sub3A_581 = arith.constant 1 : i32
          %sub3A_582 = arith.subi %div3A_561, %sub3A_581 : i32
          %select_n3A_583 = arith.select %and3A_580, %sub3A_582, %div3A_561 : i32
          %dma_start3A_584 = arith.constant 0 : i32
          %dma_start3A_585 = tpu.memref_slice %arg3[%select_n3A_583, %dma_start3A_584] : memref<12800x128xi32, #tpu.memory_space<hbm>> -> memref<20x128xi32, #tpu.memory_space<hbm>>
          %dma_start3A_586 = arith.constant 0 : i32
          %dma_start3A_587 = tpu.memref_slice %arg3[%select_n3A_583, %dma_start3A_586] : memref<12800x128xi32, #tpu.memory_space<hbm>> -> memref<20x128xi32, #tpu.memory_space<hbm>>
          tpu.enqueue_dma source(%dma_start3A_587 : memref<20x128xi32, #tpu.memory_space<hbm>>) target(%arg9 : memref<20x128xi32, #tpu.memory_space<vmem>>) target_semaphore(%arg17 : memref<!tpu.dma_semaphore, #tpu.memory_space<semaphore_mem>>)
          %dma_wait3A_588 = tpu.memref_slice %arg2[%add3A_557] : memref<1638400xi32, #tpu.memory_space<hbm>> -> memref<2560xi32, #tpu.memory_space<hbm>>
          %dma_wait3A_589 = tpu.memref_slice %arg2[%add3A_557] : memref<1638400xi32, #tpu.memory_space<hbm>> -> memref<2560xi32, #tpu.memory_space<hbm>>
          tpu.wait_dma2 semaphore(%arg17 : memref<!tpu.dma_semaphore, #tpu.memory_space<semaphore_mem>>) src(%dma_wait3A_589 : memref<2560xi32, #tpu.memory_space<hbm>>) dst(%arg7 : memref<2560xi32, #tpu.memory_space<vmem>>)
          %dma_wait3A_590 = arith.constant 0 : i32
          %dma_wait3A_591 = tpu.memref_slice %arg3[%select_n3A_583, %dma_wait3A_590] : memref<12800x128xi32, #tpu.memory_space<hbm>> -> memref<20x128xi32, #tpu.memory_space<hbm>>
          %dma_wait3A_592 = arith.constant 0 : i32
          %dma_wait3A_593 = tpu.memref_slice %arg3[%select_n3A_583, %dma_wait3A_592] : memref<12800x128xi32, #tpu.memory_space<hbm>> -> memref<20x128xi32, #tpu.memory_space<hbm>>
          tpu.wait_dma2 semaphore(%arg17 : memref<!tpu.dma_semaphore, #tpu.memory_space<semaphore_mem>>) src(%dma_wait3A_593 : memref<20x128xi32, #tpu.memory_space<hbm>>) dst(%arg9 : memref<20x128xi32, #tpu.memory_space<vmem>>)
          %scan3A_594 = arith.constant 0 : i32
          %scan3A_595 = arith.constant 0 : i32
          %scan3A_596 = arith.constant 160 : i32
          %scan3A_597 = arith.addi %scan3A_595, %scan3A_596 : i32
          %scan3A_598 = arith.constant 8 : i32
          scf.for %scan3A_600 = %scan3A_595 to %scan3A_597 step %scan3A_598  : i32 {
            %mul3A_601 = arith.constant 16 : i32
            %mul3A_602 = arith.muli %scan3A_600, %mul3A_601 : i32
            %get3A = arith.index_cast %mul3A_602 : i32 to index
            %get3A_603 = tpu.vector_load %arg7[%get3A] {strides = array<i32>} : memref<2560xi32, #tpu.memory_space<vmem>>, vector<16xi32>,
            %get3A_604 = vector.shape_cast %get3A_603 : vector<16xi32> to vector<16xi32>
            %and3A_605 = arith.constant -16384 : i32
            %and3A_606 = vector.broadcast %and3A_605 : i32 to vector<16xi32>
            %and3A_607 = arith.andi %get3A_604, %and3A_606 : vector<16xi32>
            %and3A_608 = arith.constant 2047 : i32
            %and3A_609 = vector.broadcast %and3A_608 : i32 to vector<16xi32>
            %and3A_610 = arith.andi %get3A_604, %and3A_609 : vector<16xi32>
            %shift_left3A = arith.constant 3 : i32
            %shift_left3A_611 = vector.broadcast %shift_left3A : i32 to vector<16xi32>
            %shift_left3A_612 = arith.shli %and3A_610, %shift_left3A_611 : vector<16xi32>
            %or3A = arith.ori %and3A_607, %shift_left3A_612 : vector<16xi32>
            %shift_right_arithmetic3A = arith.constant 11 : i32
            %shift_right_arithmetic3A_613 = vector.broadcast %shift_right_arithmetic3A : i32 to vector<16xi32>
            %shift_right_arithmetic3A_614 = arith.shrsi %get3A_604, %shift_right_arithmetic3A_613 : vector<16xi32>
            %and3A_615 = arith.constant 7 : i32
            %and3A_616 = vector.broadcast %and3A_615 : i32 to vector<16xi32>
            %and3A_617 = arith.andi %shift_right_arithmetic3A_614, %and3A_616 : vector<16xi32>
            %or3A_618 = arith.ori %or3A, %and3A_617 : vector<16xi32>
            %mul3A_619 = arith.constant 16 : i32
            %mul3A_620 = arith.muli %scan3A_600, %mul3A_619 : i32
            %swap3A = arith.index_cast %mul3A_620 : i32 to index
            %swap3A_621 = tpu.vector_load %arg7[%swap3A] {strides = array<i32>} : memref<2560xi32, #tpu.memory_space<vmem>>, vector<16xi32>,
            %swap3A_622 = vector.shape_cast %swap3A_621 : vector<16xi32> to vector<16xi32>
            %swap3A_623 = vector.shape_cast %or3A_618 : vector<16xi32> to vector<16xi32>
            tpu.vector_store %arg7[%swap3A], %swap3A_623 {strides = array<i32>} : memref<2560xi32, #tpu.memory_space<vmem>>, vector<16xi32>,
            %scan3A_624 = arith.constant 1 : i32
            %scan3A_625 = arith.addi %scan3A_600, %scan3A_624 : i32
            %mul3A_626 = arith.constant 16 : i32
            %mul3A_627 = arith.muli %scan3A_625, %mul3A_626 : i32
            %get3A_628 = arith.index_cast %mul3A_627 : i32 to index
            %get3A_629 = tpu.vector_load %arg7[%get3A_628] {strides = array<i32>} : memref<2560xi32, #tpu.memory_space<vmem>>, vector<16xi32>,
            %get3A_630 = vector.shape_cast %get3A_629 : vector<16xi32> to vector<16xi32>
            %and3A_631 = arith.constant -16384 : i32
            %and3A_632 = vector.broadcast %and3A_631 : i32 to vector<16xi32>
            %and3A_633 = arith.andi %get3A_630, %and3A_632 : vector<16xi32>
            %and3A_634 = arith.constant 2047 : i32
            %and3A_635 = vector.broadcast %and3A_634 : i32 to vector<16xi32>
            %and3A_636 = arith.andi %get3A_630, %and3A_635 : vector<16xi32>
            %shift_left3A_637 = arith.constant 3 : i32
            %shift_left3A_638 = vector.broadcast %shift_left3A_637 : i32 to vector<16xi32>
            %shift_left3A_639 = arith.shli %and3A_636, %shift_left3A_638 : vector<16xi32>
            %or3A_640 = arith.ori %and3A_633, %shift_left3A_639 : vector<16xi32>
            %shift_right_arithmetic3A_641 = arith.constant 11 : i32
            %shift_right_arithmetic3A_642 = vector.broadcast %shift_right_arithmetic3A_641 : i32 to vector<16xi32>
            %shift_right_arithmetic3A_643 = arith.shrsi %get3A_630, %shift_right_arithmetic3A_642 : vector<16xi32>
            %and3A_644 = arith.constant 7 : i32
            %and3A_645 = vector.broadcast %and3A_644 : i32 to vector<16xi32>
            %and3A_646 = arith.andi %shift_right_arithmetic3A_643, %and3A_645 : vector<16xi32>
            %or3A_647 = arith.ori %or3A_640, %and3A_646 : vector<16xi32>
            %mul3A_648 = arith.constant 16 : i32
            %mul3A_649 = arith.muli %scan3A_625, %mul3A_648 : i32
            %swap3A_650 = arith.index_cast %mul3A_649 : i32 to index
            %swap3A_651 = tpu.vector_load %arg7[%swap3A_650] {strides = array<i32>} : memref<2560xi32, #tpu.memory_space<vmem>>, vector<16xi32>,
            %swap3A_652 = vector.shape_cast %swap3A_651 : vector<16xi32> to vector<16xi32>
            %swap3A_653 = vector.shape_cast %or3A_647 : vector<16xi32> to vector<16xi32>
            tpu.vector_store %arg7[%swap3A_650], %swap3A_653 {strides = array<i32>} : memref<2560xi32, #tpu.memory_space<vmem>>, vector<16xi32>,
            %scan3A_654 = arith.constant 2 : i32
            %scan3A_655 = arith.addi %scan3A_600, %scan3A_654 : i32
            %mul3A_656 = arith.constant 16 : i32
            %mul3A_657 = arith.muli %scan3A_655, %mul3A_656 : i32
            %get3A_658 = arith.index_cast %mul3A_657 : i32 to index
            %get3A_659 = tpu.vector_load %arg7[%get3A_658] {strides = array<i32>} : memref<2560xi32, #tpu.memory_space<vmem>>, vector<16xi32>,
            %get3A_660 = vector.shape_cast %get3A_659 : vector<16xi32> to vector<16xi32>
            %and3A_661 = arith.constant -16384 : i32
            %and3A_662 = vector.broadcast %and3A_661 : i32 to vector<16xi32>
            %and3A_663 = arith.andi %get3A_660, %and3A_662 : vector<16xi32>
            %and3A_664 = arith.constant 2047 : i32
            %and3A_665 = vector.broadcast %and3A_664 : i32 to vector<16xi32>
            %and3A_666 = arith.andi %get3A_660, %and3A_665 : vector<16xi32>
            %shift_left3A_667 = arith.constant 3 : i32
            %shift_left3A_668 = vector.broadcast %shift_left3A_667 : i32 to vector<16xi32>
            %shift_left3A_669 = arith.shli %and3A_666, %shift_left3A_668 : vector<16xi32>
            %or3A_670 = arith.ori %and3A_663, %shift_left3A_669 : vector<16xi32>
            %shift_right_arithmetic3A_671 = arith.constant 11 : i32
            %shift_right_arithmetic3A_672 = vector.broadcast %shift_right_arithmetic3A_671 : i32 to vector<16xi32>
            %shift_right_arithmetic3A_673 = arith.shrsi %get3A_660, %shift_right_arithmetic3A_672 : vector<16xi32>
            %and3A_674 = arith.constant 7 : i32
            %and3A_675 = vector.broadcast %and3A_674 : i32 to vector<16xi32>
            %and3A_676 = arith.andi %shift_right_arithmetic3A_673, %and3A_675 : vector<16xi32>
            %or3A_677 = arith.ori %or3A_670, %and3A_676 : vector<16xi32>
            %mul3A_678 = arith.constant 16 : i32
            %mul3A_679 = arith.muli %scan3A_655, %mul3A_678 : i32
            %swap3A_680 = arith.index_cast %mul3A_679 : i32 to index
            %swap3A_681 = tpu.vector_load %arg7[%swap3A_680] {strides = array<i32>} : memref<2560xi32, #tpu.memory_space<vmem>>, vector<16xi32>,
            %swap3A_682 = vector.shape_cast %swap3A_681 : vector<16xi32> to vector<16xi32>
            %swap3A_683 = vector.shape_cast %or3A_677 : vector<16xi32> to vector<16xi32>
            tpu.vector_store %arg7[%swap3A_680], %swap3A_683 {strides = array<i32>} : memref<2560xi32, #tpu.memory_space<vmem>>, vector<16xi32>,
            %scan3A_684 = arith.constant 3 : i32
            %scan3A_685 = arith.addi %scan3A_600, %scan3A_684 : i32
            %mul3A_686 = arith.constant 16 : i32
            %mul3A_687 = arith.muli %scan3A_685, %mul3A_686 : i32
            %get3A_688 = arith.index_cast %mul3A_687 : i32 to index
            %get3A_689 = tpu.vector_load %arg7[%get3A_688] {strides = array<i32>} : memref<2560xi32, #tpu.memory_space<vmem>>, vector<16xi32>,
            %get3A_690 = vector.shape_cast %get3A_689 : vector<16xi32> to vector<16xi32>
            %and3A_691 = arith.constant -16384 : i32
            %and3A_692 = vector.broadcast %and3A_691 : i32 to vector<16xi32>
            %and3A_693 = arith.andi %get3A_690, %and3A_692 : vector<16xi32>
            %and3A_694 = arith.constant 2047 : i32
            %and3A_695 = vector.broadcast %and3A_694 : i32 to vector<16xi32>
            %and3A_696 = arith.andi %get3A_690, %and3A_695 : vector<16xi32>
            %shift_left3A_697 = arith.constant 3 : i32
            %shift_left3A_698 = vector.broadcast %shift_left3A_697 : i32 to vector<16xi32>
            %shift_left3A_699 = arith.shli %and3A_696, %shift_left3A_698 : vector<16xi32>
            %or3A_700 = arith.ori %and3A_693, %shift_left3A_699 : vector<16xi32>
            %shift_right_arithmetic3A_701 = arith.constant 11 : i32
            %shift_right_arithmetic3A_702 = vector.broadcast %shift_right_arithmetic3A_701 : i32 to vector<16xi32>
            %shift_right_arithmetic3A_703 = arith.shrsi %get3A_690, %shift_right_arithmetic3A_702 : vector<16xi32>
            %and3A_704 = arith.constant 7 : i32
            %and3A_705 = vector.broadcast %and3A_704 : i32 to vector<16xi32>
            %and3A_706 = arith.andi %shift_right_arithmetic3A_703, %and3A_705 : vector<16xi32>
            %or3A_707 = arith.ori %or3A_700, %and3A_706 : vector<16xi32>
            %mul3A_708 = arith.constant 16 : i32
            %mul3A_709 = arith.muli %scan3A_685, %mul3A_708 : i32
            %swap3A_710 = arith.index_cast %mul3A_709 : i32 to index
            %swap3A_711 = tpu.vector_load %arg7[%swap3A_710] {strides = array<i32>} : memref<2560xi32, #tpu.memory_space<vmem>>, vector<16xi32>,
            %swap3A_712 = vector.shape_cast %swap3A_711 : vector<16xi32> to vector<16xi32>
            %swap3A_713 = vector.shape_cast %or3A_707 : vector<16xi32> to vector<16xi32>
            tpu.vector_store %arg7[%swap3A_710], %swap3A_713 {strides = array<i32>} : memref<2560xi32, #tpu.memory_space<vmem>>, vector<16xi32>,
            %scan3A_714 = arith.constant 4 : i32
            %scan3A_715 = arith.addi %scan3A_600, %scan3A_714 : i32
            %mul3A_716 = arith.constant 16 : i32
            %mul3A_717 = arith.muli %scan3A_715, %mul3A_716 : i32
            %get3A_718 = arith.index_cast %mul3A_717 : i32 to index
            %get3A_719 = tpu.vector_load %arg7[%get3A_718] {strides = array<i32>} : memref<2560xi32, #tpu.memory_space<vmem>>, vector<16xi32>,
            %get3A_720 = vector.shape_cast %get3A_719 : vector<16xi32> to vector<16xi32>
            %and3A_721 = arith.constant -16384 : i32
            %and3A_722 = vector.broadcast %and3A_721 : i32 to vector<16xi32>
            %and3A_723 = arith.andi %get3A_720, %and3A_722 : vector<16xi32>
            %and3A_724 = arith.constant 2047 : i32
            %and3A_725 = vector.broadcast %and3A_724 : i32 to vector<16xi32>
            %and3A_726 = arith.andi %get3A_720, %and3A_725 : vector<16xi32>
            %shift_left3A_727 = arith.constant 3 : i32
            %shift_left3A_728 = vector.broadcast %shift_left3A_727 : i32 to vector<16xi32>
            %shift_left3A_729 = arith.shli %and3A_726, %shift_left3A_728 : vector<16xi32>
            %or3A_730 = arith.ori %and3A_723, %shift_left3A_729 : vector<16xi32>
            %shift_right_arithmetic3A_731 = arith.constant 11 : i32
            %shift_right_arithmetic3A_732 = vector.broadcast %shift_right_arithmetic3A_731 : i32 to vector<16xi32>
            %shift_right_arithmetic3A_733 = arith.shrsi %get3A_720, %shift_right_arithmetic3A_732 : vector<16xi32>
            %and3A_734 = arith.constant 7 : i32
            %and3A_735 = vector.broadcast %and3A_734 : i32 to vector<16xi32>
            %and3A_736 = arith.andi %shift_right_arithmetic3A_733, %and3A_735 : vector<16xi32>
            %or3A_737 = arith.ori %or3A_730, %and3A_736 : vector<16xi32>
            %mul3A_738 = arith.constant 16 : i32
            %mul3A_739 = arith.muli %scan3A_715, %mul3A_738 : i32
            %swap3A_740 = arith.index_cast %mul3A_739 : i32 to index
            %swap3A_741 = tpu.vector_load %arg7[%swap3A_740] {strides = array<i32>} : memref<2560xi32, #tpu.memory_space<vmem>>, vector<16xi32>,
            %swap3A_742 = vector.shape_cast %swap3A_741 : vector<16xi32> to vector<16xi32>
            %swap3A_743 = vector.shape_cast %or3A_737 : vector<16xi32> to vector<16xi32>
            tpu.vector_store %arg7[%swap3A_740], %swap3A_743 {strides = array<i32>} : memref<2560xi32, #tpu.memory_space<vmem>>, vector<16xi32>,
            %scan3A_744 = arith.constant 5 : i32
            %scan3A_745 = arith.addi %scan3A_600, %scan3A_744 : i32
            %mul3A_746 = arith.constant 16 : i32
            %mul3A_747 = arith.muli %scan3A_745, %mul3A_746 : i32
            %get3A_748 = arith.index_cast %mul3A_747 : i32 to index
            %get3A_749 = tpu.vector_load %arg7[%get3A_748] {strides = array<i32>} : memref<2560xi32, #tpu.memory_space<vmem>>, vector<16xi32>,
            %get3A_750 = vector.shape_cast %get3A_749 : vector<16xi32> to vector<16xi32>
            %and3A_751 = arith.constant -16384 : i32
            %and3A_752 = vector.broadcast %and3A_751 : i32 to vector<16xi32>
            %and3A_753 = arith.andi %get3A_750, %and3A_752 : vector<16xi32>
            %and3A_754 = arith.constant 2047 : i32
            %and3A_755 = vector.broadcast %and3A_754 : i32 to vector<16xi32>
            %and3A_756 = arith.andi %get3A_750, %and3A_755 : vector<16xi32>
            %shift_left3A_757 = arith.constant 3 : i32
            %shift_left3A_758 = vector.broadcast %shift_left3A_757 : i32 to vector<16xi32>
            %shift_left3A_759 = arith.shli %and3A_756, %shift_left3A_758 : vector<16xi32>
            %or3A_760 = arith.ori %and3A_753, %shift_left3A_759 : vector<16xi32>
            %shift_right_arithmetic3A_761 = arith.constant 11 : i32
            %shift_right_arithmetic3A_762 = vector.broadcast %shift_right_arithmetic3A_761 : i32 to vector<16xi32>
            %shift_right_arithmetic3A_763 = arith.shrsi %get3A_750, %shift_right_arithmetic3A_762 : vector<16xi32>
            %and3A_764 = arith.constant 7 : i32
            %and3A_765 = vector.broadcast %and3A_764 : i32 to vector<16xi32>
            %and3A_766 = arith.andi %shift_right_arithmetic3A_763, %and3A_765 : vector<16xi32>
            %or3A_767 = arith.ori %or3A_760, %and3A_766 : vector<16xi32>
            %mul3A_768 = arith.constant 16 : i32
            %mul3A_769 = arith.muli %scan3A_745, %mul3A_768 : i32
            %swap3A_770 = arith.index_cast %mul3A_769 : i32 to index
            %swap3A_771 = tpu.vector_load %arg7[%swap3A_770] {strides = array<i32>} : memref<2560xi32, #tpu.memory_space<vmem>>, vector<16xi32>,
            %swap3A_772 = vector.shape_cast %swap3A_771 : vector<16xi32> to vector<16xi32>
            %swap3A_773 = vector.shape_cast %or3A_767 : vector<16xi32> to vector<16xi32>
            tpu.vector_store %arg7[%swap3A_770], %swap3A_773 {strides = array<i32>} : memref<2560xi32, #tpu.memory_space<vmem>>, vector<16xi32>,
            %scan3A_774 = arith.constant 6 : i32
            %scan3A_775 = arith.addi %scan3A_600, %scan3A_774 : i32
            %mul3A_776 = arith.constant 16 : i32
            %mul3A_777 = arith.muli %scan3A_775, %mul3A_776 : i32
            %get3A_778 = arith.index_cast %mul3A_777 : i32 to index
            %get3A_779 = tpu.vector_load %arg7[%get3A_778] {strides = array<i32>} : memref<2560xi32, #tpu.memory_space<vmem>>, vector<16xi32>,
            %get3A_780 = vector.shape_cast %get3A_779 : vector<16xi32> to vector<16xi32>
            %and3A_781 = arith.constant -16384 : i32
            %and3A_782 = vector.broadcast %and3A_781 : i32 to vector<16xi32>
            %and3A_783 = arith.andi %get3A_780, %and3A_782 : vector<16xi32>
            %and3A_784 = arith.constant 2047 : i32
            %and3A_785 = vector.broadcast %and3A_784 : i32 to vector<16xi32>
            %and3A_786 = arith.andi %get3A_780, %and3A_785 : vector<16xi32>
            %shift_left3A_787 = arith.constant 3 : i32
            %shift_left3A_788 = vector.broadcast %shift_left3A_787 : i32 to vector<16xi32>
            %shift_left3A_789 = arith.shli %and3A_786, %shift_left3A_788 : vector<16xi32>
            %or3A_790 = arith.ori %and3A_783, %shift_left3A_789 : vector<16xi32>
            %shift_right_arithmetic3A_791 = arith.constant 11 : i32
            %shift_right_arithmetic3A_792 = vector.broadcast %shift_right_arithmetic3A_791 : i32 to vector<16xi32>
            %shift_right_arithmetic3A_793 = arith.shrsi %get3A_780, %shift_right_arithmetic3A_792 : vector<16xi32>
            %and3A_794 = arith.constant 7 : i32
            %and3A_795 = vector.broadcast %and3A_794 : i32 to vector<16xi32>
            %and3A_796 = arith.andi %shift_right_arithmetic3A_793, %and3A_795 : vector<16xi32>
            %or3A_797 = arith.ori %or3A_790, %and3A_796 : vector<16xi32>
            %mul3A_798 = arith.constant 16 : i32
            %mul3A_799 = arith.muli %scan3A_775, %mul3A_798 : i32
            %swap3A_800 = arith.index_cast %mul3A_799 : i32 to index
            %swap3A_801 = tpu.vector_load %arg7[%swap3A_800] {strides = array<i32>} : memref<2560xi32, #tpu.memory_space<vmem>>, vector<16xi32>,
            %swap3A_802 = vector.shape_cast %swap3A_801 : vector<16xi32> to vector<16xi32>
            %swap3A_803 = vector.shape_cast %or3A_797 : vector<16xi32> to vector<16xi32>
            tpu.vector_store %arg7[%swap3A_800], %swap3A_803 {strides = array<i32>} : memref<2560xi32, #tpu.memory_space<vmem>>, vector<16xi32>,
            %scan3A_804 = arith.constant 7 : i32
            %scan3A_805 = arith.addi %scan3A_600, %scan3A_804 : i32
            %mul3A_806 = arith.constant 16 : i32
            %mul3A_807 = arith.muli %scan3A_805, %mul3A_806 : i32
            %get3A_808 = arith.index_cast %mul3A_807 : i32 to index
            %get3A_809 = tpu.vector_load %arg7[%get3A_808] {strides = array<i32>} : memref<2560xi32, #tpu.memory_space<vmem>>, vector<16xi32>,
            %get3A_810 = vector.shape_cast %get3A_809 : vector<16xi32> to vector<16xi32>
            %and3A_811 = arith.constant -16384 : i32
            %and3A_812 = vector.broadcast %and3A_811 : i32 to vector<16xi32>
            %and3A_813 = arith.andi %get3A_810, %and3A_812 : vector<16xi32>
            %and3A_814 = arith.constant 2047 : i32
            %and3A_815 = vector.broadcast %and3A_814 : i32 to vector<16xi32>
            %and3A_816 = arith.andi %get3A_810, %and3A_815 : vector<16xi32>
            %shift_left3A_817 = arith.constant 3 : i32
            %shift_left3A_818 = vector.broadcast %shift_left3A_817 : i32 to vector<16xi32>
            %shift_left3A_819 = arith.shli %and3A_816, %shift_left3A_818 : vector<16xi32>
            %or3A_820 = arith.ori %and3A_813, %shift_left3A_819 : vector<16xi32>
            %shift_right_arithmetic3A_821 = arith.constant 11 : i32
            %shift_right_arithmetic3A_822 = vector.broadcast %shift_right_arithmetic3A_821 : i32 to vector<16xi32>
            %shift_right_arithmetic3A_823 = arith.shrsi %get3A_810, %shift_right_arithmetic3A_822 : vector<16xi32>
            %and3A_824 = arith.constant 7 : i32
            %and3A_825 = vector.broadcast %and3A_824 : i32 to vector<16xi32>
            %and3A_826 = arith.andi %shift_right_arithmetic3A_823, %and3A_825 : vector<16xi32>
            %or3A_827 = arith.ori %or3A_820, %and3A_826 : vector<16xi32>
            %mul3A_828 = arith.constant 16 : i32
            %mul3A_829 = arith.muli %scan3A_805, %mul3A_828 : i32
            %swap3A_830 = arith.index_cast %mul3A_829 : i32 to index
            %swap3A_831 = tpu.vector_load %arg7[%swap3A_830] {strides = array<i32>} : memref<2560xi32, #tpu.memory_space<vmem>>, vector<16xi32>,
            %swap3A_832 = vector.shape_cast %swap3A_831 : vector<16xi32> to vector<16xi32>
            %swap3A_833 = vector.shape_cast %or3A_827 : vector<16xi32> to vector<16xi32>
            tpu.vector_store %arg7[%swap3A_830], %swap3A_833 {strides = array<i32>} : memref<2560xi32, #tpu.memory_space<vmem>>, vector<16xi32>,
          }
          %scan3A_599 = arith.constant 160 : i32
        } else {
        }
        %dma_wait3A_341 = arith.constant 0 : i32
        %dma_wait3A_342 = arith.constant 0 : i32
        %dma_wait3A_343 = tpu.memref_slice %arg4[%dma_wait3A_341, %dma_wait3A_342] : memref<1015808x16xf32, #tpu.memory_space<hbm>> -> memref<1015808x16xf32, #tpu.memory_space<hbm>>
        tpu.wait_indirect_dma semaphore(%arg14 : memref<!tpu.dma_semaphore, #tpu.memory_space<semaphore_mem>>) src(%dma_wait3A_343 : memref<1015808x16xf32, #tpu.memory_space<hbm>>) dst(%arg10 : memref<2560x16xf32, #tpu.memory_space<vmem>>)
        %add3A_344 = arith.constant 1 : i32
        %add3A_345 = arith.addi %scan3A_291, %add3A_344 : i32
        %lt3A_346 = arith.constant 20 : i32
        %lt3A_347 = arith.cmpi slt, %add3A_345, %lt3A_346 : i32
        %convert_element_type3A_348 = arith.extui %lt3A_347 : i1 to i32
        %cond3A_349 = arith.constant 0 : i32
        %cond3A_350 = arith.cmpi ne, %convert_element_type3A_348, %cond3A_349 : i32
        scf.if %cond3A_350 {
          %dma_start3A_551 = arith.constant 0 : i32
          %dma_start3A_552 = arith.constant 0 : i32
          %dma_start3A_553 = tpu.memref_slice %arg4[%dma_start3A_551, %dma_start3A_552] : memref<1015808x16xf32, #tpu.memory_space<hbm>> -> memref<1015808x16xf32, #tpu.memory_space<hbm>>
          tpu.enqueue_indirect_dma source(%dma_start3A_553 : memref<1015808x16xf32, #tpu.memory_space<hbm>>) target(%arg11 : memref<2560x16xf32, #tpu.memory_space<vmem>>) offsets(%arg7 : memref<2560xi32, #tpu.memory_space<vmem>>) semaphore(%arg14 : memref<!tpu.dma_semaphore, #tpu.memory_space<semaphore_mem>>)
        } else {
        }
        %dma_start3A_351 = arith.constant 0 : i32
        %dma_start3A_352 = arith.constant 0 : i32
        %dma_start3A_353 = arith.constant 0 : i32
        %dma_start3A_354 = tpu.memref_slice %arg10[%dma_start3A_352, %dma_start3A_353] : memref<2560x16xf32, #tpu.memory_space<vmem>> -> memref<128x16xf32, #tpu.memory_space<vmem>>
        %dma_start3A_355 = arith.constant 0 : i32
        %dma_start3A_356 = tpu.memref_slice %arg8[%dma_start3A_351, %dma_start3A_355] : memref<20x128xi32, #tpu.memory_space<vmem>> -> memref<1x128xi32, #tpu.memory_space<vmem>>
        %dma_start3A_357 = tpu.memref_squeeze %dma_start3A_356 : memref<1x128xi32, #tpu.memory_space<vmem>> -> memref<128xi32, #tpu.memory_space<vmem>>
        %dma_start3A_358 = arith.constant 0 : i32
        %dma_start3A_359 = arith.constant 0 : i32
        %dma_start3A_360 = tpu.memref_slice %arg13[%dma_start3A_358, %dma_start3A_359] : memref<16384x16xf32, #tpu.memory_space<vmem_shared>> -> memref<16384x16xf32, #tpu.memory_space<vmem_shared>>
        tpu.enqueue_indirect_dma source(%dma_start3A_354 : memref<128x16xf32, #tpu.memory_space<vmem>>) target(%dma_start3A_360 : memref<16384x16xf32, #tpu.memory_space<vmem_shared>>) offsets(%dma_start3A_357 : memref<128xi32, #tpu.memory_space<vmem>>) semaphore(%arg15 : memref<!tpu.dma_semaphore, #tpu.memory_space<semaphore_mem>>) {add = true}
        %dma_start3A_361 = arith.constant 1 : i32
        %dma_start3A_362 = arith.constant 128 : i32
        %dma_start3A_363 = arith.constant 0 : i32
        %dma_start3A_364 = tpu.memref_slice %arg10[%dma_start3A_362, %dma_start3A_363] : memref<2560x16xf32, #tpu.memory_space<vmem>> -> memref<128x16xf32, #tpu.memory_space<vmem>>
        %dma_start3A_365 = arith.constant 0 : i32
        %dma_start3A_366 = tpu.memref_slice %arg8[%dma_start3A_361, %dma_start3A_365] : memref<20x128xi32, #tpu.memory_space<vmem>> -> memref<1x128xi32, #tpu.memory_space<vmem>>
        %dma_start3A_367 = tpu.memref_squeeze %dma_start3A_366 : memref<1x128xi32, #tpu.memory_space<vmem>> -> memref<128xi32, #tpu.memory_space<vmem>>
        %dma_start3A_368 = arith.constant 0 : i32
        %dma_start3A_369 = arith.constant 0 : i32
        %dma_start3A_370 = tpu.memref_slice %arg13[%dma_start3A_368, %dma_start3A_369] : memref<16384x16xf32, #tpu.memory_space<vmem_shared>> -> memref<16384x16xf32, #tpu.memory_space<vmem_shared>>
        tpu.enqueue_indirect_dma source(%dma_start3A_364 : memref<128x16xf32, #tpu.memory_space<vmem>>) target(%dma_start3A_370 : memref<16384x16xf32, #tpu.memory_space<vmem_shared>>) offsets(%dma_start3A_367 : memref<128xi32, #tpu.memory_space<vmem>>) semaphore(%arg15 : memref<!tpu.dma_semaphore, #tpu.memory_space<semaphore_mem>>) {add = true}
        %dma_start3A_371 = arith.constant 2 : i32
        %dma_start3A_372 = arith.constant 256 : i32
        %dma_start3A_373 = arith.constant 0 : i32
        %dma_start3A_374 = tpu.memref_slice %arg10[%dma_start3A_372, %dma_start3A_373] : memref<2560x16xf32, #tpu.memory_space<vmem>> -> memref<128x16xf32, #tpu.memory_space<vmem>>
        %dma_start3A_375 = arith.constant 0 : i32
        %dma_start3A_376 = tpu.memref_slice %arg8[%dma_start3A_371, %dma_start3A_375] : memref<20x128xi32, #tpu.memory_space<vmem>> -> memref<1x128xi32, #tpu.memory_space<vmem>>
        %dma_start3A_377 = tpu.memref_squeeze %dma_start3A_376 : memref<1x128xi32, #tpu.memory_space<vmem>> -> memref<128xi32, #tpu.memory_space<vmem>>
        %dma_start3A_378 = arith.constant 0 : i32
        %dma_start3A_379 = arith.constant 0 : i32
        %dma_start3A_380 = tpu.memref_slice %arg13[%dma_start3A_378, %dma_start3A_379] : memref<16384x16xf32, #tpu.memory_space<vmem_shared>> -> memref<16384x16xf32, #tpu.memory_space<vmem_shared>>
        tpu.enqueue_indirect_dma source(%dma_start3A_374 : memref<128x16xf32, #tpu.memory_space<vmem>>) target(%dma_start3A_380 : memref<16384x16xf32, #tpu.memory_space<vmem_shared>>) offsets(%dma_start3A_377 : memref<128xi32, #tpu.memory_space<vmem>>) semaphore(%arg15 : memref<!tpu.dma_semaphore, #tpu.memory_space<semaphore_mem>>) {add = true}
        %dma_start3A_381 = arith.constant 3 : i32
        %dma_start3A_382 = arith.constant 384 : i32
        %dma_start3A_383 = arith.constant 0 : i32
        %dma_start3A_384 = tpu.memref_slice %arg10[%dma_start3A_382, %dma_start3A_383] : memref<2560x16xf32, #tpu.memory_space<vmem>> -> memref<128x16xf32, #tpu.memory_space<vmem>>
        %dma_start3A_385 = arith.constant 0 : i32
        %dma_start3A_386 = tpu.memref_slice %arg8[%dma_start3A_381, %dma_start3A_385] : memref<20x128xi32, #tpu.memory_space<vmem>> -> memref<1x128xi32, #tpu.memory_space<vmem>>
        %dma_start3A_387 = tpu.memref_squeeze %dma_start3A_386 : memref<1x128xi32, #tpu.memory_space<vmem>> -> memref<128xi32, #tpu.memory_space<vmem>>
        %dma_start3A_388 = arith.constant 0 : i32
        %dma_start3A_389 = arith.constant 0 : i32
        %dma_start3A_390 = tpu.memref_slice %arg13[%dma_start3A_388, %dma_start3A_389] : memref<16384x16xf32, #tpu.memory_space<vmem_shared>> -> memref<16384x16xf32, #tpu.memory_space<vmem_shared>>
        tpu.enqueue_indirect_dma source(%dma_start3A_384 : memref<128x16xf32, #tpu.memory_space<vmem>>) target(%dma_start3A_390 : memref<16384x16xf32, #tpu.memory_space<vmem_shared>>) offsets(%dma_start3A_387 : memref<128xi32, #tpu.memory_space<vmem>>) semaphore(%arg15 : memref<!tpu.dma_semaphore, #tpu.memory_space<semaphore_mem>>) {add = true}
        %dma_start3A_391 = arith.constant 4 : i32
        %dma_start3A_392 = arith.constant 512 : i32
        %dma_start3A_393 = arith.constant 0 : i32
        %dma_start3A_394 = tpu.memref_slice %arg10[%dma_start3A_392, %dma_start3A_393] : memref<2560x16xf32, #tpu.memory_space<vmem>> -> memref<128x16xf32, #tpu.memory_space<vmem>>
        %dma_start3A_395 = arith.constant 0 : i32
        %dma_start3A_396 = tpu.memref_slice %arg8[%dma_start3A_391, %dma_start3A_395] : memref<20x128xi32, #tpu.memory_space<vmem>> -> memref<1x128xi32, #tpu.memory_space<vmem>>
        %dma_start3A_397 = tpu.memref_squeeze %dma_start3A_396 : memref<1x128xi32, #tpu.memory_space<vmem>> -> memref<128xi32, #tpu.memory_space<vmem>>
        %dma_start3A_398 = arith.constant 0 : i32
        %dma_start3A_399 = arith.constant 0 : i32
        %dma_start3A_400 = tpu.memref_slice %arg13[%dma_start3A_398, %dma_start3A_399] : memref<16384x16xf32, #tpu.memory_space<vmem_shared>> -> memref<16384x16xf32, #tpu.memory_space<vmem_shared>>
        tpu.enqueue_indirect_dma source(%dma_start3A_394 : memref<128x16xf32, #tpu.memory_space<vmem>>) target(%dma_start3A_400 : memref<16384x16xf32, #tpu.memory_space<vmem_shared>>) offsets(%dma_start3A_397 : memref<128xi32, #tpu.memory_space<vmem>>) semaphore(%arg15 : memref<!tpu.dma_semaphore, #tpu.memory_space<semaphore_mem>>) {add = true}
        %dma_start3A_401 = arith.constant 5 : i32
        %dma_start3A_402 = arith.constant 640 : i32
        %dma_start3A_403 = arith.constant 0 : i32
        %dma_start3A_404 = tpu.memref_slice %arg10[%dma_start3A_402, %dma_start3A_403] : memref<2560x16xf32, #tpu.memory_space<vmem>> -> memref<128x16xf32, #tpu.memory_space<vmem>>
        %dma_start3A_405 = arith.constant 0 : i32
        %dma_start3A_406 = tpu.memref_slice %arg8[%dma_start3A_401, %dma_start3A_405] : memref<20x128xi32, #tpu.memory_space<vmem>> -> memref<1x128xi32, #tpu.memory_space<vmem>>
        %dma_start3A_407 = tpu.memref_squeeze %dma_start3A_406 : memref<1x128xi32, #tpu.memory_space<vmem>> -> memref<128xi32, #tpu.memory_space<vmem>>
        %dma_start3A_408 = arith.constant 0 : i32
        %dma_start3A_409 = arith.constant 0 : i32
        %dma_start3A_410 = tpu.memref_slice %arg13[%dma_start3A_408, %dma_start3A_409] : memref<16384x16xf32, #tpu.memory_space<vmem_shared>> -> memref<16384x16xf32, #tpu.memory_space<vmem_shared>>
        tpu.enqueue_indirect_dma source(%dma_start3A_404 : memref<128x16xf32, #tpu.memory_space<vmem>>) target(%dma_start3A_410 : memref<16384x16xf32, #tpu.memory_space<vmem_shared>>) offsets(%dma_start3A_407 : memref<128xi32, #tpu.memory_space<vmem>>) semaphore(%arg15 : memref<!tpu.dma_semaphore, #tpu.memory_space<semaphore_mem>>) {add = true}
        %dma_start3A_411 = arith.constant 6 : i32
        %dma_start3A_412 = arith.constant 768 : i32
        %dma_start3A_413 = arith.constant 0 : i32
        %dma_start3A_414 = tpu.memref_slice %arg10[%dma_start3A_412, %dma_start3A_413] : memref<2560x16xf32, #tpu.memory_space<vmem>> -> memref<128x16xf32, #tpu.memory_space<vmem>>
        %dma_start3A_415 = arith.constant 0 : i32
        %dma_start3A_416 = tpu.memref_slice %arg8[%dma_start3A_411, %dma_start3A_415] : memref<20x128xi32, #tpu.memory_space<vmem>> -> memref<1x128xi32, #tpu.memory_space<vmem>>
        %dma_start3A_417 = tpu.memref_squeeze %dma_start3A_416 : memref<1x128xi32, #tpu.memory_space<vmem>> -> memref<128xi32, #tpu.memory_space<vmem>>
        %dma_start3A_418 = arith.constant 0 : i32
        %dma_start3A_419 = arith.constant 0 : i32
        %dma_start3A_420 = tpu.memref_slice %arg13[%dma_start3A_418, %dma_start3A_419] : memref<16384x16xf32, #tpu.memory_space<vmem_shared>> -> memref<16384x16xf32, #tpu.memory_space<vmem_shared>>
        tpu.enqueue_indirect_dma source(%dma_start3A_414 : memref<128x16xf32, #tpu.memory_space<vmem>>) target(%dma_start3A_420 : memref<16384x16xf32, #tpu.memory_space<vmem_shared>>) offsets(%dma_start3A_417 : memref<128xi32, #tpu.memory_space<vmem>>) semaphore(%arg15 : memref<!tpu.dma_semaphore, #tpu.memory_space<semaphore_mem>>) {add = true}
        %dma_start3A_421 = arith.constant 7 : i32
        %dma_start3A_422 = arith.constant 896 : i32
        %dma_start3A_423 = arith.constant 0 : i32
        %dma_start3A_424 = tpu.memref_slice %arg10[%dma_start3A_422, %dma_start3A_423] : memref<2560x16xf32, #tpu.memory_space<vmem>> -> memref<128x16xf32, #tpu.memory_space<vmem>>
        %dma_start3A_425 = arith.constant 0 : i32
        %dma_start3A_426 = tpu.memref_slice %arg8[%dma_start3A_421, %dma_start3A_425] : memref<20x128xi32, #tpu.memory_space<vmem>> -> memref<1x128xi32, #tpu.memory_space<vmem>>
        %dma_start3A_427 = tpu.memref_squeeze %dma_start3A_426 : memref<1x128xi32, #tpu.memory_space<vmem>> -> memref<128xi32, #tpu.memory_space<vmem>>
        %dma_start3A_428 = arith.constant 0 : i32
        %dma_start3A_429 = arith.constant 0 : i32
        %dma_start3A_430 = tpu.memref_slice %arg13[%dma_start3A_428, %dma_start3A_429] : memref<16384x16xf32, #tpu.memory_space<vmem_shared>> -> memref<16384x16xf32, #tpu.memory_space<vmem_shared>>
        tpu.enqueue_indirect_dma source(%dma_start3A_424 : memref<128x16xf32, #tpu.memory_space<vmem>>) target(%dma_start3A_430 : memref<16384x16xf32, #tpu.memory_space<vmem_shared>>) offsets(%dma_start3A_427 : memref<128xi32, #tpu.memory_space<vmem>>) semaphore(%arg15 : memref<!tpu.dma_semaphore, #tpu.memory_space<semaphore_mem>>) {add = true}
        %dma_start3A_431 = arith.constant 8 : i32
        %dma_start3A_432 = arith.constant 1024 : i32
        %dma_start3A_433 = arith.constant 0 : i32
        %dma_start3A_434 = tpu.memref_slice %arg10[%dma_start3A_432, %dma_start3A_433] : memref<2560x16xf32, #tpu.memory_space<vmem>> -> memref<128x16xf32, #tpu.memory_space<vmem>>
        %dma_start3A_435 = arith.constant 0 : i32
        %dma_start3A_436 = tpu.memref_slice %arg8[%dma_start3A_431, %dma_start3A_435] : memref<20x128xi32, #tpu.memory_space<vmem>> -> memref<1x128xi32, #tpu.memory_space<vmem>>
        %dma_start3A_437 = tpu.memref_squeeze %dma_start3A_436 : memref<1x128xi32, #tpu.memory_space<vmem>> -> memref<128xi32, #tpu.memory_space<vmem>>
        %dma_start3A_438 = arith.constant 0 : i32
        %dma_start3A_439 = arith.constant 0 : i32
        %dma_start3A_440 = tpu.memref_slice %arg13[%dma_start3A_438, %dma_start3A_439] : memref<16384x16xf32, #tpu.memory_space<vmem_shared>> -> memref<16384x16xf32, #tpu.memory_space<vmem_shared>>
        tpu.enqueue_indirect_dma source(%dma_start3A_434 : memref<128x16xf32, #tpu.memory_space<vmem>>) target(%dma_start3A_440 : memref<16384x16xf32, #tpu.memory_space<vmem_shared>>) offsets(%dma_start3A_437 : memref<128xi32, #tpu.memory_space<vmem>>) semaphore(%arg15 : memref<!tpu.dma_semaphore, #tpu.memory_space<semaphore_mem>>) {add = true}
        %dma_start3A_441 = arith.constant 9 : i32
        %dma_start3A_442 = arith.constant 1152 : i32
        %dma_start3A_443 = arith.constant 0 : i32
        %dma_start3A_444 = tpu.memref_slice %arg10[%dma_start3A_442, %dma_start3A_443] : memref<2560x16xf32, #tpu.memory_space<vmem>> -> memref<128x16xf32, #tpu.memory_space<vmem>>
        %dma_start3A_445 = arith.constant 0 : i32
        %dma_start3A_446 = tpu.memref_slice %arg8[%dma_start3A_441, %dma_start3A_445] : memref<20x128xi32, #tpu.memory_space<vmem>> -> memref<1x128xi32, #tpu.memory_space<vmem>>
        %dma_start3A_447 = tpu.memref_squeeze %dma_start3A_446 : memref<1x128xi32, #tpu.memory_space<vmem>> -> memref<128xi32, #tpu.memory_space<vmem>>
        %dma_start3A_448 = arith.constant 0 : i32
        %dma_start3A_449 = arith.constant 0 : i32
        %dma_start3A_450 = tpu.memref_slice %arg13[%dma_start3A_448, %dma_start3A_449] : memref<16384x16xf32, #tpu.memory_space<vmem_shared>> -> memref<16384x16xf32, #tpu.memory_space<vmem_shared>>
        tpu.enqueue_indirect_dma source(%dma_start3A_444 : memref<128x16xf32, #tpu.memory_space<vmem>>) target(%dma_start3A_450 : memref<16384x16xf32, #tpu.memory_space<vmem_shared>>) offsets(%dma_start3A_447 : memref<128xi32, #tpu.memory_space<vmem>>) semaphore(%arg15 : memref<!tpu.dma_semaphore, #tpu.memory_space<semaphore_mem>>) {add = true}
        %dma_start3A_451 = arith.constant 10 : i32
        %dma_start3A_452 = arith.constant 1280 : i32
        %dma_start3A_453 = arith.constant 0 : i32
        %dma_start3A_454 = tpu.memref_slice %arg10[%dma_start3A_452, %dma_start3A_453] : memref<2560x16xf32, #tpu.memory_space<vmem>> -> memref<128x16xf32, #tpu.memory_space<vmem>>
        %dma_start3A_455 = arith.constant 0 : i32
        %dma_start3A_456 = tpu.memref_slice %arg8[%dma_start3A_451, %dma_start3A_455] : memref<20x128xi32, #tpu.memory_space<vmem>> -> memref<1x128xi32, #tpu.memory_space<vmem>>
        %dma_start3A_457 = tpu.memref_squeeze %dma_start3A_456 : memref<1x128xi32, #tpu.memory_space<vmem>> -> memref<128xi32, #tpu.memory_space<vmem>>
        %dma_start3A_458 = arith.constant 0 : i32
        %dma_start3A_459 = arith.constant 0 : i32
        %dma_start3A_460 = tpu.memref_slice %arg13[%dma_start3A_458, %dma_start3A_459] : memref<16384x16xf32, #tpu.memory_space<vmem_shared>> -> memref<16384x16xf32, #tpu.memory_space<vmem_shared>>
        tpu.enqueue_indirect_dma source(%dma_start3A_454 : memref<128x16xf32, #tpu.memory_space<vmem>>) target(%dma_start3A_460 : memref<16384x16xf32, #tpu.memory_space<vmem_shared>>) offsets(%dma_start3A_457 : memref<128xi32, #tpu.memory_space<vmem>>) semaphore(%arg15 : memref<!tpu.dma_semaphore, #tpu.memory_space<semaphore_mem>>) {add = true}
        %dma_start3A_461 = arith.constant 11 : i32
        %dma_start3A_462 = arith.constant 1408 : i32
        %dma_start3A_463 = arith.constant 0 : i32
        %dma_start3A_464 = tpu.memref_slice %arg10[%dma_start3A_462, %dma_start3A_463] : memref<2560x16xf32, #tpu.memory_space<vmem>> -> memref<128x16xf32, #tpu.memory_space<vmem>>
        %dma_start3A_465 = arith.constant 0 : i32
        %dma_start3A_466 = tpu.memref_slice %arg8[%dma_start3A_461, %dma_start3A_465] : memref<20x128xi32, #tpu.memory_space<vmem>> -> memref<1x128xi32, #tpu.memory_space<vmem>>
        %dma_start3A_467 = tpu.memref_squeeze %dma_start3A_466 : memref<1x128xi32, #tpu.memory_space<vmem>> -> memref<128xi32, #tpu.memory_space<vmem>>
        %dma_start3A_468 = arith.constant 0 : i32
        %dma_start3A_469 = arith.constant 0 : i32
        %dma_start3A_470 = tpu.memref_slice %arg13[%dma_start3A_468, %dma_start3A_469] : memref<16384x16xf32, #tpu.memory_space<vmem_shared>> -> memref<16384x16xf32, #tpu.memory_space<vmem_shared>>
        tpu.enqueue_indirect_dma source(%dma_start3A_464 : memref<128x16xf32, #tpu.memory_space<vmem>>) target(%dma_start3A_470 : memref<16384x16xf32, #tpu.memory_space<vmem_shared>>) offsets(%dma_start3A_467 : memref<128xi32, #tpu.memory_space<vmem>>) semaphore(%arg15 : memref<!tpu.dma_semaphore, #tpu.memory_space<semaphore_mem>>) {add = true}
        %dma_start3A_471 = arith.constant 12 : i32
        %dma_start3A_472 = arith.constant 1536 : i32
        %dma_start3A_473 = arith.constant 0 : i32
        %dma_start3A_474 = tpu.memref_slice %arg10[%dma_start3A_472, %dma_start3A_473] : memref<2560x16xf32, #tpu.memory_space<vmem>> -> memref<128x16xf32, #tpu.memory_space<vmem>>
        %dma_start3A_475 = arith.constant 0 : i32
        %dma_start3A_476 = tpu.memref_slice %arg8[%dma_start3A_471, %dma_start3A_475] : memref<20x128xi32, #tpu.memory_space<vmem>> -> memref<1x128xi32, #tpu.memory_space<vmem>>
        %dma_start3A_477 = tpu.memref_squeeze %dma_start3A_476 : memref<1x128xi32, #tpu.memory_space<vmem>> -> memref<128xi32, #tpu.memory_space<vmem>>
        %dma_start3A_478 = arith.constant 0 : i32
        %dma_start3A_479 = arith.constant 0 : i32
        %dma_start3A_480 = tpu.memref_slice %arg13[%dma_start3A_478, %dma_start3A_479] : memref<16384x16xf32, #tpu.memory_space<vmem_shared>> -> memref<16384x16xf32, #tpu.memory_space<vmem_shared>>
        tpu.enqueue_indirect_dma source(%dma_start3A_474 : memref<128x16xf32, #tpu.memory_space<vmem>>) target(%dma_start3A_480 : memref<16384x16xf32, #tpu.memory_space<vmem_shared>>) offsets(%dma_start3A_477 : memref<128xi32, #tpu.memory_space<vmem>>) semaphore(%arg15 : memref<!tpu.dma_semaphore, #tpu.memory_space<semaphore_mem>>) {add = true}
        %dma_start3A_481 = arith.constant 13 : i32
        %dma_start3A_482 = arith.constant 1664 : i32
        %dma_start3A_483 = arith.constant 0 : i32
        %dma_start3A_484 = tpu.memref_slice %arg10[%dma_start3A_482, %dma_start3A_483] : memref<2560x16xf32, #tpu.memory_space<vmem>> -> memref<128x16xf32, #tpu.memory_space<vmem>>
        %dma_start3A_485 = arith.constant 0 : i32
        %dma_start3A_486 = tpu.memref_slice %arg8[%dma_start3A_481, %dma_start3A_485] : memref<20x128xi32, #tpu.memory_space<vmem>> -> memref<1x128xi32, #tpu.memory_space<vmem>>
        %dma_start3A_487 = tpu.memref_squeeze %dma_start3A_486 : memref<1x128xi32, #tpu.memory_space<vmem>> -> memref<128xi32, #tpu.memory_space<vmem>>
        %dma_start3A_488 = arith.constant 0 : i32
        %dma_start3A_489 = arith.constant 0 : i32
        %dma_start3A_490 = tpu.memref_slice %arg13[%dma_start3A_488, %dma_start3A_489] : memref<16384x16xf32, #tpu.memory_space<vmem_shared>> -> memref<16384x16xf32, #tpu.memory_space<vmem_shared>>
        tpu.enqueue_indirect_dma source(%dma_start3A_484 : memref<128x16xf32, #tpu.memory_space<vmem>>) target(%dma_start3A_490 : memref<16384x16xf32, #tpu.memory_space<vmem_shared>>) offsets(%dma_start3A_487 : memref<128xi32, #tpu.memory_space<vmem>>) semaphore(%arg15 : memref<!tpu.dma_semaphore, #tpu.memory_space<semaphore_mem>>) {add = true}
        %dma_start3A_491 = arith.constant 14 : i32
        %dma_start3A_492 = arith.constant 1792 : i32
        %dma_start3A_493 = arith.constant 0 : i32
        %dma_start3A_494 = tpu.memref_slice %arg10[%dma_start3A_492, %dma_start3A_493] : memref<2560x16xf32, #tpu.memory_space<vmem>> -> memref<128x16xf32, #tpu.memory_space<vmem>>
        %dma_start3A_495 = arith.constant 0 : i32
        %dma_start3A_496 = tpu.memref_slice %arg8[%dma_start3A_491, %dma_start3A_495] : memref<20x128xi32, #tpu.memory_space<vmem>> -> memref<1x128xi32, #tpu.memory_space<vmem>>
        %dma_start3A_497 = tpu.memref_squeeze %dma_start3A_496 : memref<1x128xi32, #tpu.memory_space<vmem>> -> memref<128xi32, #tpu.memory_space<vmem>>
        %dma_start3A_498 = arith.constant 0 : i32
        %dma_start3A_499 = arith.constant 0 : i32
        %dma_start3A_500 = tpu.memref_slice %arg13[%dma_start3A_498, %dma_start3A_499] : memref<16384x16xf32, #tpu.memory_space<vmem_shared>> -> memref<16384x16xf32, #tpu.memory_space<vmem_shared>>
        tpu.enqueue_indirect_dma source(%dma_start3A_494 : memref<128x16xf32, #tpu.memory_space<vmem>>) target(%dma_start3A_500 : memref<16384x16xf32, #tpu.memory_space<vmem_shared>>) offsets(%dma_start3A_497 : memref<128xi32, #tpu.memory_space<vmem>>) semaphore(%arg15 : memref<!tpu.dma_semaphore, #tpu.memory_space<semaphore_mem>>) {add = true}
        %dma_start3A_501 = arith.constant 15 : i32
        %dma_start3A_502 = arith.constant 1920 : i32
        %dma_start3A_503 = arith.constant 0 : i32
        %dma_start3A_504 = tpu.memref_slice %arg10[%dma_start3A_502, %dma_start3A_503] : memref<2560x16xf32, #tpu.memory_space<vmem>> -> memref<128x16xf32, #tpu.memory_space<vmem>>
        %dma_start3A_505 = arith.constant 0 : i32
        %dma_start3A_506 = tpu.memref_slice %arg8[%dma_start3A_501, %dma_start3A_505] : memref<20x128xi32, #tpu.memory_space<vmem>> -> memref<1x128xi32, #tpu.memory_space<vmem>>
        %dma_start3A_507 = tpu.memref_squeeze %dma_start3A_506 : memref<1x128xi32, #tpu.memory_space<vmem>> -> memref<128xi32, #tpu.memory_space<vmem>>
        %dma_start3A_508 = arith.constant 0 : i32
        %dma_start3A_509 = arith.constant 0 : i32
        %dma_start3A_510 = tpu.memref_slice %arg13[%dma_start3A_508, %dma_start3A_509] : memref<16384x16xf32, #tpu.memory_space<vmem_shared>> -> memref<16384x16xf32, #tpu.memory_space<vmem_shared>>
        tpu.enqueue_indirect_dma source(%dma_start3A_504 : memref<128x16xf32, #tpu.memory_space<vmem>>) target(%dma_start3A_510 : memref<16384x16xf32, #tpu.memory_space<vmem_shared>>) offsets(%dma_start3A_507 : memref<128xi32, #tpu.memory_space<vmem>>) semaphore(%arg15 : memref<!tpu.dma_semaphore, #tpu.memory_space<semaphore_mem>>) {add = true}
        %dma_start3A_511 = arith.constant 16 : i32
        %dma_start3A_512 = arith.constant 2048 : i32
        %dma_start3A_513 = arith.constant 0 : i32
        %dma_start3A_514 = tpu.memref_slice %arg10[%dma_start3A_512, %dma_start3A_513] : memref<2560x16xf32, #tpu.memory_space<vmem>> -> memref<128x16xf32, #tpu.memory_space<vmem>>
        %dma_start3A_515 = arith.constant 0 : i32
        %dma_start3A_516 = tpu.memref_slice %arg8[%dma_start3A_511, %dma_start3A_515] : memref<20x128xi32, #tpu.memory_space<vmem>> -> memref<1x128xi32, #tpu.memory_space<vmem>>
        %dma_start3A_517 = tpu.memref_squeeze %dma_start3A_516 : memref<1x128xi32, #tpu.memory_space<vmem>> -> memref<128xi32, #tpu.memory_space<vmem>>
        %dma_start3A_518 = arith.constant 0 : i32
        %dma_start3A_519 = arith.constant 0 : i32
        %dma_start3A_520 = tpu.memref_slice %arg13[%dma_start3A_518, %dma_start3A_519] : memref<16384x16xf32, #tpu.memory_space<vmem_shared>> -> memref<16384x16xf32, #tpu.memory_space<vmem_shared>>
        tpu.enqueue_indirect_dma source(%dma_start3A_514 : memref<128x16xf32, #tpu.memory_space<vmem>>) target(%dma_start3A_520 : memref<16384x16xf32, #tpu.memory_space<vmem_shared>>) offsets(%dma_start3A_517 : memref<128xi32, #tpu.memory_space<vmem>>) semaphore(%arg15 : memref<!tpu.dma_semaphore, #tpu.memory_space<semaphore_mem>>) {add = true}
        %dma_start3A_521 = arith.constant 17 : i32
        %dma_start3A_522 = arith.constant 2176 : i32
        %dma_start3A_523 = arith.constant 0 : i32
        %dma_start3A_524 = tpu.memref_slice %arg10[%dma_start3A_522, %dma_start3A_523] : memref<2560x16xf32, #tpu.memory_space<vmem>> -> memref<128x16xf32, #tpu.memory_space<vmem>>
        %dma_start3A_525 = arith.constant 0 : i32
        %dma_start3A_526 = tpu.memref_slice %arg8[%dma_start3A_521, %dma_start3A_525] : memref<20x128xi32, #tpu.memory_space<vmem>> -> memref<1x128xi32, #tpu.memory_space<vmem>>
        %dma_start3A_527 = tpu.memref_squeeze %dma_start3A_526 : memref<1x128xi32, #tpu.memory_space<vmem>> -> memref<128xi32, #tpu.memory_space<vmem>>
        %dma_start3A_528 = arith.constant 0 : i32
        %dma_start3A_529 = arith.constant 0 : i32
        %dma_start3A_530 = tpu.memref_slice %arg13[%dma_start3A_528, %dma_start3A_529] : memref<16384x16xf32, #tpu.memory_space<vmem_shared>> -> memref<16384x16xf32, #tpu.memory_space<vmem_shared>>
        tpu.enqueue_indirect_dma source(%dma_start3A_524 : memref<128x16xf32, #tpu.memory_space<vmem>>) target(%dma_start3A_530 : memref<16384x16xf32, #tpu.memory_space<vmem_shared>>) offsets(%dma_start3A_527 : memref<128xi32, #tpu.memory_space<vmem>>) semaphore(%arg15 : memref<!tpu.dma_semaphore, #tpu.memory_space<semaphore_mem>>) {add = true}
        %dma_start3A_531 = arith.constant 18 : i32
        %dma_start3A_532 = arith.constant 2304 : i32
        %dma_start3A_533 = arith.constant 0 : i32
        %dma_start3A_534 = tpu.memref_slice %arg10[%dma_start3A_532, %dma_start3A_533] : memref<2560x16xf32, #tpu.memory_space<vmem>> -> memref<128x16xf32, #tpu.memory_space<vmem>>
        %dma_start3A_535 = arith.constant 0 : i32
        %dma_start3A_536 = tpu.memref_slice %arg8[%dma_start3A_531, %dma_start3A_535] : memref<20x128xi32, #tpu.memory_space<vmem>> -> memref<1x128xi32, #tpu.memory_space<vmem>>
        %dma_start3A_537 = tpu.memref_squeeze %dma_start3A_536 : memref<1x128xi32, #tpu.memory_space<vmem>> -> memref<128xi32, #tpu.memory_space<vmem>>
        %dma_start3A_538 = arith.constant 0 : i32
        %dma_start3A_539 = arith.constant 0 : i32
        %dma_start3A_540 = tpu.memref_slice %arg13[%dma_start3A_538, %dma_start3A_539] : memref<16384x16xf32, #tpu.memory_space<vmem_shared>> -> memref<16384x16xf32, #tpu.memory_space<vmem_shared>>
        tpu.enqueue_indirect_dma source(%dma_start3A_534 : memref<128x16xf32, #tpu.memory_space<vmem>>) target(%dma_start3A_540 : memref<16384x16xf32, #tpu.memory_space<vmem_shared>>) offsets(%dma_start3A_537 : memref<128xi32, #tpu.memory_space<vmem>>) semaphore(%arg15 : memref<!tpu.dma_semaphore, #tpu.memory_space<semaphore_mem>>) {add = true}
        %dma_start3A_541 = arith.constant 19 : i32
        %dma_start3A_542 = arith.constant 2432 : i32
        %dma_start3A_543 = arith.constant 0 : i32
        %dma_start3A_544 = tpu.memref_slice %arg10[%dma_start3A_542, %dma_start3A_543] : memref<2560x16xf32, #tpu.memory_space<vmem>> -> memref<128x16xf32, #tpu.memory_space<vmem>>
        %dma_start3A_545 = arith.constant 0 : i32
        %dma_start3A_546 = tpu.memref_slice %arg8[%dma_start3A_541, %dma_start3A_545] : memref<20x128xi32, #tpu.memory_space<vmem>> -> memref<1x128xi32, #tpu.memory_space<vmem>>
        %dma_start3A_547 = tpu.memref_squeeze %dma_start3A_546 : memref<1x128xi32, #tpu.memory_space<vmem>> -> memref<128xi32, #tpu.memory_space<vmem>>
        %dma_start3A_548 = arith.constant 0 : i32
        %dma_start3A_549 = arith.constant 0 : i32
        %dma_start3A_550 = tpu.memref_slice %arg13[%dma_start3A_548, %dma_start3A_549] : memref<16384x16xf32, #tpu.memory_space<vmem_shared>> -> memref<16384x16xf32, #tpu.memory_space<vmem_shared>>
        tpu.enqueue_indirect_dma source(%dma_start3A_544 : memref<128x16xf32, #tpu.memory_space<vmem>>) target(%dma_start3A_550 : memref<16384x16xf32, #tpu.memory_space<vmem_shared>>) offsets(%dma_start3A_547 : memref<128xi32, #tpu.memory_space<vmem>>) semaphore(%arg15 : memref<!tpu.dma_semaphore, #tpu.memory_space<semaphore_mem>>) {add = true}
      } else {
      }
      %jit3A_309 = arith.constant 2 : i32
      %eq3A_310 = arith.constant 0 : i32
      %eq3A_311 = arith.cmpi eq, %jit3A_309, %eq3A_310 : i32
      %jit3A_312 = arith.constant 1 : i32
      %select_n3A_313 = arith.select %eq3A_311, %jit3A_312, %jit3A_309 : i32
      %rem3A_314 = arith.remsi %scan3A_291, %select_n3A_313 : i32
      %ne3A_315 = arith.constant 0 : i32
      %ne3A_316 = arith.cmpi ne, %rem3A_314, %ne3A_315 : i32
      %lt3A_317 = arith.constant 0 : i32
      %lt3A_318 = arith.cmpi slt, %rem3A_314, %lt3A_317 : i32
      %lt3A_319 = arith.constant 0 : i32
      %lt3A_320 = arith.cmpi slt, %select_n3A_313, %lt3A_319 : i32
      %ne3A_321 = arith.xori %lt3A_318, %lt3A_320 : i1
      %and3A_322 = arith.andi %ne3A_321, %ne3A_316 : i1
      %add3A_323 = arith.addi %rem3A_314, %select_n3A_313 : i32
      %select_n3A_324 = arith.select %and3A_322, %add3A_323, %rem3A_314 : i32
      %eq3A_325 = arith.constant 1 : i32
      %eq3A_326 = arith.cmpi eq, %select_n3A_324, %eq3A_325 : i32
      %convert_element_type3A_327 = arith.extui %eq3A_326 : i1 to i32
      %cond3A_328 = arith.constant 0 : i32
      %cond3A_329 = arith.cmpi ne, %convert_element_type3A_327, %cond3A_328 : i32
      scf.if %cond3A_329 {
        %gt3A = arith.constant 0 : i32
        %gt3A_330 = arith.cmpi sgt, %scan3A_291, %gt3A : i32
        %convert_element_type3A_331 = arith.extui %gt3A_330 : i1 to i32
        %cond3A_332 = arith.constant 0 : i32
        %cond3A_333 = arith.cmpi ne, %convert_element_type3A_331, %cond3A_332 : i32
        scf.if %cond3A_333 {
          %dma_wait3A_551 = arith.constant 0 : i32
          %dma_wait3A_552 = arith.constant 0 : i32
          %dma_wait3A_553 = arith.constant 0 : i32
          %dma_wait3A_554 = tpu.memref_slice %arg10[%dma_wait3A_552, %dma_wait3A_553] : memref<2560x16xf32, #tpu.memory_space<vmem>> -> memref<128x16xf32, #tpu.memory_space<vmem>>
          %dma_wait3A_555 = arith.constant 0 : i32
          %dma_wait3A_556 = tpu.memref_slice %arg8[%dma_wait3A_551, %dma_wait3A_555] : memref<20x128xi32, #tpu.memory_space<vmem>> -> memref<1x128xi32, #tpu.memory_space<vmem>>
          %dma_wait3A_557 = tpu.memref_squeeze %dma_wait3A_556 : memref<1x128xi32, #tpu.memory_space<vmem>> -> memref<128xi32, #tpu.memory_space<vmem>>
          %dma_wait3A_558 = arith.constant 0 : i32
          %dma_wait3A_559 = arith.constant 0 : i32
          %dma_wait3A_560 = tpu.memref_slice %arg13[%dma_wait3A_558, %dma_wait3A_559] : memref<16384x16xf32, #tpu.memory_space<vmem_shared>> -> memref<16384x16xf32, #tpu.memory_space<vmem_shared>>
          tpu.wait_indirect_dma semaphore(%arg15 : memref<!tpu.dma_semaphore, #tpu.memory_space<semaphore_mem>>) src(%dma_wait3A_554 : memref<128x16xf32, #tpu.memory_space<vmem>>) dst(%dma_wait3A_560 : memref<16384x16xf32, #tpu.memory_space<vmem_shared>>)
          %dma_wait3A_561 = arith.constant 1 : i32
          %dma_wait3A_562 = arith.constant 128 : i32
          %dma_wait3A_563 = arith.constant 0 : i32
          %dma_wait3A_564 = tpu.memref_slice %arg10[%dma_wait3A_562, %dma_wait3A_563] : memref<2560x16xf32, #tpu.memory_space<vmem>> -> memref<128x16xf32, #tpu.memory_space<vmem>>
          %dma_wait3A_565 = arith.constant 0 : i32
          %dma_wait3A_566 = tpu.memref_slice %arg8[%dma_wait3A_561, %dma_wait3A_565] : memref<20x128xi32, #tpu.memory_space<vmem>> -> memref<1x128xi32, #tpu.memory_space<vmem>>
          %dma_wait3A_567 = tpu.memref_squeeze %dma_wait3A_566 : memref<1x128xi32, #tpu.memory_space<vmem>> -> memref<128xi32, #tpu.memory_space<vmem>>
          %dma_wait3A_568 = arith.constant 0 : i32
          %dma_wait3A_569 = arith.constant 0 : i32
          %dma_wait3A_570 = tpu.memref_slice %arg13[%dma_wait3A_568, %dma_wait3A_569] : memref<16384x16xf32, #tpu.memory_space<vmem_shared>> -> memref<16384x16xf32, #tpu.memory_space<vmem_shared>>
          tpu.wait_indirect_dma semaphore(%arg15 : memref<!tpu.dma_semaphore, #tpu.memory_space<semaphore_mem>>) src(%dma_wait3A_564 : memref<128x16xf32, #tpu.memory_space<vmem>>) dst(%dma_wait3A_570 : memref<16384x16xf32, #tpu.memory_space<vmem_shared>>)
          %dma_wait3A_571 = arith.constant 2 : i32
          %dma_wait3A_572 = arith.constant 256 : i32
          %dma_wait3A_573 = arith.constant 0 : i32
          %dma_wait3A_574 = tpu.memref_slice %arg10[%dma_wait3A_572, %dma_wait3A_573] : memref<2560x16xf32, #tpu.memory_space<vmem>> -> memref<128x16xf32, #tpu.memory_space<vmem>>
          %dma_wait3A_575 = arith.constant 0 : i32
          %dma_wait3A_576 = tpu.memref_slice %arg8[%dma_wait3A_571, %dma_wait3A_575] : memref<20x128xi32, #tpu.memory_space<vmem>> -> memref<1x128xi32, #tpu.memory_space<vmem>>
          %dma_wait3A_577 = tpu.memref_squeeze %dma_wait3A_576 : memref<1x128xi32, #tpu.memory_space<vmem>> -> memref<128xi32, #tpu.memory_space<vmem>>
          %dma_wait3A_578 = arith.constant 0 : i32
          %dma_wait3A_579 = arith.constant 0 : i32
          %dma_wait3A_580 = tpu.memref_slice %arg13[%dma_wait3A_578, %dma_wait3A_579] : memref<16384x16xf32, #tpu.memory_space<vmem_shared>> -> memref<16384x16xf32, #tpu.memory_space<vmem_shared>>
          tpu.wait_indirect_dma semaphore(%arg15 : memref<!tpu.dma_semaphore, #tpu.memory_space<semaphore_mem>>) src(%dma_wait3A_574 : memref<128x16xf32, #tpu.memory_space<vmem>>) dst(%dma_wait3A_580 : memref<16384x16xf32, #tpu.memory_space<vmem_shared>>)
          %dma_wait3A_581 = arith.constant 3 : i32
          %dma_wait3A_582 = arith.constant 384 : i32
          %dma_wait3A_583 = arith.constant 0 : i32
          %dma_wait3A_584 = tpu.memref_slice %arg10[%dma_wait3A_582, %dma_wait3A_583] : memref<2560x16xf32, #tpu.memory_space<vmem>> -> memref<128x16xf32, #tpu.memory_space<vmem>>
          %dma_wait3A_585 = arith.constant 0 : i32
          %dma_wait3A_586 = tpu.memref_slice %arg8[%dma_wait3A_581, %dma_wait3A_585] : memref<20x128xi32, #tpu.memory_space<vmem>> -> memref<1x128xi32, #tpu.memory_space<vmem>>
          %dma_wait3A_587 = tpu.memref_squeeze %dma_wait3A_586 : memref<1x128xi32, #tpu.memory_space<vmem>> -> memref<128xi32, #tpu.memory_space<vmem>>
          %dma_wait3A_588 = arith.constant 0 : i32
          %dma_wait3A_589 = arith.constant 0 : i32
          %dma_wait3A_590 = tpu.memref_slice %arg13[%dma_wait3A_588, %dma_wait3A_589] : memref<16384x16xf32, #tpu.memory_space<vmem_shared>> -> memref<16384x16xf32, #tpu.memory_space<vmem_shared>>
          tpu.wait_indirect_dma semaphore(%arg15 : memref<!tpu.dma_semaphore, #tpu.memory_space<semaphore_mem>>) src(%dma_wait3A_584 : memref<128x16xf32, #tpu.memory_space<vmem>>) dst(%dma_wait3A_590 : memref<16384x16xf32, #tpu.memory_space<vmem_shared>>)
          %dma_wait3A_591 = arith.constant 4 : i32
          %dma_wait3A_592 = arith.constant 512 : i32
          %dma_wait3A_593 = arith.constant 0 : i32
          %dma_wait3A_594 = tpu.memref_slice %arg10[%dma_wait3A_592, %dma_wait3A_593] : memref<2560x16xf32, #tpu.memory_space<vmem>> -> memref<128x16xf32, #tpu.memory_space<vmem>>
          %dma_wait3A_595 = arith.constant 0 : i32
          %dma_wait3A_596 = tpu.memref_slice %arg8[%dma_wait3A_591, %dma_wait3A_595] : memref<20x128xi32, #tpu.memory_space<vmem>> -> memref<1x128xi32, #tpu.memory_space<vmem>>
          %dma_wait3A_597 = tpu.memref_squeeze %dma_wait3A_596 : memref<1x128xi32, #tpu.memory_space<vmem>> -> memref<128xi32, #tpu.memory_space<vmem>>
          %dma_wait3A_598 = arith.constant 0 : i32
          %dma_wait3A_599 = arith.constant 0 : i32
          %dma_wait3A_600 = tpu.memref_slice %arg13[%dma_wait3A_598, %dma_wait3A_599] : memref<16384x16xf32, #tpu.memory_space<vmem_shared>> -> memref<16384x16xf32, #tpu.memory_space<vmem_shared>>
          tpu.wait_indirect_dma semaphore(%arg15 : memref<!tpu.dma_semaphore, #tpu.memory_space<semaphore_mem>>) src(%dma_wait3A_594 : memref<128x16xf32, #tpu.memory_space<vmem>>) dst(%dma_wait3A_600 : memref<16384x16xf32, #tpu.memory_space<vmem_shared>>)
          %dma_wait3A_601 = arith.constant 5 : i32
          %dma_wait3A_602 = arith.constant 640 : i32
          %dma_wait3A_603 = arith.constant 0 : i32
          %dma_wait3A_604 = tpu.memref_slice %arg10[%dma_wait3A_602, %dma_wait3A_603] : memref<2560x16xf32, #tpu.memory_space<vmem>> -> memref<128x16xf32, #tpu.memory_space<vmem>>
          %dma_wait3A_605 = arith.constant 0 : i32
          %dma_wait3A_606 = tpu.memref_slice %arg8[%dma_wait3A_601, %dma_wait3A_605] : memref<20x128xi32, #tpu.memory_space<vmem>> -> memref<1x128xi32, #tpu.memory_space<vmem>>
          %dma_wait3A_607 = tpu.memref_squeeze %dma_wait3A_606 : memref<1x128xi32, #tpu.memory_space<vmem>> -> memref<128xi32, #tpu.memory_space<vmem>>
          %dma_wait3A_608 = arith.constant 0 : i32
          %dma_wait3A_609 = arith.constant 0 : i32
          %dma_wait3A_610 = tpu.memref_slice %arg13[%dma_wait3A_608, %dma_wait3A_609] : memref<16384x16xf32, #tpu.memory_space<vmem_shared>> -> memref<16384x16xf32, #tpu.memory_space<vmem_shared>>
          tpu.wait_indirect_dma semaphore(%arg15 : memref<!tpu.dma_semaphore, #tpu.memory_space<semaphore_mem>>) src(%dma_wait3A_604 : memref<128x16xf32, #tpu.memory_space<vmem>>) dst(%dma_wait3A_610 : memref<16384x16xf32, #tpu.memory_space<vmem_shared>>)
          %dma_wait3A_611 = arith.constant 6 : i32
          %dma_wait3A_612 = arith.constant 768 : i32
          %dma_wait3A_613 = arith.constant 0 : i32
          %dma_wait3A_614 = tpu.memref_slice %arg10[%dma_wait3A_612, %dma_wait3A_613] : memref<2560x16xf32, #tpu.memory_space<vmem>> -> memref<128x16xf32, #tpu.memory_space<vmem>>
          %dma_wait3A_615 = arith.constant 0 : i32
          %dma_wait3A_616 = tpu.memref_slice %arg8[%dma_wait3A_611, %dma_wait3A_615] : memref<20x128xi32, #tpu.memory_space<vmem>> -> memref<1x128xi32, #tpu.memory_space<vmem>>
          %dma_wait3A_617 = tpu.memref_squeeze %dma_wait3A_616 : memref<1x128xi32, #tpu.memory_space<vmem>> -> memref<128xi32, #tpu.memory_space<vmem>>
          %dma_wait3A_618 = arith.constant 0 : i32
          %dma_wait3A_619 = arith.constant 0 : i32
          %dma_wait3A_620 = tpu.memref_slice %arg13[%dma_wait3A_618, %dma_wait3A_619] : memref<16384x16xf32, #tpu.memory_space<vmem_shared>> -> memref<16384x16xf32, #tpu.memory_space<vmem_shared>>
          tpu.wait_indirect_dma semaphore(%arg15 : memref<!tpu.dma_semaphore, #tpu.memory_space<semaphore_mem>>) src(%dma_wait3A_614 : memref<128x16xf32, #tpu.memory_space<vmem>>) dst(%dma_wait3A_620 : memref<16384x16xf32, #tpu.memory_space<vmem_shared>>)
          %dma_wait3A_621 = arith.constant 7 : i32
          %dma_wait3A_622 = arith.constant 896 : i32
          %dma_wait3A_623 = arith.constant 0 : i32
          %dma_wait3A_624 = tpu.memref_slice %arg10[%dma_wait3A_622, %dma_wait3A_623] : memref<2560x16xf32, #tpu.memory_space<vmem>> -> memref<128x16xf32, #tpu.memory_space<vmem>>
          %dma_wait3A_625 = arith.constant 0 : i32
          %dma_wait3A_626 = tpu.memref_slice %arg8[%dma_wait3A_621, %dma_wait3A_625] : memref<20x128xi32, #tpu.memory_space<vmem>> -> memref<1x128xi32, #tpu.memory_space<vmem>>
          %dma_wait3A_627 = tpu.memref_squeeze %dma_wait3A_626 : memref<1x128xi32, #tpu.memory_space<vmem>> -> memref<128xi32, #tpu.memory_space<vmem>>
          %dma_wait3A_628 = arith.constant 0 : i32
          %dma_wait3A_629 = arith.constant 0 : i32
          %dma_wait3A_630 = tpu.memref_slice %arg13[%dma_wait3A_628, %dma_wait3A_629] : memref<16384x16xf32, #tpu.memory_space<vmem_shared>> -> memref<16384x16xf32, #tpu.memory_space<vmem_shared>>
          tpu.wait_indirect_dma semaphore(%arg15 : memref<!tpu.dma_semaphore, #tpu.memory_space<semaphore_mem>>) src(%dma_wait3A_624 : memref<128x16xf32, #tpu.memory_space<vmem>>) dst(%dma_wait3A_630 : memref<16384x16xf32, #tpu.memory_space<vmem_shared>>)
          %dma_wait3A_631 = arith.constant 8 : i32
          %dma_wait3A_632 = arith.constant 1024 : i32
          %dma_wait3A_633 = arith.constant 0 : i32
          %dma_wait3A_634 = tpu.memref_slice %arg10[%dma_wait3A_632, %dma_wait3A_633] : memref<2560x16xf32, #tpu.memory_space<vmem>> -> memref<128x16xf32, #tpu.memory_space<vmem>>
          %dma_wait3A_635 = arith.constant 0 : i32
          %dma_wait3A_636 = tpu.memref_slice %arg8[%dma_wait3A_631, %dma_wait3A_635] : memref<20x128xi32, #tpu.memory_space<vmem>> -> memref<1x128xi32, #tpu.memory_space<vmem>>
          %dma_wait3A_637 = tpu.memref_squeeze %dma_wait3A_636 : memref<1x128xi32, #tpu.memory_space<vmem>> -> memref<128xi32, #tpu.memory_space<vmem>>
          %dma_wait3A_638 = arith.constant 0 : i32
          %dma_wait3A_639 = arith.constant 0 : i32
          %dma_wait3A_640 = tpu.memref_slice %arg13[%dma_wait3A_638, %dma_wait3A_639] : memref<16384x16xf32, #tpu.memory_space<vmem_shared>> -> memref<16384x16xf32, #tpu.memory_space<vmem_shared>>
          tpu.wait_indirect_dma semaphore(%arg15 : memref<!tpu.dma_semaphore, #tpu.memory_space<semaphore_mem>>) src(%dma_wait3A_634 : memref<128x16xf32, #tpu.memory_space<vmem>>) dst(%dma_wait3A_640 : memref<16384x16xf32, #tpu.memory_space<vmem_shared>>)
          %dma_wait3A_641 = arith.constant 9 : i32
          %dma_wait3A_642 = arith.constant 1152 : i32
          %dma_wait3A_643 = arith.constant 0 : i32
          %dma_wait3A_644 = tpu.memref_slice %arg10[%dma_wait3A_642, %dma_wait3A_643] : memref<2560x16xf32, #tpu.memory_space<vmem>> -> memref<128x16xf32, #tpu.memory_space<vmem>>
          %dma_wait3A_645 = arith.constant 0 : i32
          %dma_wait3A_646 = tpu.memref_slice %arg8[%dma_wait3A_641, %dma_wait3A_645] : memref<20x128xi32, #tpu.memory_space<vmem>> -> memref<1x128xi32, #tpu.memory_space<vmem>>
          %dma_wait3A_647 = tpu.memref_squeeze %dma_wait3A_646 : memref<1x128xi32, #tpu.memory_space<vmem>> -> memref<128xi32, #tpu.memory_space<vmem>>
          %dma_wait3A_648 = arith.constant 0 : i32
          %dma_wait3A_649 = arith.constant 0 : i32
          %dma_wait3A_650 = tpu.memref_slice %arg13[%dma_wait3A_648, %dma_wait3A_649] : memref<16384x16xf32, #tpu.memory_space<vmem_shared>> -> memref<16384x16xf32, #tpu.memory_space<vmem_shared>>
          tpu.wait_indirect_dma semaphore(%arg15 : memref<!tpu.dma_semaphore, #tpu.memory_space<semaphore_mem>>) src(%dma_wait3A_644 : memref<128x16xf32, #tpu.memory_space<vmem>>) dst(%dma_wait3A_650 : memref<16384x16xf32, #tpu.memory_space<vmem_shared>>)
          %dma_wait3A_651 = arith.constant 10 : i32
          %dma_wait3A_652 = arith.constant 1280 : i32
          %dma_wait3A_653 = arith.constant 0 : i32
          %dma_wait3A_654 = tpu.memref_slice %arg10[%dma_wait3A_652, %dma_wait3A_653] : memref<2560x16xf32, #tpu.memory_space<vmem>> -> memref<128x16xf32, #tpu.memory_space<vmem>>
          %dma_wait3A_655 = arith.constant 0 : i32
          %dma_wait3A_656 = tpu.memref_slice %arg8[%dma_wait3A_651, %dma_wait3A_655] : memref<20x128xi32, #tpu.memory_space<vmem>> -> memref<1x128xi32, #tpu.memory_space<vmem>>
          %dma_wait3A_657 = tpu.memref_squeeze %dma_wait3A_656 : memref<1x128xi32, #tpu.memory_space<vmem>> -> memref<128xi32, #tpu.memory_space<vmem>>
          %dma_wait3A_658 = arith.constant 0 : i32
          %dma_wait3A_659 = arith.constant 0 : i32
          %dma_wait3A_660 = tpu.memref_slice %arg13[%dma_wait3A_658, %dma_wait3A_659] : memref<16384x16xf32, #tpu.memory_space<vmem_shared>> -> memref<16384x16xf32, #tpu.memory_space<vmem_shared>>
          tpu.wait_indirect_dma semaphore(%arg15 : memref<!tpu.dma_semaphore, #tpu.memory_space<semaphore_mem>>) src(%dma_wait3A_654 : memref<128x16xf32, #tpu.memory_space<vmem>>) dst(%dma_wait3A_660 : memref<16384x16xf32, #tpu.memory_space<vmem_shared>>)
          %dma_wait3A_661 = arith.constant 11 : i32
          %dma_wait3A_662 = arith.constant 1408 : i32
          %dma_wait3A_663 = arith.constant 0 : i32
          %dma_wait3A_664 = tpu.memref_slice %arg10[%dma_wait3A_662, %dma_wait3A_663] : memref<2560x16xf32, #tpu.memory_space<vmem>> -> memref<128x16xf32, #tpu.memory_space<vmem>>
          %dma_wait3A_665 = arith.constant 0 : i32
          %dma_wait3A_666 = tpu.memref_slice %arg8[%dma_wait3A_661, %dma_wait3A_665] : memref<20x128xi32, #tpu.memory_space<vmem>> -> memref<1x128xi32, #tpu.memory_space<vmem>>
          %dma_wait3A_667 = tpu.memref_squeeze %dma_wait3A_666 : memref<1x128xi32, #tpu.memory_space<vmem>> -> memref<128xi32, #tpu.memory_space<vmem>>
          %dma_wait3A_668 = arith.constant 0 : i32
          %dma_wait3A_669 = arith.constant 0 : i32
          %dma_wait3A_670 = tpu.memref_slice %arg13[%dma_wait3A_668, %dma_wait3A_669] : memref<16384x16xf32, #tpu.memory_space<vmem_shared>> -> memref<16384x16xf32, #tpu.memory_space<vmem_shared>>
          tpu.wait_indirect_dma semaphore(%arg15 : memref<!tpu.dma_semaphore, #tpu.memory_space<semaphore_mem>>) src(%dma_wait3A_664 : memref<128x16xf32, #tpu.memory_space<vmem>>) dst(%dma_wait3A_670 : memref<16384x16xf32, #tpu.memory_space<vmem_shared>>)
          %dma_wait3A_671 = arith.constant 12 : i32
          %dma_wait3A_672 = arith.constant 1536 : i32
          %dma_wait3A_673 = arith.constant 0 : i32
          %dma_wait3A_674 = tpu.memref_slice %arg10[%dma_wait3A_672, %dma_wait3A_673] : memref<2560x16xf32, #tpu.memory_space<vmem>> -> memref<128x16xf32, #tpu.memory_space<vmem>>
          %dma_wait3A_675 = arith.constant 0 : i32
          %dma_wait3A_676 = tpu.memref_slice %arg8[%dma_wait3A_671, %dma_wait3A_675] : memref<20x128xi32, #tpu.memory_space<vmem>> -> memref<1x128xi32, #tpu.memory_space<vmem>>
          %dma_wait3A_677 = tpu.memref_squeeze %dma_wait3A_676 : memref<1x128xi32, #tpu.memory_space<vmem>> -> memref<128xi32, #tpu.memory_space<vmem>>
          %dma_wait3A_678 = arith.constant 0 : i32
          %dma_wait3A_679 = arith.constant 0 : i32
          %dma_wait3A_680 = tpu.memref_slice %arg13[%dma_wait3A_678, %dma_wait3A_679] : memref<16384x16xf32, #tpu.memory_space<vmem_shared>> -> memref<16384x16xf32, #tpu.memory_space<vmem_shared>>
          tpu.wait_indirect_dma semaphore(%arg15 : memref<!tpu.dma_semaphore, #tpu.memory_space<semaphore_mem>>) src(%dma_wait3A_674 : memref<128x16xf32, #tpu.memory_space<vmem>>) dst(%dma_wait3A_680 : memref<16384x16xf32, #tpu.memory_space<vmem_shared>>)
          %dma_wait3A_681 = arith.constant 13 : i32
          %dma_wait3A_682 = arith.constant 1664 : i32
          %dma_wait3A_683 = arith.constant 0 : i32
          %dma_wait3A_684 = tpu.memref_slice %arg10[%dma_wait3A_682, %dma_wait3A_683] : memref<2560x16xf32, #tpu.memory_space<vmem>> -> memref<128x16xf32, #tpu.memory_space<vmem>>
          %dma_wait3A_685 = arith.constant 0 : i32
          %dma_wait3A_686 = tpu.memref_slice %arg8[%dma_wait3A_681, %dma_wait3A_685] : memref<20x128xi32, #tpu.memory_space<vmem>> -> memref<1x128xi32, #tpu.memory_space<vmem>>
          %dma_wait3A_687 = tpu.memref_squeeze %dma_wait3A_686 : memref<1x128xi32, #tpu.memory_space<vmem>> -> memref<128xi32, #tpu.memory_space<vmem>>
          %dma_wait3A_688 = arith.constant 0 : i32
          %dma_wait3A_689 = arith.constant 0 : i32
          %dma_wait3A_690 = tpu.memref_slice %arg13[%dma_wait3A_688, %dma_wait3A_689] : memref<16384x16xf32, #tpu.memory_space<vmem_shared>> -> memref<16384x16xf32, #tpu.memory_space<vmem_shared>>
          tpu.wait_indirect_dma semaphore(%arg15 : memref<!tpu.dma_semaphore, #tpu.memory_space<semaphore_mem>>) src(%dma_wait3A_684 : memref<128x16xf32, #tpu.memory_space<vmem>>) dst(%dma_wait3A_690 : memref<16384x16xf32, #tpu.memory_space<vmem_shared>>)
          %dma_wait3A_691 = arith.constant 14 : i32
          %dma_wait3A_692 = arith.constant 1792 : i32
          %dma_wait3A_693 = arith.constant 0 : i32
          %dma_wait3A_694 = tpu.memref_slice %arg10[%dma_wait3A_692, %dma_wait3A_693] : memref<2560x16xf32, #tpu.memory_space<vmem>> -> memref<128x16xf32, #tpu.memory_space<vmem>>
          %dma_wait3A_695 = arith.constant 0 : i32
          %dma_wait3A_696 = tpu.memref_slice %arg8[%dma_wait3A_691, %dma_wait3A_695] : memref<20x128xi32, #tpu.memory_space<vmem>> -> memref<1x128xi32, #tpu.memory_space<vmem>>
          %dma_wait3A_697 = tpu.memref_squeeze %dma_wait3A_696 : memref<1x128xi32, #tpu.memory_space<vmem>> -> memref<128xi32, #tpu.memory_space<vmem>>
          %dma_wait3A_698 = arith.constant 0 : i32
          %dma_wait3A_699 = arith.constant 0 : i32
          %dma_wait3A_700 = tpu.memref_slice %arg13[%dma_wait3A_698, %dma_wait3A_699] : memref<16384x16xf32, #tpu.memory_space<vmem_shared>> -> memref<16384x16xf32, #tpu.memory_space<vmem_shared>>
          tpu.wait_indirect_dma semaphore(%arg15 : memref<!tpu.dma_semaphore, #tpu.memory_space<semaphore_mem>>) src(%dma_wait3A_694 : memref<128x16xf32, #tpu.memory_space<vmem>>) dst(%dma_wait3A_700 : memref<16384x16xf32, #tpu.memory_space<vmem_shared>>)
          %dma_wait3A_701 = arith.constant 15 : i32
          %dma_wait3A_702 = arith.constant 1920 : i32
          %dma_wait3A_703 = arith.constant 0 : i32
          %dma_wait3A_704 = tpu.memref_slice %arg10[%dma_wait3A_702, %dma_wait3A_703] : memref<2560x16xf32, #tpu.memory_space<vmem>> -> memref<128x16xf32, #tpu.memory_space<vmem>>
          %dma_wait3A_705 = arith.constant 0 : i32
          %dma_wait3A_706 = tpu.memref_slice %arg8[%dma_wait3A_701, %dma_wait3A_705] : memref<20x128xi32, #tpu.memory_space<vmem>> -> memref<1x128xi32, #tpu.memory_space<vmem>>
          %dma_wait3A_707 = tpu.memref_squeeze %dma_wait3A_706 : memref<1x128xi32, #tpu.memory_space<vmem>> -> memref<128xi32, #tpu.memory_space<vmem>>
          %dma_wait3A_708 = arith.constant 0 : i32
          %dma_wait3A_709 = arith.constant 0 : i32
          %dma_wait3A_710 = tpu.memref_slice %arg13[%dma_wait3A_708, %dma_wait3A_709] : memref<16384x16xf32, #tpu.memory_space<vmem_shared>> -> memref<16384x16xf32, #tpu.memory_space<vmem_shared>>
          tpu.wait_indirect_dma semaphore(%arg15 : memref<!tpu.dma_semaphore, #tpu.memory_space<semaphore_mem>>) src(%dma_wait3A_704 : memref<128x16xf32, #tpu.memory_space<vmem>>) dst(%dma_wait3A_710 : memref<16384x16xf32, #tpu.memory_space<vmem_shared>>)
          %dma_wait3A_711 = arith.constant 16 : i32
          %dma_wait3A_712 = arith.constant 2048 : i32
          %dma_wait3A_713 = arith.constant 0 : i32
          %dma_wait3A_714 = tpu.memref_slice %arg10[%dma_wait3A_712, %dma_wait3A_713] : memref<2560x16xf32, #tpu.memory_space<vmem>> -> memref<128x16xf32, #tpu.memory_space<vmem>>
          %dma_wait3A_715 = arith.constant 0 : i32
          %dma_wait3A_716 = tpu.memref_slice %arg8[%dma_wait3A_711, %dma_wait3A_715] : memref<20x128xi32, #tpu.memory_space<vmem>> -> memref<1x128xi32, #tpu.memory_space<vmem>>
          %dma_wait3A_717 = tpu.memref_squeeze %dma_wait3A_716 : memref<1x128xi32, #tpu.memory_space<vmem>> -> memref<128xi32, #tpu.memory_space<vmem>>
          %dma_wait3A_718 = arith.constant 0 : i32
          %dma_wait3A_719 = arith.constant 0 : i32
          %dma_wait3A_720 = tpu.memref_slice %arg13[%dma_wait3A_718, %dma_wait3A_719] : memref<16384x16xf32, #tpu.memory_space<vmem_shared>> -> memref<16384x16xf32, #tpu.memory_space<vmem_shared>>
          tpu.wait_indirect_dma semaphore(%arg15 : memref<!tpu.dma_semaphore, #tpu.memory_space<semaphore_mem>>) src(%dma_wait3A_714 : memref<128x16xf32, #tpu.memory_space<vmem>>) dst(%dma_wait3A_720 : memref<16384x16xf32, #tpu.memory_space<vmem_shared>>)
          %dma_wait3A_721 = arith.constant 17 : i32
          %dma_wait3A_722 = arith.constant 2176 : i32
          %dma_wait3A_723 = arith.constant 0 : i32
          %dma_wait3A_724 = tpu.memref_slice %arg10[%dma_wait3A_722, %dma_wait3A_723] : memref<2560x16xf32, #tpu.memory_space<vmem>> -> memref<128x16xf32, #tpu.memory_space<vmem>>
          %dma_wait3A_725 = arith.constant 0 : i32
          %dma_wait3A_726 = tpu.memref_slice %arg8[%dma_wait3A_721, %dma_wait3A_725] : memref<20x128xi32, #tpu.memory_space<vmem>> -> memref<1x128xi32, #tpu.memory_space<vmem>>
          %dma_wait3A_727 = tpu.memref_squeeze %dma_wait3A_726 : memref<1x128xi32, #tpu.memory_space<vmem>> -> memref<128xi32, #tpu.memory_space<vmem>>
          %dma_wait3A_728 = arith.constant 0 : i32
          %dma_wait3A_729 = arith.constant 0 : i32
          %dma_wait3A_730 = tpu.memref_slice %arg13[%dma_wait3A_728, %dma_wait3A_729] : memref<16384x16xf32, #tpu.memory_space<vmem_shared>> -> memref<16384x16xf32, #tpu.memory_space<vmem_shared>>
          tpu.wait_indirect_dma semaphore(%arg15 : memref<!tpu.dma_semaphore, #tpu.memory_space<semaphore_mem>>) src(%dma_wait3A_724 : memref<128x16xf32, #tpu.memory_space<vmem>>) dst(%dma_wait3A_730 : memref<16384x16xf32, #tpu.memory_space<vmem_shared>>)
          %dma_wait3A_731 = arith.constant 18 : i32
          %dma_wait3A_732 = arith.constant 2304 : i32
          %dma_wait3A_733 = arith.constant 0 : i32
          %dma_wait3A_734 = tpu.memref_slice %arg10[%dma_wait3A_732, %dma_wait3A_733] : memref<2560x16xf32, #tpu.memory_space<vmem>> -> memref<128x16xf32, #tpu.memory_space<vmem>>
          %dma_wait3A_735 = arith.constant 0 : i32
          %dma_wait3A_736 = tpu.memref_slice %arg8[%dma_wait3A_731, %dma_wait3A_735] : memref<20x128xi32, #tpu.memory_space<vmem>> -> memref<1x128xi32, #tpu.memory_space<vmem>>
          %dma_wait3A_737 = tpu.memref_squeeze %dma_wait3A_736 : memref<1x128xi32, #tpu.memory_space<vmem>> -> memref<128xi32, #tpu.memory_space<vmem>>
          %dma_wait3A_738 = arith.constant 0 : i32
          %dma_wait3A_739 = arith.constant 0 : i32
          %dma_wait3A_740 = tpu.memref_slice %arg13[%dma_wait3A_738, %dma_wait3A_739] : memref<16384x16xf32, #tpu.memory_space<vmem_shared>> -> memref<16384x16xf32, #tpu.memory_space<vmem_shared>>
          tpu.wait_indirect_dma semaphore(%arg15 : memref<!tpu.dma_semaphore, #tpu.memory_space<semaphore_mem>>) src(%dma_wait3A_734 : memref<128x16xf32, #tpu.memory_space<vmem>>) dst(%dma_wait3A_740 : memref<16384x16xf32, #tpu.memory_space<vmem_shared>>)
          %dma_wait3A_741 = arith.constant 19 : i32
          %dma_wait3A_742 = arith.constant 2432 : i32
          %dma_wait3A_743 = arith.constant 0 : i32
          %dma_wait3A_744 = tpu.memref_slice %arg10[%dma_wait3A_742, %dma_wait3A_743] : memref<2560x16xf32, #tpu.memory_space<vmem>> -> memref<128x16xf32, #tpu.memory_space<vmem>>
          %dma_wait3A_745 = arith.constant 0 : i32
          %dma_wait3A_746 = tpu.memref_slice %arg8[%dma_wait3A_741, %dma_wait3A_745] : memref<20x128xi32, #tpu.memory_space<vmem>> -> memref<1x128xi32, #tpu.memory_space<vmem>>
          %dma_wait3A_747 = tpu.memref_squeeze %dma_wait3A_746 : memref<1x128xi32, #tpu.memory_space<vmem>> -> memref<128xi32, #tpu.memory_space<vmem>>
          %dma_wait3A_748 = arith.constant 0 : i32
          %dma_wait3A_749 = arith.constant 0 : i32
          %dma_wait3A_750 = tpu.memref_slice %arg13[%dma_wait3A_748, %dma_wait3A_749] : memref<16384x16xf32, #tpu.memory_space<vmem_shared>> -> memref<16384x16xf32, #tpu.memory_space<vmem_shared>>
          tpu.wait_indirect_dma semaphore(%arg15 : memref<!tpu.dma_semaphore, #tpu.memory_space<semaphore_mem>>) src(%dma_wait3A_744 : memref<128x16xf32, #tpu.memory_space<vmem>>) dst(%dma_wait3A_750 : memref<16384x16xf32, #tpu.memory_space<vmem_shared>>)
        } else {
        }
        %add3A_334 = arith.constant 1 : i32
        %add3A_335 = arith.addi %scan3A_291, %add3A_334 : i32
        %lt3A_336 = arith.constant 20 : i32
        %lt3A_337 = arith.cmpi slt, %add3A_335, %lt3A_336 : i32
        %convert_element_type3A_338 = arith.extui %lt3A_337 : i1 to i32
        %cond3A_339 = arith.constant 0 : i32
        %cond3A_340 = arith.cmpi ne, %convert_element_type3A_338, %cond3A_339 : i32
        scf.if %cond3A_340 {
          %add3A_551 = arith.constant 1 : i32
          %add3A_552 = arith.addi %scan3A_291, %add3A_551 : i32
          %mul3A_553 = arith.constant 51200 : i32
          %mul3A_554 = arith.muli %add3A, %mul3A_553 : i32
          %mul3A_555 = arith.constant 2560 : i32
          %mul3A_556 = arith.muli %add3A_552, %mul3A_555 : i32
          %add3A_557 = arith.addi %mul3A_554, %mul3A_556 : i32
          %dma_start3A_558 = tpu.memref_slice %arg2[%add3A_557] : memref<1638400xi32, #tpu.memory_space<hbm>> -> memref<2560xi32, #tpu.memory_space<hbm>>
          %dma_start3A_559 = tpu.memref_slice %arg2[%add3A_557] : memref<1638400xi32, #tpu.memory_space<hbm>> -> memref<2560xi32, #tpu.memory_space<hbm>>
          tpu.enqueue_dma source(%dma_start3A_559 : memref<2560xi32, #tpu.memory_space<hbm>>) target(%arg6 : memref<2560xi32, #tpu.memory_space<vmem>>) target_semaphore(%arg17 : memref<!tpu.dma_semaphore, #tpu.memory_space<semaphore_mem>>)
          %jit3A_560 = arith.constant 128 : i32
          %div3A_561 = arith.divsi %add3A_557, %jit3A_560 : i32
          %sign3A_562 = arith.constant 0 : i32
          %sign3A_563 = arith.cmpi sgt, %add3A_557, %sign3A_562 : i32
          %sign3A_564 = arith.extui %sign3A_563 : i1 to i32
          %sign3A_565 = arith.constant 0 : i32
          %sign3A_566 = arith.cmpi slt, %add3A_557, %sign3A_565 : i32
          %sign3A_567 = arith.extui %sign3A_566 : i1 to i32
          %sign3A_568 = arith.subi %sign3A_564, %sign3A_567 : i32
          %sign3A_569 = arith.constant 0 : i32
          %sign3A_570 = arith.cmpi sgt, %jit3A_560, %sign3A_569 : i32
          %sign3A_571 = arith.extui %sign3A_570 : i1 to i32
          %sign3A_572 = arith.constant 0 : i32
          %sign3A_573 = arith.cmpi slt, %jit3A_560, %sign3A_572 : i32
          %sign3A_574 = arith.extui %sign3A_573 : i1 to i32
          %sign3A_575 = arith.subi %sign3A_571, %sign3A_574 : i32
          %ne3A_576 = arith.cmpi ne, %sign3A_568, %sign3A_575 : i32
          %rem3A_577 = arith.remsi %add3A_557, %jit3A_560 : i32
          %ne3A_578 = arith.constant 0 : i32
          %ne3A_579 = arith.cmpi ne, %rem3A_577, %ne3A_578 : i32
          %and3A_580 = arith.andi %ne3A_576, %ne3A_579 : i1
          %sub3A_581 = arith.constant 1 : i32
          %sub3A_582 = arith.subi %div3A_561, %sub3A_581 : i32
          %select_n3A_583 = arith.select %and3A_580, %sub3A_582, %div3A_561 : i32
          %dma_start3A_584 = arith.constant 0 : i32
          %dma_start3A_585 = tpu.memref_slice %arg3[%select_n3A_583, %dma_start3A_584] : memref<12800x128xi32, #tpu.memory_space<hbm>> -> memref<20x128xi32, #tpu.memory_space<hbm>>
          %dma_start3A_586 = arith.constant 0 : i32
          %dma_start3A_587 = tpu.memref_slice %arg3[%select_n3A_583, %dma_start3A_586] : memref<12800x128xi32, #tpu.memory_space<hbm>> -> memref<20x128xi32, #tpu.memory_space<hbm>>
          tpu.enqueue_dma source(%dma_start3A_587 : memref<20x128xi32, #tpu.memory_space<hbm>>) target(%arg8 : memref<20x128xi32, #tpu.memory_space<vmem>>) target_semaphore(%arg17 : memref<!tpu.dma_semaphore, #tpu.memory_space<semaphore_mem>>)
          %dma_wait3A_588 = tpu.memref_slice %arg2[%add3A_557] : memref<1638400xi32, #tpu.memory_space<hbm>> -> memref<2560xi32, #tpu.memory_space<hbm>>
          %dma_wait3A_589 = tpu.memref_slice %arg2[%add3A_557] : memref<1638400xi32, #tpu.memory_space<hbm>> -> memref<2560xi32, #tpu.memory_space<hbm>>
          tpu.wait_dma2 semaphore(%arg17 : memref<!tpu.dma_semaphore, #tpu.memory_space<semaphore_mem>>) src(%dma_wait3A_589 : memref<2560xi32, #tpu.memory_space<hbm>>) dst(%arg6 : memref<2560xi32, #tpu.memory_space<vmem>>)
          %dma_wait3A_590 = arith.constant 0 : i32
          %dma_wait3A_591 = tpu.memref_slice %arg3[%select_n3A_583, %dma_wait3A_590] : memref<12800x128xi32, #tpu.memory_space<hbm>> -> memref<20x128xi32, #tpu.memory_space<hbm>>
          %dma_wait3A_592 = arith.constant 0 : i32
          %dma_wait3A_593 = tpu.memref_slice %arg3[%select_n3A_583, %dma_wait3A_592] : memref<12800x128xi32, #tpu.memory_space<hbm>> -> memref<20x128xi32, #tpu.memory_space<hbm>>
          tpu.wait_dma2 semaphore(%arg17 : memref<!tpu.dma_semaphore, #tpu.memory_space<semaphore_mem>>) src(%dma_wait3A_593 : memref<20x128xi32, #tpu.memory_space<hbm>>) dst(%arg8 : memref<20x128xi32, #tpu.memory_space<vmem>>)
          %scan3A_594 = arith.constant 0 : i32
          %scan3A_595 = arith.constant 0 : i32
          %scan3A_596 = arith.constant 160 : i32
          %scan3A_597 = arith.addi %scan3A_595, %scan3A_596 : i32
          %scan3A_598 = arith.constant 8 : i32
          scf.for %scan3A_600 = %scan3A_595 to %scan3A_597 step %scan3A_598  : i32 {
            %mul3A_601 = arith.constant 16 : i32
            %mul3A_602 = arith.muli %scan3A_600, %mul3A_601 : i32
            %get3A = arith.index_cast %mul3A_602 : i32 to index
            %get3A_603 = tpu.vector_load %arg6[%get3A] {strides = array<i32>} : memref<2560xi32, #tpu.memory_space<vmem>>, vector<16xi32>,
            %get3A_604 = vector.shape_cast %get3A_603 : vector<16xi32> to vector<16xi32>
            %and3A_605 = arith.constant -16384 : i32
            %and3A_606 = vector.broadcast %and3A_605 : i32 to vector<16xi32>
            %and3A_607 = arith.andi %get3A_604, %and3A_606 : vector<16xi32>
            %and3A_608 = arith.constant 2047 : i32
            %and3A_609 = vector.broadcast %and3A_608 : i32 to vector<16xi32>
            %and3A_610 = arith.andi %get3A_604, %and3A_609 : vector<16xi32>
            %shift_left3A = arith.constant 3 : i32
            %shift_left3A_611 = vector.broadcast %shift_left3A : i32 to vector<16xi32>
            %shift_left3A_612 = arith.shli %and3A_610, %shift_left3A_611 : vector<16xi32>
            %or3A = arith.ori %and3A_607, %shift_left3A_612 : vector<16xi32>
            %shift_right_arithmetic3A = arith.constant 11 : i32
            %shift_right_arithmetic3A_613 = vector.broadcast %shift_right_arithmetic3A : i32 to vector<16xi32>
            %shift_right_arithmetic3A_614 = arith.shrsi %get3A_604, %shift_right_arithmetic3A_613 : vector<16xi32>
            %and3A_615 = arith.constant 7 : i32
            %and3A_616 = vector.broadcast %and3A_615 : i32 to vector<16xi32>
            %and3A_617 = arith.andi %shift_right_arithmetic3A_614, %and3A_616 : vector<16xi32>
            %or3A_618 = arith.ori %or3A, %and3A_617 : vector<16xi32>
            %mul3A_619 = arith.constant 16 : i32
            %mul3A_620 = arith.muli %scan3A_600, %mul3A_619 : i32
            %swap3A = arith.index_cast %mul3A_620 : i32 to index
            %swap3A_621 = tpu.vector_load %arg6[%swap3A] {strides = array<i32>} : memref<2560xi32, #tpu.memory_space<vmem>>, vector<16xi32>,
            %swap3A_622 = vector.shape_cast %swap3A_621 : vector<16xi32> to vector<16xi32>
            %swap3A_623 = vector.shape_cast %or3A_618 : vector<16xi32> to vector<16xi32>
            tpu.vector_store %arg6[%swap3A], %swap3A_623 {strides = array<i32>} : memref<2560xi32, #tpu.memory_space<vmem>>, vector<16xi32>,
            %scan3A_624 = arith.constant 1 : i32
            %scan3A_625 = arith.addi %scan3A_600, %scan3A_624 : i32
            %mul3A_626 = arith.constant 16 : i32
            %mul3A_627 = arith.muli %scan3A_625, %mul3A_626 : i32
            %get3A_628 = arith.index_cast %mul3A_627 : i32 to index
            %get3A_629 = tpu.vector_load %arg6[%get3A_628] {strides = array<i32>} : memref<2560xi32, #tpu.memory_space<vmem>>, vector<16xi32>,
            %get3A_630 = vector.shape_cast %get3A_629 : vector<16xi32> to vector<16xi32>
            %and3A_631 = arith.constant -16384 : i32
            %and3A_632 = vector.broadcast %and3A_631 : i32 to vector<16xi32>
            %and3A_633 = arith.andi %get3A_630, %and3A_632 : vector<16xi32>
            %and3A_634 = arith.constant 2047 : i32
            %and3A_635 = vector.broadcast %and3A_634 : i32 to vector<16xi32>
            %and3A_636 = arith.andi %get3A_630, %and3A_635 : vector<16xi32>
            %shift_left3A_637 = arith.constant 3 : i32
            %shift_left3A_638 = vector.broadcast %shift_left3A_637 : i32 to vector<16xi32>
            %shift_left3A_639 = arith.shli %and3A_636, %shift_left3A_638 : vector<16xi32>
            %or3A_640 = arith.ori %and3A_633, %shift_left3A_639 : vector<16xi32>
            %shift_right_arithmetic3A_641 = arith.constant 11 : i32
            %shift_right_arithmetic3A_642 = vector.broadcast %shift_right_arithmetic3A_641 : i32 to vector<16xi32>
            %shift_right_arithmetic3A_643 = arith.shrsi %get3A_630, %shift_right_arithmetic3A_642 : vector<16xi32>
            %and3A_644 = arith.constant 7 : i32
            %and3A_645 = vector.broadcast %and3A_644 : i32 to vector<16xi32>
            %and3A_646 = arith.andi %shift_right_arithmetic3A_643, %and3A_645 : vector<16xi32>
            %or3A_647 = arith.ori %or3A_640, %and3A_646 : vector<16xi32>
            %mul3A_648 = arith.constant 16 : i32
            %mul3A_649 = arith.muli %scan3A_625, %mul3A_648 : i32
            %swap3A_650 = arith.index_cast %mul3A_649 : i32 to index
            %swap3A_651 = tpu.vector_load %arg6[%swap3A_650] {strides = array<i32>} : memref<2560xi32, #tpu.memory_space<vmem>>, vector<16xi32>,
            %swap3A_652 = vector.shape_cast %swap3A_651 : vector<16xi32> to vector<16xi32>
            %swap3A_653 = vector.shape_cast %or3A_647 : vector<16xi32> to vector<16xi32>
            tpu.vector_store %arg6[%swap3A_650], %swap3A_653 {strides = array<i32>} : memref<2560xi32, #tpu.memory_space<vmem>>, vector<16xi32>,
            %scan3A_654 = arith.constant 2 : i32
            %scan3A_655 = arith.addi %scan3A_600, %scan3A_654 : i32
            %mul3A_656 = arith.constant 16 : i32
            %mul3A_657 = arith.muli %scan3A_655, %mul3A_656 : i32
            %get3A_658 = arith.index_cast %mul3A_657 : i32 to index
            %get3A_659 = tpu.vector_load %arg6[%get3A_658] {strides = array<i32>} : memref<2560xi32, #tpu.memory_space<vmem>>, vector<16xi32>,
            %get3A_660 = vector.shape_cast %get3A_659 : vector<16xi32> to vector<16xi32>
            %and3A_661 = arith.constant -16384 : i32
            %and3A_662 = vector.broadcast %and3A_661 : i32 to vector<16xi32>
            %and3A_663 = arith.andi %get3A_660, %and3A_662 : vector<16xi32>
            %and3A_664 = arith.constant 2047 : i32
            %and3A_665 = vector.broadcast %and3A_664 : i32 to vector<16xi32>
            %and3A_666 = arith.andi %get3A_660, %and3A_665 : vector<16xi32>
            %shift_left3A_667 = arith.constant 3 : i32
            %shift_left3A_668 = vector.broadcast %shift_left3A_667 : i32 to vector<16xi32>
            %shift_left3A_669 = arith.shli %and3A_666, %shift_left3A_668 : vector<16xi32>
            %or3A_670 = arith.ori %and3A_663, %shift_left3A_669 : vector<16xi32>
            %shift_right_arithmetic3A_671 = arith.constant 11 : i32
            %shift_right_arithmetic3A_672 = vector.broadcast %shift_right_arithmetic3A_671 : i32 to vector<16xi32>
            %shift_right_arithmetic3A_673 = arith.shrsi %get3A_660, %shift_right_arithmetic3A_672 : vector<16xi32>
            %and3A_674 = arith.constant 7 : i32
            %and3A_675 = vector.broadcast %and3A_674 : i32 to vector<16xi32>
            %and3A_676 = arith.andi %shift_right_arithmetic3A_673, %and3A_675 : vector<16xi32>
            %or3A_677 = arith.ori %or3A_670, %and3A_676 : vector<16xi32>
            %mul3A_678 = arith.constant 16 : i32
            %mul3A_679 = arith.muli %scan3A_655, %mul3A_678 : i32
            %swap3A_680 = arith.index_cast %mul3A_679 : i32 to index
            %swap3A_681 = tpu.vector_load %arg6[%swap3A_680] {strides = array<i32>} : memref<2560xi32, #tpu.memory_space<vmem>>, vector<16xi32>,
            %swap3A_682 = vector.shape_cast %swap3A_681 : vector<16xi32> to vector<16xi32>
            %swap3A_683 = vector.shape_cast %or3A_677 : vector<16xi32> to vector<16xi32>
            tpu.vector_store %arg6[%swap3A_680], %swap3A_683 {strides = array<i32>} : memref<2560xi32, #tpu.memory_space<vmem>>, vector<16xi32>,
            %scan3A_684 = arith.constant 3 : i32
            %scan3A_685 = arith.addi %scan3A_600, %scan3A_684 : i32
            %mul3A_686 = arith.constant 16 : i32
            %mul3A_687 = arith.muli %scan3A_685, %mul3A_686 : i32
            %get3A_688 = arith.index_cast %mul3A_687 : i32 to index
            %get3A_689 = tpu.vector_load %arg6[%get3A_688] {strides = array<i32>} : memref<2560xi32, #tpu.memory_space<vmem>>, vector<16xi32>,
            %get3A_690 = vector.shape_cast %get3A_689 : vector<16xi32> to vector<16xi32>
            %and3A_691 = arith.constant -16384 : i32
            %and3A_692 = vector.broadcast %and3A_691 : i32 to vector<16xi32>
            %and3A_693 = arith.andi %get3A_690, %and3A_692 : vector<16xi32>
            %and3A_694 = arith.constant 2047 : i32
            %and3A_695 = vector.broadcast %and3A_694 : i32 to vector<16xi32>
            %and3A_696 = arith.andi %get3A_690, %and3A_695 : vector<16xi32>
            %shift_left3A_697 = arith.constant 3 : i32
            %shift_left3A_698 = vector.broadcast %shift_left3A_697 : i32 to vector<16xi32>
            %shift_left3A_699 = arith.shli %and3A_696, %shift_left3A_698 : vector<16xi32>
            %or3A_700 = arith.ori %and3A_693, %shift_left3A_699 : vector<16xi32>
            %shift_right_arithmetic3A_701 = arith.constant 11 : i32
            %shift_right_arithmetic3A_702 = vector.broadcast %shift_right_arithmetic3A_701 : i32 to vector<16xi32>
            %shift_right_arithmetic3A_703 = arith.shrsi %get3A_690, %shift_right_arithmetic3A_702 : vector<16xi32>
            %and3A_704 = arith.constant 7 : i32
            %and3A_705 = vector.broadcast %and3A_704 : i32 to vector<16xi32>
            %and3A_706 = arith.andi %shift_right_arithmetic3A_703, %and3A_705 : vector<16xi32>
            %or3A_707 = arith.ori %or3A_700, %and3A_706 : vector<16xi32>
            %mul3A_708 = arith.constant 16 : i32
            %mul3A_709 = arith.muli %scan3A_685, %mul3A_708 : i32
            %swap3A_710 = arith.index_cast %mul3A_709 : i32 to index
            %swap3A_711 = tpu.vector_load %arg6[%swap3A_710] {strides = array<i32>} : memref<2560xi32, #tpu.memory_space<vmem>>, vector<16xi32>,
            %swap3A_712 = vector.shape_cast %swap3A_711 : vector<16xi32> to vector<16xi32>
            %swap3A_713 = vector.shape_cast %or3A_707 : vector<16xi32> to vector<16xi32>
            tpu.vector_store %arg6[%swap3A_710], %swap3A_713 {strides = array<i32>} : memref<2560xi32, #tpu.memory_space<vmem>>, vector<16xi32>,
            %scan3A_714 = arith.constant 4 : i32
            %scan3A_715 = arith.addi %scan3A_600, %scan3A_714 : i32
            %mul3A_716 = arith.constant 16 : i32
            %mul3A_717 = arith.muli %scan3A_715, %mul3A_716 : i32
            %get3A_718 = arith.index_cast %mul3A_717 : i32 to index
            %get3A_719 = tpu.vector_load %arg6[%get3A_718] {strides = array<i32>} : memref<2560xi32, #tpu.memory_space<vmem>>, vector<16xi32>,
            %get3A_720 = vector.shape_cast %get3A_719 : vector<16xi32> to vector<16xi32>
            %and3A_721 = arith.constant -16384 : i32
            %and3A_722 = vector.broadcast %and3A_721 : i32 to vector<16xi32>
            %and3A_723 = arith.andi %get3A_720, %and3A_722 : vector<16xi32>
            %and3A_724 = arith.constant 2047 : i32
            %and3A_725 = vector.broadcast %and3A_724 : i32 to vector<16xi32>
            %and3A_726 = arith.andi %get3A_720, %and3A_725 : vector<16xi32>
            %shift_left3A_727 = arith.constant 3 : i32
            %shift_left3A_728 = vector.broadcast %shift_left3A_727 : i32 to vector<16xi32>
            %shift_left3A_729 = arith.shli %and3A_726, %shift_left3A_728 : vector<16xi32>
            %or3A_730 = arith.ori %and3A_723, %shift_left3A_729 : vector<16xi32>
            %shift_right_arithmetic3A_731 = arith.constant 11 : i32
            %shift_right_arithmetic3A_732 = vector.broadcast %shift_right_arithmetic3A_731 : i32 to vector<16xi32>
            %shift_right_arithmetic3A_733 = arith.shrsi %get3A_720, %shift_right_arithmetic3A_732 : vector<16xi32>
            %and3A_734 = arith.constant 7 : i32
            %and3A_735 = vector.broadcast %and3A_734 : i32 to vector<16xi32>
            %and3A_736 = arith.andi %shift_right_arithmetic3A_733, %and3A_735 : vector<16xi32>
            %or3A_737 = arith.ori %or3A_730, %and3A_736 : vector<16xi32>
            %mul3A_738 = arith.constant 16 : i32
            %mul3A_739 = arith.muli %scan3A_715, %mul3A_738 : i32
            %swap3A_740 = arith.index_cast %mul3A_739 : i32 to index
            %swap3A_741 = tpu.vector_load %arg6[%swap3A_740] {strides = array<i32>} : memref<2560xi32, #tpu.memory_space<vmem>>, vector<16xi32>,
            %swap3A_742 = vector.shape_cast %swap3A_741 : vector<16xi32> to vector<16xi32>
            %swap3A_743 = vector.shape_cast %or3A_737 : vector<16xi32> to vector<16xi32>
            tpu.vector_store %arg6[%swap3A_740], %swap3A_743 {strides = array<i32>} : memref<2560xi32, #tpu.memory_space<vmem>>, vector<16xi32>,
            %scan3A_744 = arith.constant 5 : i32
            %scan3A_745 = arith.addi %scan3A_600, %scan3A_744 : i32
            %mul3A_746 = arith.constant 16 : i32
            %mul3A_747 = arith.muli %scan3A_745, %mul3A_746 : i32
            %get3A_748 = arith.index_cast %mul3A_747 : i32 to index
            %get3A_749 = tpu.vector_load %arg6[%get3A_748] {strides = array<i32>} : memref<2560xi32, #tpu.memory_space<vmem>>, vector<16xi32>,
            %get3A_750 = vector.shape_cast %get3A_749 : vector<16xi32> to vector<16xi32>
            %and3A_751 = arith.constant -16384 : i32
            %and3A_752 = vector.broadcast %and3A_751 : i32 to vector<16xi32>
            %and3A_753 = arith.andi %get3A_750, %and3A_752 : vector<16xi32>
            %and3A_754 = arith.constant 2047 : i32
            %and3A_755 = vector.broadcast %and3A_754 : i32 to vector<16xi32>
            %and3A_756 = arith.andi %get3A_750, %and3A_755 : vector<16xi32>
            %shift_left3A_757 = arith.constant 3 : i32
            %shift_left3A_758 = vector.broadcast %shift_left3A_757 : i32 to vector<16xi32>
            %shift_left3A_759 = arith.shli %and3A_756, %shift_left3A_758 : vector<16xi32>
            %or3A_760 = arith.ori %and3A_753, %shift_left3A_759 : vector<16xi32>
            %shift_right_arithmetic3A_761 = arith.constant 11 : i32
            %shift_right_arithmetic3A_762 = vector.broadcast %shift_right_arithmetic3A_761 : i32 to vector<16xi32>
            %shift_right_arithmetic3A_763 = arith.shrsi %get3A_750, %shift_right_arithmetic3A_762 : vector<16xi32>
            %and3A_764 = arith.constant 7 : i32
            %and3A_765 = vector.broadcast %and3A_764 : i32 to vector<16xi32>
            %and3A_766 = arith.andi %shift_right_arithmetic3A_763, %and3A_765 : vector<16xi32>
            %or3A_767 = arith.ori %or3A_760, %and3A_766 : vector<16xi32>
            %mul3A_768 = arith.constant 16 : i32
            %mul3A_769 = arith.muli %scan3A_745, %mul3A_768 : i32
            %swap3A_770 = arith.index_cast %mul3A_769 : i32 to index
            %swap3A_771 = tpu.vector_load %arg6[%swap3A_770] {strides = array<i32>} : memref<2560xi32, #tpu.memory_space<vmem>>, vector<16xi32>,
            %swap3A_772 = vector.shape_cast %swap3A_771 : vector<16xi32> to vector<16xi32>
            %swap3A_773 = vector.shape_cast %or3A_767 : vector<16xi32> to vector<16xi32>
            tpu.vector_store %arg6[%swap3A_770], %swap3A_773 {strides = array<i32>} : memref<2560xi32, #tpu.memory_space<vmem>>, vector<16xi32>,
            %scan3A_774 = arith.constant 6 : i32
            %scan3A_775 = arith.addi %scan3A_600, %scan3A_774 : i32
            %mul3A_776 = arith.constant 16 : i32
            %mul3A_777 = arith.muli %scan3A_775, %mul3A_776 : i32
            %get3A_778 = arith.index_cast %mul3A_777 : i32 to index
            %get3A_779 = tpu.vector_load %arg6[%get3A_778] {strides = array<i32>} : memref<2560xi32, #tpu.memory_space<vmem>>, vector<16xi32>,
            %get3A_780 = vector.shape_cast %get3A_779 : vector<16xi32> to vector<16xi32>
            %and3A_781 = arith.constant -16384 : i32
            %and3A_782 = vector.broadcast %and3A_781 : i32 to vector<16xi32>
            %and3A_783 = arith.andi %get3A_780, %and3A_782 : vector<16xi32>
            %and3A_784 = arith.constant 2047 : i32
            %and3A_785 = vector.broadcast %and3A_784 : i32 to vector<16xi32>
            %and3A_786 = arith.andi %get3A_780, %and3A_785 : vector<16xi32>
            %shift_left3A_787 = arith.constant 3 : i32
            %shift_left3A_788 = vector.broadcast %shift_left3A_787 : i32 to vector<16xi32>
            %shift_left3A_789 = arith.shli %and3A_786, %shift_left3A_788 : vector<16xi32>
            %or3A_790 = arith.ori %and3A_783, %shift_left3A_789 : vector<16xi32>
            %shift_right_arithmetic3A_791 = arith.constant 11 : i32
            %shift_right_arithmetic3A_792 = vector.broadcast %shift_right_arithmetic3A_791 : i32 to vector<16xi32>
            %shift_right_arithmetic3A_793 = arith.shrsi %get3A_780, %shift_right_arithmetic3A_792 : vector<16xi32>
            %and3A_794 = arith.constant 7 : i32
            %and3A_795 = vector.broadcast %and3A_794 : i32 to vector<16xi32>
            %and3A_796 = arith.andi %shift_right_arithmetic3A_793, %and3A_795 : vector<16xi32>
            %or3A_797 = arith.ori %or3A_790, %and3A_796 : vector<16xi32>
            %mul3A_798 = arith.constant 16 : i32
            %mul3A_799 = arith.muli %scan3A_775, %mul3A_798 : i32
            %swap3A_800 = arith.index_cast %mul3A_799 : i32 to index
            %swap3A_801 = tpu.vector_load %arg6[%swap3A_800] {strides = array<i32>} : memref<2560xi32, #tpu.memory_space<vmem>>, vector<16xi32>,
            %swap3A_802 = vector.shape_cast %swap3A_801 : vector<16xi32> to vector<16xi32>
            %swap3A_803 = vector.shape_cast %or3A_797 : vector<16xi32> to vector<16xi32>
            tpu.vector_store %arg6[%swap3A_800], %swap3A_803 {strides = array<i32>} : memref<2560xi32, #tpu.memory_space<vmem>>, vector<16xi32>,
            %scan3A_804 = arith.constant 7 : i32
            %scan3A_805 = arith.addi %scan3A_600, %scan3A_804 : i32
            %mul3A_806 = arith.constant 16 : i32
            %mul3A_807 = arith.muli %scan3A_805, %mul3A_806 : i32
            %get3A_808 = arith.index_cast %mul3A_807 : i32 to index
            %get3A_809 = tpu.vector_load %arg6[%get3A_808] {strides = array<i32>} : memref<2560xi32, #tpu.memory_space<vmem>>, vector<16xi32>,
            %get3A_810 = vector.shape_cast %get3A_809 : vector<16xi32> to vector<16xi32>
            %and3A_811 = arith.constant -16384 : i32
            %and3A_812 = vector.broadcast %and3A_811 : i32 to vector<16xi32>
            %and3A_813 = arith.andi %get3A_810, %and3A_812 : vector<16xi32>
            %and3A_814 = arith.constant 2047 : i32
            %and3A_815 = vector.broadcast %and3A_814 : i32 to vector<16xi32>
            %and3A_816 = arith.andi %get3A_810, %and3A_815 : vector<16xi32>
            %shift_left3A_817 = arith.constant 3 : i32
            %shift_left3A_818 = vector.broadcast %shift_left3A_817 : i32 to vector<16xi32>
            %shift_left3A_819 = arith.shli %and3A_816, %shift_left3A_818 : vector<16xi32>
            %or3A_820 = arith.ori %and3A_813, %shift_left3A_819 : vector<16xi32>
            %shift_right_arithmetic3A_821 = arith.constant 11 : i32
            %shift_right_arithmetic3A_822 = vector.broadcast %shift_right_arithmetic3A_821 : i32 to vector<16xi32>
            %shift_right_arithmetic3A_823 = arith.shrsi %get3A_810, %shift_right_arithmetic3A_822 : vector<16xi32>
            %and3A_824 = arith.constant 7 : i32
            %and3A_825 = vector.broadcast %and3A_824 : i32 to vector<16xi32>
            %and3A_826 = arith.andi %shift_right_arithmetic3A_823, %and3A_825 : vector<16xi32>
            %or3A_827 = arith.ori %or3A_820, %and3A_826 : vector<16xi32>
            %mul3A_828 = arith.constant 16 : i32
            %mul3A_829 = arith.muli %scan3A_805, %mul3A_828 : i32
            %swap3A_830 = arith.index_cast %mul3A_829 : i32 to index
            %swap3A_831 = tpu.vector_load %arg6[%swap3A_830] {strides = array<i32>} : memref<2560xi32, #tpu.memory_space<vmem>>, vector<16xi32>,
            %swap3A_832 = vector.shape_cast %swap3A_831 : vector<16xi32> to vector<16xi32>
            %swap3A_833 = vector.shape_cast %or3A_827 : vector<16xi32> to vector<16xi32>
            tpu.vector_store %arg6[%swap3A_830], %swap3A_833 {strides = array<i32>} : memref<2560xi32, #tpu.memory_space<vmem>>, vector<16xi32>,
          }
          %scan3A_599 = arith.constant 160 : i32
        } else {
        }
        %dma_wait3A_341 = arith.constant 0 : i32
        %dma_wait3A_342 = arith.constant 0 : i32
        %dma_wait3A_343 = tpu.memref_slice %arg4[%dma_wait3A_341, %dma_wait3A_342] : memref<1015808x16xf32, #tpu.memory_space<hbm>> -> memref<1015808x16xf32, #tpu.memory_space<hbm>>
        tpu.wait_indirect_dma semaphore(%arg14 : memref<!tpu.dma_semaphore, #tpu.memory_space<semaphore_mem>>) src(%dma_wait3A_343 : memref<1015808x16xf32, #tpu.memory_space<hbm>>) dst(%arg11 : memref<2560x16xf32, #tpu.memory_space<vmem>>)
        %add3A_344 = arith.constant 1 : i32
        %add3A_345 = arith.addi %scan3A_291, %add3A_344 : i32
        %lt3A_346 = arith.constant 20 : i32
        %lt3A_347 = arith.cmpi slt, %add3A_345, %lt3A_346 : i32
        %convert_element_type3A_348 = arith.extui %lt3A_347 : i1 to i32
        %cond3A_349 = arith.constant 0 : i32
        %cond3A_350 = arith.cmpi ne, %convert_element_type3A_348, %cond3A_349 : i32
        scf.if %cond3A_350 {
          %dma_start3A_551 = arith.constant 0 : i32
          %dma_start3A_552 = arith.constant 0 : i32
          %dma_start3A_553 = tpu.memref_slice %arg4[%dma_start3A_551, %dma_start3A_552] : memref<1015808x16xf32, #tpu.memory_space<hbm>> -> memref<1015808x16xf32, #tpu.memory_space<hbm>>
          tpu.enqueue_indirect_dma source(%dma_start3A_553 : memref<1015808x16xf32, #tpu.memory_space<hbm>>) target(%arg10 : memref<2560x16xf32, #tpu.memory_space<vmem>>) offsets(%arg6 : memref<2560xi32, #tpu.memory_space<vmem>>) semaphore(%arg14 : memref<!tpu.dma_semaphore, #tpu.memory_space<semaphore_mem>>)
        } else {
        }
        %dma_start3A_351 = arith.constant 0 : i32
        %dma_start3A_352 = arith.constant 0 : i32
        %dma_start3A_353 = arith.constant 0 : i32
        %dma_start3A_354 = tpu.memref_slice %arg11[%dma_start3A_352, %dma_start3A_353] : memref<2560x16xf32, #tpu.memory_space<vmem>> -> memref<128x16xf32, #tpu.memory_space<vmem>>
        %dma_start3A_355 = arith.constant 0 : i32
        %dma_start3A_356 = tpu.memref_slice %arg9[%dma_start3A_351, %dma_start3A_355] : memref<20x128xi32, #tpu.memory_space<vmem>> -> memref<1x128xi32, #tpu.memory_space<vmem>>
        %dma_start3A_357 = tpu.memref_squeeze %dma_start3A_356 : memref<1x128xi32, #tpu.memory_space<vmem>> -> memref<128xi32, #tpu.memory_space<vmem>>
        %dma_start3A_358 = arith.constant 0 : i32
        %dma_start3A_359 = arith.constant 0 : i32
        %dma_start3A_360 = tpu.memref_slice %arg13[%dma_start3A_358, %dma_start3A_359] : memref<16384x16xf32, #tpu.memory_space<vmem_shared>> -> memref<16384x16xf32, #tpu.memory_space<vmem_shared>>
        tpu.enqueue_indirect_dma source(%dma_start3A_354 : memref<128x16xf32, #tpu.memory_space<vmem>>) target(%dma_start3A_360 : memref<16384x16xf32, #tpu.memory_space<vmem_shared>>) offsets(%dma_start3A_357 : memref<128xi32, #tpu.memory_space<vmem>>) semaphore(%arg16 : memref<!tpu.dma_semaphore, #tpu.memory_space<semaphore_mem>>) {add = true}
        %dma_start3A_361 = arith.constant 1 : i32
        %dma_start3A_362 = arith.constant 128 : i32
        %dma_start3A_363 = arith.constant 0 : i32
        %dma_start3A_364 = tpu.memref_slice %arg11[%dma_start3A_362, %dma_start3A_363] : memref<2560x16xf32, #tpu.memory_space<vmem>> -> memref<128x16xf32, #tpu.memory_space<vmem>>
        %dma_start3A_365 = arith.constant 0 : i32
        %dma_start3A_366 = tpu.memref_slice %arg9[%dma_start3A_361, %dma_start3A_365] : memref<20x128xi32, #tpu.memory_space<vmem>> -> memref<1x128xi32, #tpu.memory_space<vmem>>
        %dma_start3A_367 = tpu.memref_squeeze %dma_start3A_366 : memref<1x128xi32, #tpu.memory_space<vmem>> -> memref<128xi32, #tpu.memory_space<vmem>>
        %dma_start3A_368 = arith.constant 0 : i32
        %dma_start3A_369 = arith.constant 0 : i32
        %dma_start3A_370 = tpu.memref_slice %arg13[%dma_start3A_368, %dma_start3A_369] : memref<16384x16xf32, #tpu.memory_space<vmem_shared>> -> memref<16384x16xf32, #tpu.memory_space<vmem_shared>>
        tpu.enqueue_indirect_dma source(%dma_start3A_364 : memref<128x16xf32, #tpu.memory_space<vmem>>) target(%dma_start3A_370 : memref<16384x16xf32, #tpu.memory_space<vmem_shared>>) offsets(%dma_start3A_367 : memref<128xi32, #tpu.memory_space<vmem>>) semaphore(%arg16 : memref<!tpu.dma_semaphore, #tpu.memory_space<semaphore_mem>>) {add = true}
        %dma_start3A_371 = arith.constant 2 : i32
        %dma_start3A_372 = arith.constant 256 : i32
        %dma_start3A_373 = arith.constant 0 : i32
        %dma_start3A_374 = tpu.memref_slice %arg11[%dma_start3A_372, %dma_start3A_373] : memref<2560x16xf32, #tpu.memory_space<vmem>> -> memref<128x16xf32, #tpu.memory_space<vmem>>
        %dma_start3A_375 = arith.constant 0 : i32
        %dma_start3A_376 = tpu.memref_slice %arg9[%dma_start3A_371, %dma_start3A_375] : memref<20x128xi32, #tpu.memory_space<vmem>> -> memref<1x128xi32, #tpu.memory_space<vmem>>
        %dma_start3A_377 = tpu.memref_squeeze %dma_start3A_376 : memref<1x128xi32, #tpu.memory_space<vmem>> -> memref<128xi32, #tpu.memory_space<vmem>>
        %dma_start3A_378 = arith.constant 0 : i32
        %dma_start3A_379 = arith.constant 0 : i32
        %dma_start3A_380 = tpu.memref_slice %arg13[%dma_start3A_378, %dma_start3A_379] : memref<16384x16xf32, #tpu.memory_space<vmem_shared>> -> memref<16384x16xf32, #tpu.memory_space<vmem_shared>>
        tpu.enqueue_indirect_dma source(%dma_start3A_374 : memref<128x16xf32, #tpu.memory_space<vmem>>) target(%dma_start3A_380 : memref<16384x16xf32, #tpu.memory_space<vmem_shared>>) offsets(%dma_start3A_377 : memref<128xi32, #tpu.memory_space<vmem>>) semaphore(%arg16 : memref<!tpu.dma_semaphore, #tpu.memory_space<semaphore_mem>>) {add = true}
        %dma_start3A_381 = arith.constant 3 : i32
        %dma_start3A_382 = arith.constant 384 : i32
        %dma_start3A_383 = arith.constant 0 : i32
        %dma_start3A_384 = tpu.memref_slice %arg11[%dma_start3A_382, %dma_start3A_383] : memref<2560x16xf32, #tpu.memory_space<vmem>> -> memref<128x16xf32, #tpu.memory_space<vmem>>
        %dma_start3A_385 = arith.constant 0 : i32
        %dma_start3A_386 = tpu.memref_slice %arg9[%dma_start3A_381, %dma_start3A_385] : memref<20x128xi32, #tpu.memory_space<vmem>> -> memref<1x128xi32, #tpu.memory_space<vmem>>
        %dma_start3A_387 = tpu.memref_squeeze %dma_start3A_386 : memref<1x128xi32, #tpu.memory_space<vmem>> -> memref<128xi32, #tpu.memory_space<vmem>>
        %dma_start3A_388 = arith.constant 0 : i32
        %dma_start3A_389 = arith.constant 0 : i32
        %dma_start3A_390 = tpu.memref_slice %arg13[%dma_start3A_388, %dma_start3A_389] : memref<16384x16xf32, #tpu.memory_space<vmem_shared>> -> memref<16384x16xf32, #tpu.memory_space<vmem_shared>>
        tpu.enqueue_indirect_dma source(%dma_start3A_384 : memref<128x16xf32, #tpu.memory_space<vmem>>) target(%dma_start3A_390 : memref<16384x16xf32, #tpu.memory_space<vmem_shared>>) offsets(%dma_start3A_387 : memref<128xi32, #tpu.memory_space<vmem>>) semaphore(%arg16 : memref<!tpu.dma_semaphore, #tpu.memory_space<semaphore_mem>>) {add = true}
        %dma_start3A_391 = arith.constant 4 : i32
        %dma_start3A_392 = arith.constant 512 : i32
        %dma_start3A_393 = arith.constant 0 : i32
        %dma_start3A_394 = tpu.memref_slice %arg11[%dma_start3A_392, %dma_start3A_393] : memref<2560x16xf32, #tpu.memory_space<vmem>> -> memref<128x16xf32, #tpu.memory_space<vmem>>
        %dma_start3A_395 = arith.constant 0 : i32
        %dma_start3A_396 = tpu.memref_slice %arg9[%dma_start3A_391, %dma_start3A_395] : memref<20x128xi32, #tpu.memory_space<vmem>> -> memref<1x128xi32, #tpu.memory_space<vmem>>
        %dma_start3A_397 = tpu.memref_squeeze %dma_start3A_396 : memref<1x128xi32, #tpu.memory_space<vmem>> -> memref<128xi32, #tpu.memory_space<vmem>>
        %dma_start3A_398 = arith.constant 0 : i32
        %dma_start3A_399 = arith.constant 0 : i32
        %dma_start3A_400 = tpu.memref_slice %arg13[%dma_start3A_398, %dma_start3A_399] : memref<16384x16xf32, #tpu.memory_space<vmem_shared>> -> memref<16384x16xf32, #tpu.memory_space<vmem_shared>>
        tpu.enqueue_indirect_dma source(%dma_start3A_394 : memref<128x16xf32, #tpu.memory_space<vmem>>) target(%dma_start3A_400 : memref<16384x16xf32, #tpu.memory_space<vmem_shared>>) offsets(%dma_start3A_397 : memref<128xi32, #tpu.memory_space<vmem>>) semaphore(%arg16 : memref<!tpu.dma_semaphore, #tpu.memory_space<semaphore_mem>>) {add = true}
        %dma_start3A_401 = arith.constant 5 : i32
        %dma_start3A_402 = arith.constant 640 : i32
        %dma_start3A_403 = arith.constant 0 : i32
        %dma_start3A_404 = tpu.memref_slice %arg11[%dma_start3A_402, %dma_start3A_403] : memref<2560x16xf32, #tpu.memory_space<vmem>> -> memref<128x16xf32, #tpu.memory_space<vmem>>
        %dma_start3A_405 = arith.constant 0 : i32
        %dma_start3A_406 = tpu.memref_slice %arg9[%dma_start3A_401, %dma_start3A_405] : memref<20x128xi32, #tpu.memory_space<vmem>> -> memref<1x128xi32, #tpu.memory_space<vmem>>
        %dma_start3A_407 = tpu.memref_squeeze %dma_start3A_406 : memref<1x128xi32, #tpu.memory_space<vmem>> -> memref<128xi32, #tpu.memory_space<vmem>>
        %dma_start3A_408 = arith.constant 0 : i32
        %dma_start3A_409 = arith.constant 0 : i32
        %dma_start3A_410 = tpu.memref_slice %arg13[%dma_start3A_408, %dma_start3A_409] : memref<16384x16xf32, #tpu.memory_space<vmem_shared>> -> memref<16384x16xf32, #tpu.memory_space<vmem_shared>>
        tpu.enqueue_indirect_dma source(%dma_start3A_404 : memref<128x16xf32, #tpu.memory_space<vmem>>) target(%dma_start3A_410 : memref<16384x16xf32, #tpu.memory_space<vmem_shared>>) offsets(%dma_start3A_407 : memref<128xi32, #tpu.memory_space<vmem>>) semaphore(%arg16 : memref<!tpu.dma_semaphore, #tpu.memory_space<semaphore_mem>>) {add = true}
        %dma_start3A_411 = arith.constant 6 : i32
        %dma_start3A_412 = arith.constant 768 : i32
        %dma_start3A_413 = arith.constant 0 : i32
        %dma_start3A_414 = tpu.memref_slice %arg11[%dma_start3A_412, %dma_start3A_413] : memref<2560x16xf32, #tpu.memory_space<vmem>> -> memref<128x16xf32, #tpu.memory_space<vmem>>
        %dma_start3A_415 = arith.constant 0 : i32
        %dma_start3A_416 = tpu.memref_slice %arg9[%dma_start3A_411, %dma_start3A_415] : memref<20x128xi32, #tpu.memory_space<vmem>> -> memref<1x128xi32, #tpu.memory_space<vmem>>
        %dma_start3A_417 = tpu.memref_squeeze %dma_start3A_416 : memref<1x128xi32, #tpu.memory_space<vmem>> -> memref<128xi32, #tpu.memory_space<vmem>>
        %dma_start3A_418 = arith.constant 0 : i32
        %dma_start3A_419 = arith.constant 0 : i32
        %dma_start3A_420 = tpu.memref_slice %arg13[%dma_start3A_418, %dma_start3A_419] : memref<16384x16xf32, #tpu.memory_space<vmem_shared>> -> memref<16384x16xf32, #tpu.memory_space<vmem_shared>>
        tpu.enqueue_indirect_dma source(%dma_start3A_414 : memref<128x16xf32, #tpu.memory_space<vmem>>) target(%dma_start3A_420 : memref<16384x16xf32, #tpu.memory_space<vmem_shared>>) offsets(%dma_start3A_417 : memref<128xi32, #tpu.memory_space<vmem>>) semaphore(%arg16 : memref<!tpu.dma_semaphore, #tpu.memory_space<semaphore_mem>>) {add = true}
        %dma_start3A_421 = arith.constant 7 : i32
        %dma_start3A_422 = arith.constant 896 : i32
        %dma_start3A_423 = arith.constant 0 : i32
        %dma_start3A_424 = tpu.memref_slice %arg11[%dma_start3A_422, %dma_start3A_423] : memref<2560x16xf32, #tpu.memory_space<vmem>> -> memref<128x16xf32, #tpu.memory_space<vmem>>
        %dma_start3A_425 = arith.constant 0 : i32
        %dma_start3A_426 = tpu.memref_slice %arg9[%dma_start3A_421, %dma_start3A_425] : memref<20x128xi32, #tpu.memory_space<vmem>> -> memref<1x128xi32, #tpu.memory_space<vmem>>
        %dma_start3A_427 = tpu.memref_squeeze %dma_start3A_426 : memref<1x128xi32, #tpu.memory_space<vmem>> -> memref<128xi32, #tpu.memory_space<vmem>>
        %dma_start3A_428 = arith.constant 0 : i32
        %dma_start3A_429 = arith.constant 0 : i32
        %dma_start3A_430 = tpu.memref_slice %arg13[%dma_start3A_428, %dma_start3A_429] : memref<16384x16xf32, #tpu.memory_space<vmem_shared>> -> memref<16384x16xf32, #tpu.memory_space<vmem_shared>>
        tpu.enqueue_indirect_dma source(%dma_start3A_424 : memref<128x16xf32, #tpu.memory_space<vmem>>) target(%dma_start3A_430 : memref<16384x16xf32, #tpu.memory_space<vmem_shared>>) offsets(%dma_start3A_427 : memref<128xi32, #tpu.memory_space<vmem>>) semaphore(%arg16 : memref<!tpu.dma_semaphore, #tpu.memory_space<semaphore_mem>>) {add = true}
        %dma_start3A_431 = arith.constant 8 : i32
        %dma_start3A_432 = arith.constant 1024 : i32
        %dma_start3A_433 = arith.constant 0 : i32
        %dma_start3A_434 = tpu.memref_slice %arg11[%dma_start3A_432, %dma_start3A_433] : memref<2560x16xf32, #tpu.memory_space<vmem>> -> memref<128x16xf32, #tpu.memory_space<vmem>>
        %dma_start3A_435 = arith.constant 0 : i32
        %dma_start3A_436 = tpu.memref_slice %arg9[%dma_start3A_431, %dma_start3A_435] : memref<20x128xi32, #tpu.memory_space<vmem>> -> memref<1x128xi32, #tpu.memory_space<vmem>>
        %dma_start3A_437 = tpu.memref_squeeze %dma_start3A_436 : memref<1x128xi32, #tpu.memory_space<vmem>> -> memref<128xi32, #tpu.memory_space<vmem>>
        %dma_start3A_438 = arith.constant 0 : i32
        %dma_start3A_439 = arith.constant 0 : i32
        %dma_start3A_440 = tpu.memref_slice %arg13[%dma_start3A_438, %dma_start3A_439] : memref<16384x16xf32, #tpu.memory_space<vmem_shared>> -> memref<16384x16xf32, #tpu.memory_space<vmem_shared>>
        tpu.enqueue_indirect_dma source(%dma_start3A_434 : memref<128x16xf32, #tpu.memory_space<vmem>>) target(%dma_start3A_440 : memref<16384x16xf32, #tpu.memory_space<vmem_shared>>) offsets(%dma_start3A_437 : memref<128xi32, #tpu.memory_space<vmem>>) semaphore(%arg16 : memref<!tpu.dma_semaphore, #tpu.memory_space<semaphore_mem>>) {add = true}
        %dma_start3A_441 = arith.constant 9 : i32
        %dma_start3A_442 = arith.constant 1152 : i32
        %dma_start3A_443 = arith.constant 0 : i32
        %dma_start3A_444 = tpu.memref_slice %arg11[%dma_start3A_442, %dma_start3A_443] : memref<2560x16xf32, #tpu.memory_space<vmem>> -> memref<128x16xf32, #tpu.memory_space<vmem>>
        %dma_start3A_445 = arith.constant 0 : i32
        %dma_start3A_446 = tpu.memref_slice %arg9[%dma_start3A_441, %dma_start3A_445] : memref<20x128xi32, #tpu.memory_space<vmem>> -> memref<1x128xi32, #tpu.memory_space<vmem>>
        %dma_start3A_447 = tpu.memref_squeeze %dma_start3A_446 : memref<1x128xi32, #tpu.memory_space<vmem>> -> memref<128xi32, #tpu.memory_space<vmem>>
        %dma_start3A_448 = arith.constant 0 : i32
        %dma_start3A_449 = arith.constant 0 : i32
        %dma_start3A_450 = tpu.memref_slice %arg13[%dma_start3A_448, %dma_start3A_449] : memref<16384x16xf32, #tpu.memory_space<vmem_shared>> -> memref<16384x16xf32, #tpu.memory_space<vmem_shared>>
        tpu.enqueue_indirect_dma source(%dma_start3A_444 : memref<128x16xf32, #tpu.memory_space<vmem>>) target(%dma_start3A_450 : memref<16384x16xf32, #tpu.memory_space<vmem_shared>>) offsets(%dma_start3A_447 : memref<128xi32, #tpu.memory_space<vmem>>) semaphore(%arg16 : memref<!tpu.dma_semaphore, #tpu.memory_space<semaphore_mem>>) {add = true}
        %dma_start3A_451 = arith.constant 10 : i32
        %dma_start3A_452 = arith.constant 1280 : i32
        %dma_start3A_453 = arith.constant 0 : i32
        %dma_start3A_454 = tpu.memref_slice %arg11[%dma_start3A_452, %dma_start3A_453] : memref<2560x16xf32, #tpu.memory_space<vmem>> -> memref<128x16xf32, #tpu.memory_space<vmem>>
        %dma_start3A_455 = arith.constant 0 : i32
        %dma_start3A_456 = tpu.memref_slice %arg9[%dma_start3A_451, %dma_start3A_455] : memref<20x128xi32, #tpu.memory_space<vmem>> -> memref<1x128xi32, #tpu.memory_space<vmem>>
        %dma_start3A_457 = tpu.memref_squeeze %dma_start3A_456 : memref<1x128xi32, #tpu.memory_space<vmem>> -> memref<128xi32, #tpu.memory_space<vmem>>
        %dma_start3A_458 = arith.constant 0 : i32
        %dma_start3A_459 = arith.constant 0 : i32
        %dma_start3A_460 = tpu.memref_slice %arg13[%dma_start3A_458, %dma_start3A_459] : memref<16384x16xf32, #tpu.memory_space<vmem_shared>> -> memref<16384x16xf32, #tpu.memory_space<vmem_shared>>
        tpu.enqueue_indirect_dma source(%dma_start3A_454 : memref<128x16xf32, #tpu.memory_space<vmem>>) target(%dma_start3A_460 : memref<16384x16xf32, #tpu.memory_space<vmem_shared>>) offsets(%dma_start3A_457 : memref<128xi32, #tpu.memory_space<vmem>>) semaphore(%arg16 : memref<!tpu.dma_semaphore, #tpu.memory_space<semaphore_mem>>) {add = true}
        %dma_start3A_461 = arith.constant 11 : i32
        %dma_start3A_462 = arith.constant 1408 : i32
        %dma_start3A_463 = arith.constant 0 : i32
        %dma_start3A_464 = tpu.memref_slice %arg11[%dma_start3A_462, %dma_start3A_463] : memref<2560x16xf32, #tpu.memory_space<vmem>> -> memref<128x16xf32, #tpu.memory_space<vmem>>
        %dma_start3A_465 = arith.constant 0 : i32
        %dma_start3A_466 = tpu.memref_slice %arg9[%dma_start3A_461, %dma_start3A_465] : memref<20x128xi32, #tpu.memory_space<vmem>> -> memref<1x128xi32, #tpu.memory_space<vmem>>
        %dma_start3A_467 = tpu.memref_squeeze %dma_start3A_466 : memref<1x128xi32, #tpu.memory_space<vmem>> -> memref<128xi32, #tpu.memory_space<vmem>>
        %dma_start3A_468 = arith.constant 0 : i32
        %dma_start3A_469 = arith.constant 0 : i32
        %dma_start3A_470 = tpu.memref_slice %arg13[%dma_start3A_468, %dma_start3A_469] : memref<16384x16xf32, #tpu.memory_space<vmem_shared>> -> memref<16384x16xf32, #tpu.memory_space<vmem_shared>>
        tpu.enqueue_indirect_dma source(%dma_start3A_464 : memref<128x16xf32, #tpu.memory_space<vmem>>) target(%dma_start3A_470 : memref<16384x16xf32, #tpu.memory_space<vmem_shared>>) offsets(%dma_start3A_467 : memref<128xi32, #tpu.memory_space<vmem>>) semaphore(%arg16 : memref<!tpu.dma_semaphore, #tpu.memory_space<semaphore_mem>>) {add = true}
        %dma_start3A_471 = arith.constant 12 : i32
        %dma_start3A_472 = arith.constant 1536 : i32
        %dma_start3A_473 = arith.constant 0 : i32
        %dma_start3A_474 = tpu.memref_slice %arg11[%dma_start3A_472, %dma_start3A_473] : memref<2560x16xf32, #tpu.memory_space<vmem>> -> memref<128x16xf32, #tpu.memory_space<vmem>>
        %dma_start3A_475 = arith.constant 0 : i32
        %dma_start3A_476 = tpu.memref_slice %arg9[%dma_start3A_471, %dma_start3A_475] : memref<20x128xi32, #tpu.memory_space<vmem>> -> memref<1x128xi32, #tpu.memory_space<vmem>>
        %dma_start3A_477 = tpu.memref_squeeze %dma_start3A_476 : memref<1x128xi32, #tpu.memory_space<vmem>> -> memref<128xi32, #tpu.memory_space<vmem>>
        %dma_start3A_478 = arith.constant 0 : i32
        %dma_start3A_479 = arith.constant 0 : i32
        %dma_start3A_480 = tpu.memref_slice %arg13[%dma_start3A_478, %dma_start3A_479] : memref<16384x16xf32, #tpu.memory_space<vmem_shared>> -> memref<16384x16xf32, #tpu.memory_space<vmem_shared>>
        tpu.enqueue_indirect_dma source(%dma_start3A_474 : memref<128x16xf32, #tpu.memory_space<vmem>>) target(%dma_start3A_480 : memref<16384x16xf32, #tpu.memory_space<vmem_shared>>) offsets(%dma_start3A_477 : memref<128xi32, #tpu.memory_space<vmem>>) semaphore(%arg16 : memref<!tpu.dma_semaphore, #tpu.memory_space<semaphore_mem>>) {add = true}
        %dma_start3A_481 = arith.constant 13 : i32
        %dma_start3A_482 = arith.constant 1664 : i32
        %dma_start3A_483 = arith.constant 0 : i32
        %dma_start3A_484 = tpu.memref_slice %arg11[%dma_start3A_482, %dma_start3A_483] : memref<2560x16xf32, #tpu.memory_space<vmem>> -> memref<128x16xf32, #tpu.memory_space<vmem>>
        %dma_start3A_485 = arith.constant 0 : i32
        %dma_start3A_486 = tpu.memref_slice %arg9[%dma_start3A_481, %dma_start3A_485] : memref<20x128xi32, #tpu.memory_space<vmem>> -> memref<1x128xi32, #tpu.memory_space<vmem>>
        %dma_start3A_487 = tpu.memref_squeeze %dma_start3A_486 : memref<1x128xi32, #tpu.memory_space<vmem>> -> memref<128xi32, #tpu.memory_space<vmem>>
        %dma_start3A_488 = arith.constant 0 : i32
        %dma_start3A_489 = arith.constant 0 : i32
        %dma_start3A_490 = tpu.memref_slice %arg13[%dma_start3A_488, %dma_start3A_489] : memref<16384x16xf32, #tpu.memory_space<vmem_shared>> -> memref<16384x16xf32, #tpu.memory_space<vmem_shared>>
        tpu.enqueue_indirect_dma source(%dma_start3A_484 : memref<128x16xf32, #tpu.memory_space<vmem>>) target(%dma_start3A_490 : memref<16384x16xf32, #tpu.memory_space<vmem_shared>>) offsets(%dma_start3A_487 : memref<128xi32, #tpu.memory_space<vmem>>) semaphore(%arg16 : memref<!tpu.dma_semaphore, #tpu.memory_space<semaphore_mem>>) {add = true}
        %dma_start3A_491 = arith.constant 14 : i32
        %dma_start3A_492 = arith.constant 1792 : i32
        %dma_start3A_493 = arith.constant 0 : i32
        %dma_start3A_494 = tpu.memref_slice %arg11[%dma_start3A_492, %dma_start3A_493] : memref<2560x16xf32, #tpu.memory_space<vmem>> -> memref<128x16xf32, #tpu.memory_space<vmem>>
        %dma_start3A_495 = arith.constant 0 : i32
        %dma_start3A_496 = tpu.memref_slice %arg9[%dma_start3A_491, %dma_start3A_495] : memref<20x128xi32, #tpu.memory_space<vmem>> -> memref<1x128xi32, #tpu.memory_space<vmem>>
        %dma_start3A_497 = tpu.memref_squeeze %dma_start3A_496 : memref<1x128xi32, #tpu.memory_space<vmem>> -> memref<128xi32, #tpu.memory_space<vmem>>
        %dma_start3A_498 = arith.constant 0 : i32
        %dma_start3A_499 = arith.constant 0 : i32
        %dma_start3A_500 = tpu.memref_slice %arg13[%dma_start3A_498, %dma_start3A_499] : memref<16384x16xf32, #tpu.memory_space<vmem_shared>> -> memref<16384x16xf32, #tpu.memory_space<vmem_shared>>
        tpu.enqueue_indirect_dma source(%dma_start3A_494 : memref<128x16xf32, #tpu.memory_space<vmem>>) target(%dma_start3A_500 : memref<16384x16xf32, #tpu.memory_space<vmem_shared>>) offsets(%dma_start3A_497 : memref<128xi32, #tpu.memory_space<vmem>>) semaphore(%arg16 : memref<!tpu.dma_semaphore, #tpu.memory_space<semaphore_mem>>) {add = true}
        %dma_start3A_501 = arith.constant 15 : i32
        %dma_start3A_502 = arith.constant 1920 : i32
        %dma_start3A_503 = arith.constant 0 : i32
        %dma_start3A_504 = tpu.memref_slice %arg11[%dma_start3A_502, %dma_start3A_503] : memref<2560x16xf32, #tpu.memory_space<vmem>> -> memref<128x16xf32, #tpu.memory_space<vmem>>
        %dma_start3A_505 = arith.constant 0 : i32
        %dma_start3A_506 = tpu.memref_slice %arg9[%dma_start3A_501, %dma_start3A_505] : memref<20x128xi32, #tpu.memory_space<vmem>> -> memref<1x128xi32, #tpu.memory_space<vmem>>
        %dma_start3A_507 = tpu.memref_squeeze %dma_start3A_506 : memref<1x128xi32, #tpu.memory_space<vmem>> -> memref<128xi32, #tpu.memory_space<vmem>>
        %dma_start3A_508 = arith.constant 0 : i32
        %dma_start3A_509 = arith.constant 0 : i32
        %dma_start3A_510 = tpu.memref_slice %arg13[%dma_start3A_508, %dma_start3A_509] : memref<16384x16xf32, #tpu.memory_space<vmem_shared>> -> memref<16384x16xf32, #tpu.memory_space<vmem_shared>>
        tpu.enqueue_indirect_dma source(%dma_start3A_504 : memref<128x16xf32, #tpu.memory_space<vmem>>) target(%dma_start3A_510 : memref<16384x16xf32, #tpu.memory_space<vmem_shared>>) offsets(%dma_start3A_507 : memref<128xi32, #tpu.memory_space<vmem>>) semaphore(%arg16 : memref<!tpu.dma_semaphore, #tpu.memory_space<semaphore_mem>>) {add = true}
        %dma_start3A_511 = arith.constant 16 : i32
        %dma_start3A_512 = arith.constant 2048 : i32
        %dma_start3A_513 = arith.constant 0 : i32
        %dma_start3A_514 = tpu.memref_slice %arg11[%dma_start3A_512, %dma_start3A_513] : memref<2560x16xf32, #tpu.memory_space<vmem>> -> memref<128x16xf32, #tpu.memory_space<vmem>>
        %dma_start3A_515 = arith.constant 0 : i32
        %dma_start3A_516 = tpu.memref_slice %arg9[%dma_start3A_511, %dma_start3A_515] : memref<20x128xi32, #tpu.memory_space<vmem>> -> memref<1x128xi32, #tpu.memory_space<vmem>>
        %dma_start3A_517 = tpu.memref_squeeze %dma_start3A_516 : memref<1x128xi32, #tpu.memory_space<vmem>> -> memref<128xi32, #tpu.memory_space<vmem>>
        %dma_start3A_518 = arith.constant 0 : i32
        %dma_start3A_519 = arith.constant 0 : i32
        %dma_start3A_520 = tpu.memref_slice %arg13[%dma_start3A_518, %dma_start3A_519] : memref<16384x16xf32, #tpu.memory_space<vmem_shared>> -> memref<16384x16xf32, #tpu.memory_space<vmem_shared>>
        tpu.enqueue_indirect_dma source(%dma_start3A_514 : memref<128x16xf32, #tpu.memory_space<vmem>>) target(%dma_start3A_520 : memref<16384x16xf32, #tpu.memory_space<vmem_shared>>) offsets(%dma_start3A_517 : memref<128xi32, #tpu.memory_space<vmem>>) semaphore(%arg16 : memref<!tpu.dma_semaphore, #tpu.memory_space<semaphore_mem>>) {add = true}
        %dma_start3A_521 = arith.constant 17 : i32
        %dma_start3A_522 = arith.constant 2176 : i32
        %dma_start3A_523 = arith.constant 0 : i32
        %dma_start3A_524 = tpu.memref_slice %arg11[%dma_start3A_522, %dma_start3A_523] : memref<2560x16xf32, #tpu.memory_space<vmem>> -> memref<128x16xf32, #tpu.memory_space<vmem>>
        %dma_start3A_525 = arith.constant 0 : i32
        %dma_start3A_526 = tpu.memref_slice %arg9[%dma_start3A_521, %dma_start3A_525] : memref<20x128xi32, #tpu.memory_space<vmem>> -> memref<1x128xi32, #tpu.memory_space<vmem>>
        %dma_start3A_527 = tpu.memref_squeeze %dma_start3A_526 : memref<1x128xi32, #tpu.memory_space<vmem>> -> memref<128xi32, #tpu.memory_space<vmem>>
        %dma_start3A_528 = arith.constant 0 : i32
        %dma_start3A_529 = arith.constant 0 : i32
        %dma_start3A_530 = tpu.memref_slice %arg13[%dma_start3A_528, %dma_start3A_529] : memref<16384x16xf32, #tpu.memory_space<vmem_shared>> -> memref<16384x16xf32, #tpu.memory_space<vmem_shared>>
        tpu.enqueue_indirect_dma source(%dma_start3A_524 : memref<128x16xf32, #tpu.memory_space<vmem>>) target(%dma_start3A_530 : memref<16384x16xf32, #tpu.memory_space<vmem_shared>>) offsets(%dma_start3A_527 : memref<128xi32, #tpu.memory_space<vmem>>) semaphore(%arg16 : memref<!tpu.dma_semaphore, #tpu.memory_space<semaphore_mem>>) {add = true}
        %dma_start3A_531 = arith.constant 18 : i32
        %dma_start3A_532 = arith.constant 2304 : i32
        %dma_start3A_533 = arith.constant 0 : i32
        %dma_start3A_534 = tpu.memref_slice %arg11[%dma_start3A_532, %dma_start3A_533] : memref<2560x16xf32, #tpu.memory_space<vmem>> -> memref<128x16xf32, #tpu.memory_space<vmem>>
        %dma_start3A_535 = arith.constant 0 : i32
        %dma_start3A_536 = tpu.memref_slice %arg9[%dma_start3A_531, %dma_start3A_535] : memref<20x128xi32, #tpu.memory_space<vmem>> -> memref<1x128xi32, #tpu.memory_space<vmem>>
        %dma_start3A_537 = tpu.memref_squeeze %dma_start3A_536 : memref<1x128xi32, #tpu.memory_space<vmem>> -> memref<128xi32, #tpu.memory_space<vmem>>
        %dma_start3A_538 = arith.constant 0 : i32
        %dma_start3A_539 = arith.constant 0 : i32
        %dma_start3A_540 = tpu.memref_slice %arg13[%dma_start3A_538, %dma_start3A_539] : memref<16384x16xf32, #tpu.memory_space<vmem_shared>> -> memref<16384x16xf32, #tpu.memory_space<vmem_shared>>
        tpu.enqueue_indirect_dma source(%dma_start3A_534 : memref<128x16xf32, #tpu.memory_space<vmem>>) target(%dma_start3A_540 : memref<16384x16xf32, #tpu.memory_space<vmem_shared>>) offsets(%dma_start3A_537 : memref<128xi32, #tpu.memory_space<vmem>>) semaphore(%arg16 : memref<!tpu.dma_semaphore, #tpu.memory_space<semaphore_mem>>) {add = true}
        %dma_start3A_541 = arith.constant 19 : i32
        %dma_start3A_542 = arith.constant 2432 : i32
        %dma_start3A_543 = arith.constant 0 : i32
        %dma_start3A_544 = tpu.memref_slice %arg11[%dma_start3A_542, %dma_start3A_543] : memref<2560x16xf32, #tpu.memory_space<vmem>> -> memref<128x16xf32, #tpu.memory_space<vmem>>
        %dma_start3A_545 = arith.constant 0 : i32
        %dma_start3A_546 = tpu.memref_slice %arg9[%dma_start3A_541, %dma_start3A_545] : memref<20x128xi32, #tpu.memory_space<vmem>> -> memref<1x128xi32, #tpu.memory_space<vmem>>
        %dma_start3A_547 = tpu.memref_squeeze %dma_start3A_546 : memref<1x128xi32, #tpu.memory_space<vmem>> -> memref<128xi32, #tpu.memory_space<vmem>>
        %dma_start3A_548 = arith.constant 0 : i32
        %dma_start3A_549 = arith.constant 0 : i32
        %dma_start3A_550 = tpu.memref_slice %arg13[%dma_start3A_548, %dma_start3A_549] : memref<16384x16xf32, #tpu.memory_space<vmem_shared>> -> memref<16384x16xf32, #tpu.memory_space<vmem_shared>>
        tpu.enqueue_indirect_dma source(%dma_start3A_544 : memref<128x16xf32, #tpu.memory_space<vmem>>) target(%dma_start3A_550 : memref<16384x16xf32, #tpu.memory_space<vmem_shared>>) offsets(%dma_start3A_547 : memref<128xi32, #tpu.memory_space<vmem>>) semaphore(%arg16 : memref<!tpu.dma_semaphore, #tpu.memory_space<semaphore_mem>>) {add = true}
      } else {
      }
    }
    %scan3A_82 = arith.constant 20 : i32
    %dma_wait3A_83 = arith.constant 0 : i32
    %dma_wait3A_84 = arith.constant 0 : i32
    %dma_wait3A_85 = arith.constant 0 : i32
    %dma_wait3A_86 = tpu.memref_slice %arg11[%dma_wait3A_84, %dma_wait3A_85] : memref<2560x16xf32, #tpu.memory_space<vmem>> -> memref<128x16xf32, #tpu.memory_space<vmem>>
    %dma_wait3A_87 = arith.constant 0 : i32
    %dma_wait3A_88 = tpu.memref_slice %arg9[%dma_wait3A_83, %dma_wait3A_87] : memref<20x128xi32, #tpu.memory_space<vmem>> -> memref<1x128xi32, #tpu.memory_space<vmem>>
    %dma_wait3A_89 = tpu.memref_squeeze %dma_wait3A_88 : memref<1x128xi32, #tpu.memory_space<vmem>> -> memref<128xi32, #tpu.memory_space<vmem>>
    %dma_wait3A_90 = arith.constant 0 : i32
    %dma_wait3A_91 = arith.constant 0 : i32
    %dma_wait3A_92 = tpu.memref_slice %arg13[%dma_wait3A_90, %dma_wait3A_91] : memref<16384x16xf32, #tpu.memory_space<vmem_shared>> -> memref<16384x16xf32, #tpu.memory_space<vmem_shared>>
    tpu.wait_indirect_dma semaphore(%arg16 : memref<!tpu.dma_semaphore, #tpu.memory_space<semaphore_mem>>) src(%dma_wait3A_86 : memref<128x16xf32, #tpu.memory_space<vmem>>) dst(%dma_wait3A_92 : memref<16384x16xf32, #tpu.memory_space<vmem_shared>>)
    %dma_wait3A_93 = arith.constant 1 : i32
    %dma_wait3A_94 = arith.constant 128 : i32
    %dma_wait3A_95 = arith.constant 0 : i32
    %dma_wait3A_96 = tpu.memref_slice %arg11[%dma_wait3A_94, %dma_wait3A_95] : memref<2560x16xf32, #tpu.memory_space<vmem>> -> memref<128x16xf32, #tpu.memory_space<vmem>>
    %dma_wait3A_97 = arith.constant 0 : i32
    %dma_wait3A_98 = tpu.memref_slice %arg9[%dma_wait3A_93, %dma_wait3A_97] : memref<20x128xi32, #tpu.memory_space<vmem>> -> memref<1x128xi32, #tpu.memory_space<vmem>>
    %dma_wait3A_99 = tpu.memref_squeeze %dma_wait3A_98 : memref<1x128xi32, #tpu.memory_space<vmem>> -> memref<128xi32, #tpu.memory_space<vmem>>
    %dma_wait3A_100 = arith.constant 0 : i32
    %dma_wait3A_101 = arith.constant 0 : i32
    %dma_wait3A_102 = tpu.memref_slice %arg13[%dma_wait3A_100, %dma_wait3A_101] : memref<16384x16xf32, #tpu.memory_space<vmem_shared>> -> memref<16384x16xf32, #tpu.memory_space<vmem_shared>>
    tpu.wait_indirect_dma semaphore(%arg16 : memref<!tpu.dma_semaphore, #tpu.memory_space<semaphore_mem>>) src(%dma_wait3A_96 : memref<128x16xf32, #tpu.memory_space<vmem>>) dst(%dma_wait3A_102 : memref<16384x16xf32, #tpu.memory_space<vmem_shared>>)
    %dma_wait3A_103 = arith.constant 2 : i32
    %dma_wait3A_104 = arith.constant 256 : i32
    %dma_wait3A_105 = arith.constant 0 : i32
    %dma_wait3A_106 = tpu.memref_slice %arg11[%dma_wait3A_104, %dma_wait3A_105] : memref<2560x16xf32, #tpu.memory_space<vmem>> -> memref<128x16xf32, #tpu.memory_space<vmem>>
    %dma_wait3A_107 = arith.constant 0 : i32
    %dma_wait3A_108 = tpu.memref_slice %arg9[%dma_wait3A_103, %dma_wait3A_107] : memref<20x128xi32, #tpu.memory_space<vmem>> -> memref<1x128xi32, #tpu.memory_space<vmem>>
    %dma_wait3A_109 = tpu.memref_squeeze %dma_wait3A_108 : memref<1x128xi32, #tpu.memory_space<vmem>> -> memref<128xi32, #tpu.memory_space<vmem>>
    %dma_wait3A_110 = arith.constant 0 : i32
    %dma_wait3A_111 = arith.constant 0 : i32
    %dma_wait3A_112 = tpu.memref_slice %arg13[%dma_wait3A_110, %dma_wait3A_111] : memref<16384x16xf32, #tpu.memory_space<vmem_shared>> -> memref<16384x16xf32, #tpu.memory_space<vmem_shared>>
    tpu.wait_indirect_dma semaphore(%arg16 : memref<!tpu.dma_semaphore, #tpu.memory_space<semaphore_mem>>) src(%dma_wait3A_106 : memref<128x16xf32, #tpu.memory_space<vmem>>) dst(%dma_wait3A_112 : memref<16384x16xf32, #tpu.memory_space<vmem_shared>>)
    %dma_wait3A_113 = arith.constant 3 : i32
    %dma_wait3A_114 = arith.constant 384 : i32
    %dma_wait3A_115 = arith.constant 0 : i32
    %dma_wait3A_116 = tpu.memref_slice %arg11[%dma_wait3A_114, %dma_wait3A_115] : memref<2560x16xf32, #tpu.memory_space<vmem>> -> memref<128x16xf32, #tpu.memory_space<vmem>>
    %dma_wait3A_117 = arith.constant 0 : i32
    %dma_wait3A_118 = tpu.memref_slice %arg9[%dma_wait3A_113, %dma_wait3A_117] : memref<20x128xi32, #tpu.memory_space<vmem>> -> memref<1x128xi32, #tpu.memory_space<vmem>>
    %dma_wait3A_119 = tpu.memref_squeeze %dma_wait3A_118 : memref<1x128xi32, #tpu.memory_space<vmem>> -> memref<128xi32, #tpu.memory_space<vmem>>
    %dma_wait3A_120 = arith.constant 0 : i32
    %dma_wait3A_121 = arith.constant 0 : i32
    %dma_wait3A_122 = tpu.memref_slice %arg13[%dma_wait3A_120, %dma_wait3A_121] : memref<16384x16xf32, #tpu.memory_space<vmem_shared>> -> memref<16384x16xf32, #tpu.memory_space<vmem_shared>>
    tpu.wait_indirect_dma semaphore(%arg16 : memref<!tpu.dma_semaphore, #tpu.memory_space<semaphore_mem>>) src(%dma_wait3A_116 : memref<128x16xf32, #tpu.memory_space<vmem>>) dst(%dma_wait3A_122 : memref<16384x16xf32, #tpu.memory_space<vmem_shared>>)
    %dma_wait3A_123 = arith.constant 4 : i32
    %dma_wait3A_124 = arith.constant 512 : i32
    %dma_wait3A_125 = arith.constant 0 : i32
    %dma_wait3A_126 = tpu.memref_slice %arg11[%dma_wait3A_124, %dma_wait3A_125] : memref<2560x16xf32, #tpu.memory_space<vmem>> -> memref<128x16xf32, #tpu.memory_space<vmem>>
    %dma_wait3A_127 = arith.constant 0 : i32
    %dma_wait3A_128 = tpu.memref_slice %arg9[%dma_wait3A_123, %dma_wait3A_127] : memref<20x128xi32, #tpu.memory_space<vmem>> -> memref<1x128xi32, #tpu.memory_space<vmem>>
    %dma_wait3A_129 = tpu.memref_squeeze %dma_wait3A_128 : memref<1x128xi32, #tpu.memory_space<vmem>> -> memref<128xi32, #tpu.memory_space<vmem>>
    %dma_wait3A_130 = arith.constant 0 : i32
    %dma_wait3A_131 = arith.constant 0 : i32
    %dma_wait3A_132 = tpu.memref_slice %arg13[%dma_wait3A_130, %dma_wait3A_131] : memref<16384x16xf32, #tpu.memory_space<vmem_shared>> -> memref<16384x16xf32, #tpu.memory_space<vmem_shared>>
    tpu.wait_indirect_dma semaphore(%arg16 : memref<!tpu.dma_semaphore, #tpu.memory_space<semaphore_mem>>) src(%dma_wait3A_126 : memref<128x16xf32, #tpu.memory_space<vmem>>) dst(%dma_wait3A_132 : memref<16384x16xf32, #tpu.memory_space<vmem_shared>>)
    %dma_wait3A_133 = arith.constant 5 : i32
    %dma_wait3A_134 = arith.constant 640 : i32
    %dma_wait3A_135 = arith.constant 0 : i32
    %dma_wait3A_136 = tpu.memref_slice %arg11[%dma_wait3A_134, %dma_wait3A_135] : memref<2560x16xf32, #tpu.memory_space<vmem>> -> memref<128x16xf32, #tpu.memory_space<vmem>>
    %dma_wait3A_137 = arith.constant 0 : i32
    %dma_wait3A_138 = tpu.memref_slice %arg9[%dma_wait3A_133, %dma_wait3A_137] : memref<20x128xi32, #tpu.memory_space<vmem>> -> memref<1x128xi32, #tpu.memory_space<vmem>>
    %dma_wait3A_139 = tpu.memref_squeeze %dma_wait3A_138 : memref<1x128xi32, #tpu.memory_space<vmem>> -> memref<128xi32, #tpu.memory_space<vmem>>
    %dma_wait3A_140 = arith.constant 0 : i32
    %dma_wait3A_141 = arith.constant 0 : i32
    %dma_wait3A_142 = tpu.memref_slice %arg13[%dma_wait3A_140, %dma_wait3A_141] : memref<16384x16xf32, #tpu.memory_space<vmem_shared>> -> memref<16384x16xf32, #tpu.memory_space<vmem_shared>>
    tpu.wait_indirect_dma semaphore(%arg16 : memref<!tpu.dma_semaphore, #tpu.memory_space<semaphore_mem>>) src(%dma_wait3A_136 : memref<128x16xf32, #tpu.memory_space<vmem>>) dst(%dma_wait3A_142 : memref<16384x16xf32, #tpu.memory_space<vmem_shared>>)
    %dma_wait3A_143 = arith.constant 6 : i32
    %dma_wait3A_144 = arith.constant 768 : i32
    %dma_wait3A_145 = arith.constant 0 : i32
    %dma_wait3A_146 = tpu.memref_slice %arg11[%dma_wait3A_144, %dma_wait3A_145] : memref<2560x16xf32, #tpu.memory_space<vmem>> -> memref<128x16xf32, #tpu.memory_space<vmem>>
    %dma_wait3A_147 = arith.constant 0 : i32
    %dma_wait3A_148 = tpu.memref_slice %arg9[%dma_wait3A_143, %dma_wait3A_147] : memref<20x128xi32, #tpu.memory_space<vmem>> -> memref<1x128xi32, #tpu.memory_space<vmem>>
    %dma_wait3A_149 = tpu.memref_squeeze %dma_wait3A_148 : memref<1x128xi32, #tpu.memory_space<vmem>> -> memref<128xi32, #tpu.memory_space<vmem>>
    %dma_wait3A_150 = arith.constant 0 : i32
    %dma_wait3A_151 = arith.constant 0 : i32
    %dma_wait3A_152 = tpu.memref_slice %arg13[%dma_wait3A_150, %dma_wait3A_151] : memref<16384x16xf32, #tpu.memory_space<vmem_shared>> -> memref<16384x16xf32, #tpu.memory_space<vmem_shared>>
    tpu.wait_indirect_dma semaphore(%arg16 : memref<!tpu.dma_semaphore, #tpu.memory_space<semaphore_mem>>) src(%dma_wait3A_146 : memref<128x16xf32, #tpu.memory_space<vmem>>) dst(%dma_wait3A_152 : memref<16384x16xf32, #tpu.memory_space<vmem_shared>>)
    %dma_wait3A_153 = arith.constant 7 : i32
    %dma_wait3A_154 = arith.constant 896 : i32
    %dma_wait3A_155 = arith.constant 0 : i32
    %dma_wait3A_156 = tpu.memref_slice %arg11[%dma_wait3A_154, %dma_wait3A_155] : memref<2560x16xf32, #tpu.memory_space<vmem>> -> memref<128x16xf32, #tpu.memory_space<vmem>>
    %dma_wait3A_157 = arith.constant 0 : i32
    %dma_wait3A_158 = tpu.memref_slice %arg9[%dma_wait3A_153, %dma_wait3A_157] : memref<20x128xi32, #tpu.memory_space<vmem>> -> memref<1x128xi32, #tpu.memory_space<vmem>>
    %dma_wait3A_159 = tpu.memref_squeeze %dma_wait3A_158 : memref<1x128xi32, #tpu.memory_space<vmem>> -> memref<128xi32, #tpu.memory_space<vmem>>
    %dma_wait3A_160 = arith.constant 0 : i32
    %dma_wait3A_161 = arith.constant 0 : i32
    %dma_wait3A_162 = tpu.memref_slice %arg13[%dma_wait3A_160, %dma_wait3A_161] : memref<16384x16xf32, #tpu.memory_space<vmem_shared>> -> memref<16384x16xf32, #tpu.memory_space<vmem_shared>>
    tpu.wait_indirect_dma semaphore(%arg16 : memref<!tpu.dma_semaphore, #tpu.memory_space<semaphore_mem>>) src(%dma_wait3A_156 : memref<128x16xf32, #tpu.memory_space<vmem>>) dst(%dma_wait3A_162 : memref<16384x16xf32, #tpu.memory_space<vmem_shared>>)
    %dma_wait3A_163 = arith.constant 8 : i32
    %dma_wait3A_164 = arith.constant 1024 : i32
    %dma_wait3A_165 = arith.constant 0 : i32
    %dma_wait3A_166 = tpu.memref_slice %arg11[%dma_wait3A_164, %dma_wait3A_165] : memref<2560x16xf32, #tpu.memory_space<vmem>> -> memref<128x16xf32, #tpu.memory_space<vmem>>
    %dma_wait3A_167 = arith.constant 0 : i32
    %dma_wait3A_168 = tpu.memref_slice %arg9[%dma_wait3A_163, %dma_wait3A_167] : memref<20x128xi32, #tpu.memory_space<vmem>> -> memref<1x128xi32, #tpu.memory_space<vmem>>
    %dma_wait3A_169 = tpu.memref_squeeze %dma_wait3A_168 : memref<1x128xi32, #tpu.memory_space<vmem>> -> memref<128xi32, #tpu.memory_space<vmem>>
    %dma_wait3A_170 = arith.constant 0 : i32
    %dma_wait3A_171 = arith.constant 0 : i32
    %dma_wait3A_172 = tpu.memref_slice %arg13[%dma_wait3A_170, %dma_wait3A_171] : memref<16384x16xf32, #tpu.memory_space<vmem_shared>> -> memref<16384x16xf32, #tpu.memory_space<vmem_shared>>
    tpu.wait_indirect_dma semaphore(%arg16 : memref<!tpu.dma_semaphore, #tpu.memory_space<semaphore_mem>>) src(%dma_wait3A_166 : memref<128x16xf32, #tpu.memory_space<vmem>>) dst(%dma_wait3A_172 : memref<16384x16xf32, #tpu.memory_space<vmem_shared>>)
    %dma_wait3A_173 = arith.constant 9 : i32
    %dma_wait3A_174 = arith.constant 1152 : i32
    %dma_wait3A_175 = arith.constant 0 : i32
    %dma_wait3A_176 = tpu.memref_slice %arg11[%dma_wait3A_174, %dma_wait3A_175] : memref<2560x16xf32, #tpu.memory_space<vmem>> -> memref<128x16xf32, #tpu.memory_space<vmem>>
    %dma_wait3A_177 = arith.constant 0 : i32
    %dma_wait3A_178 = tpu.memref_slice %arg9[%dma_wait3A_173, %dma_wait3A_177] : memref<20x128xi32, #tpu.memory_space<vmem>> -> memref<1x128xi32, #tpu.memory_space<vmem>>
    %dma_wait3A_179 = tpu.memref_squeeze %dma_wait3A_178 : memref<1x128xi32, #tpu.memory_space<vmem>> -> memref<128xi32, #tpu.memory_space<vmem>>
    %dma_wait3A_180 = arith.constant 0 : i32
    %dma_wait3A_181 = arith.constant 0 : i32
    %dma_wait3A_182 = tpu.memref_slice %arg13[%dma_wait3A_180, %dma_wait3A_181] : memref<16384x16xf32, #tpu.memory_space<vmem_shared>> -> memref<16384x16xf32, #tpu.memory_space<vmem_shared>>
    tpu.wait_indirect_dma semaphore(%arg16 : memref<!tpu.dma_semaphore, #tpu.memory_space<semaphore_mem>>) src(%dma_wait3A_176 : memref<128x16xf32, #tpu.memory_space<vmem>>) dst(%dma_wait3A_182 : memref<16384x16xf32, #tpu.memory_space<vmem_shared>>)
    %dma_wait3A_183 = arith.constant 10 : i32
    %dma_wait3A_184 = arith.constant 1280 : i32
    %dma_wait3A_185 = arith.constant 0 : i32
    %dma_wait3A_186 = tpu.memref_slice %arg11[%dma_wait3A_184, %dma_wait3A_185] : memref<2560x16xf32, #tpu.memory_space<vmem>> -> memref<128x16xf32, #tpu.memory_space<vmem>>
    %dma_wait3A_187 = arith.constant 0 : i32
    %dma_wait3A_188 = tpu.memref_slice %arg9[%dma_wait3A_183, %dma_wait3A_187] : memref<20x128xi32, #tpu.memory_space<vmem>> -> memref<1x128xi32, #tpu.memory_space<vmem>>
    %dma_wait3A_189 = tpu.memref_squeeze %dma_wait3A_188 : memref<1x128xi32, #tpu.memory_space<vmem>> -> memref<128xi32, #tpu.memory_space<vmem>>
    %dma_wait3A_190 = arith.constant 0 : i32
    %dma_wait3A_191 = arith.constant 0 : i32
    %dma_wait3A_192 = tpu.memref_slice %arg13[%dma_wait3A_190, %dma_wait3A_191] : memref<16384x16xf32, #tpu.memory_space<vmem_shared>> -> memref<16384x16xf32, #tpu.memory_space<vmem_shared>>
    tpu.wait_indirect_dma semaphore(%arg16 : memref<!tpu.dma_semaphore, #tpu.memory_space<semaphore_mem>>) src(%dma_wait3A_186 : memref<128x16xf32, #tpu.memory_space<vmem>>) dst(%dma_wait3A_192 : memref<16384x16xf32, #tpu.memory_space<vmem_shared>>)
    %dma_wait3A_193 = arith.constant 11 : i32
    %dma_wait3A_194 = arith.constant 1408 : i32
    %dma_wait3A_195 = arith.constant 0 : i32
    %dma_wait3A_196 = tpu.memref_slice %arg11[%dma_wait3A_194, %dma_wait3A_195] : memref<2560x16xf32, #tpu.memory_space<vmem>> -> memref<128x16xf32, #tpu.memory_space<vmem>>
    %dma_wait3A_197 = arith.constant 0 : i32
    %dma_wait3A_198 = tpu.memref_slice %arg9[%dma_wait3A_193, %dma_wait3A_197] : memref<20x128xi32, #tpu.memory_space<vmem>> -> memref<1x128xi32, #tpu.memory_space<vmem>>
    %dma_wait3A_199 = tpu.memref_squeeze %dma_wait3A_198 : memref<1x128xi32, #tpu.memory_space<vmem>> -> memref<128xi32, #tpu.memory_space<vmem>>
    %dma_wait3A_200 = arith.constant 0 : i32
    %dma_wait3A_201 = arith.constant 0 : i32
    %dma_wait3A_202 = tpu.memref_slice %arg13[%dma_wait3A_200, %dma_wait3A_201] : memref<16384x16xf32, #tpu.memory_space<vmem_shared>> -> memref<16384x16xf32, #tpu.memory_space<vmem_shared>>
    tpu.wait_indirect_dma semaphore(%arg16 : memref<!tpu.dma_semaphore, #tpu.memory_space<semaphore_mem>>) src(%dma_wait3A_196 : memref<128x16xf32, #tpu.memory_space<vmem>>) dst(%dma_wait3A_202 : memref<16384x16xf32, #tpu.memory_space<vmem_shared>>)
    %dma_wait3A_203 = arith.constant 12 : i32
    %dma_wait3A_204 = arith.constant 1536 : i32
    %dma_wait3A_205 = arith.constant 0 : i32
    %dma_wait3A_206 = tpu.memref_slice %arg11[%dma_wait3A_204, %dma_wait3A_205] : memref<2560x16xf32, #tpu.memory_space<vmem>> -> memref<128x16xf32, #tpu.memory_space<vmem>>
    %dma_wait3A_207 = arith.constant 0 : i32
    %dma_wait3A_208 = tpu.memref_slice %arg9[%dma_wait3A_203, %dma_wait3A_207] : memref<20x128xi32, #tpu.memory_space<vmem>> -> memref<1x128xi32, #tpu.memory_space<vmem>>
    %dma_wait3A_209 = tpu.memref_squeeze %dma_wait3A_208 : memref<1x128xi32, #tpu.memory_space<vmem>> -> memref<128xi32, #tpu.memory_space<vmem>>
    %dma_wait3A_210 = arith.constant 0 : i32
    %dma_wait3A_211 = arith.constant 0 : i32
    %dma_wait3A_212 = tpu.memref_slice %arg13[%dma_wait3A_210, %dma_wait3A_211] : memref<16384x16xf32, #tpu.memory_space<vmem_shared>> -> memref<16384x16xf32, #tpu.memory_space<vmem_shared>>
    tpu.wait_indirect_dma semaphore(%arg16 : memref<!tpu.dma_semaphore, #tpu.memory_space<semaphore_mem>>) src(%dma_wait3A_206 : memref<128x16xf32, #tpu.memory_space<vmem>>) dst(%dma_wait3A_212 : memref<16384x16xf32, #tpu.memory_space<vmem_shared>>)
    %dma_wait3A_213 = arith.constant 13 : i32
    %dma_wait3A_214 = arith.constant 1664 : i32
    %dma_wait3A_215 = arith.constant 0 : i32
    %dma_wait3A_216 = tpu.memref_slice %arg11[%dma_wait3A_214, %dma_wait3A_215] : memref<2560x16xf32, #tpu.memory_space<vmem>> -> memref<128x16xf32, #tpu.memory_space<vmem>>
    %dma_wait3A_217 = arith.constant 0 : i32
    %dma_wait3A_218 = tpu.memref_slice %arg9[%dma_wait3A_213, %dma_wait3A_217] : memref<20x128xi32, #tpu.memory_space<vmem>> -> memref<1x128xi32, #tpu.memory_space<vmem>>
    %dma_wait3A_219 = tpu.memref_squeeze %dma_wait3A_218 : memref<1x128xi32, #tpu.memory_space<vmem>> -> memref<128xi32, #tpu.memory_space<vmem>>
    %dma_wait3A_220 = arith.constant 0 : i32
    %dma_wait3A_221 = arith.constant 0 : i32
    %dma_wait3A_222 = tpu.memref_slice %arg13[%dma_wait3A_220, %dma_wait3A_221] : memref<16384x16xf32, #tpu.memory_space<vmem_shared>> -> memref<16384x16xf32, #tpu.memory_space<vmem_shared>>
    tpu.wait_indirect_dma semaphore(%arg16 : memref<!tpu.dma_semaphore, #tpu.memory_space<semaphore_mem>>) src(%dma_wait3A_216 : memref<128x16xf32, #tpu.memory_space<vmem>>) dst(%dma_wait3A_222 : memref<16384x16xf32, #tpu.memory_space<vmem_shared>>)
    %dma_wait3A_223 = arith.constant 14 : i32
    %dma_wait3A_224 = arith.constant 1792 : i32
    %dma_wait3A_225 = arith.constant 0 : i32
    %dma_wait3A_226 = tpu.memref_slice %arg11[%dma_wait3A_224, %dma_wait3A_225] : memref<2560x16xf32, #tpu.memory_space<vmem>> -> memref<128x16xf32, #tpu.memory_space<vmem>>
    %dma_wait3A_227 = arith.constant 0 : i32
    %dma_wait3A_228 = tpu.memref_slice %arg9[%dma_wait3A_223, %dma_wait3A_227] : memref<20x128xi32, #tpu.memory_space<vmem>> -> memref<1x128xi32, #tpu.memory_space<vmem>>
    %dma_wait3A_229 = tpu.memref_squeeze %dma_wait3A_228 : memref<1x128xi32, #tpu.memory_space<vmem>> -> memref<128xi32, #tpu.memory_space<vmem>>
    %dma_wait3A_230 = arith.constant 0 : i32
    %dma_wait3A_231 = arith.constant 0 : i32
    %dma_wait3A_232 = tpu.memref_slice %arg13[%dma_wait3A_230, %dma_wait3A_231] : memref<16384x16xf32, #tpu.memory_space<vmem_shared>> -> memref<16384x16xf32, #tpu.memory_space<vmem_shared>>
    tpu.wait_indirect_dma semaphore(%arg16 : memref<!tpu.dma_semaphore, #tpu.memory_space<semaphore_mem>>) src(%dma_wait3A_226 : memref<128x16xf32, #tpu.memory_space<vmem>>) dst(%dma_wait3A_232 : memref<16384x16xf32, #tpu.memory_space<vmem_shared>>)
    %dma_wait3A_233 = arith.constant 15 : i32
    %dma_wait3A_234 = arith.constant 1920 : i32
    %dma_wait3A_235 = arith.constant 0 : i32
    %dma_wait3A_236 = tpu.memref_slice %arg11[%dma_wait3A_234, %dma_wait3A_235] : memref<2560x16xf32, #tpu.memory_space<vmem>> -> memref<128x16xf32, #tpu.memory_space<vmem>>
    %dma_wait3A_237 = arith.constant 0 : i32
    %dma_wait3A_238 = tpu.memref_slice %arg9[%dma_wait3A_233, %dma_wait3A_237] : memref<20x128xi32, #tpu.memory_space<vmem>> -> memref<1x128xi32, #tpu.memory_space<vmem>>
    %dma_wait3A_239 = tpu.memref_squeeze %dma_wait3A_238 : memref<1x128xi32, #tpu.memory_space<vmem>> -> memref<128xi32, #tpu.memory_space<vmem>>
    %dma_wait3A_240 = arith.constant 0 : i32
    %dma_wait3A_241 = arith.constant 0 : i32
    %dma_wait3A_242 = tpu.memref_slice %arg13[%dma_wait3A_240, %dma_wait3A_241] : memref<16384x16xf32, #tpu.memory_space<vmem_shared>> -> memref<16384x16xf32, #tpu.memory_space<vmem_shared>>
    tpu.wait_indirect_dma semaphore(%arg16 : memref<!tpu.dma_semaphore, #tpu.memory_space<semaphore_mem>>) src(%dma_wait3A_236 : memref<128x16xf32, #tpu.memory_space<vmem>>) dst(%dma_wait3A_242 : memref<16384x16xf32, #tpu.memory_space<vmem_shared>>)
    %dma_wait3A_243 = arith.constant 16 : i32
    %dma_wait3A_244 = arith.constant 2048 : i32
    %dma_wait3A_245 = arith.constant 0 : i32
    %dma_wait3A_246 = tpu.memref_slice %arg11[%dma_wait3A_244, %dma_wait3A_245] : memref<2560x16xf32, #tpu.memory_space<vmem>> -> memref<128x16xf32, #tpu.memory_space<vmem>>
    %dma_wait3A_247 = arith.constant 0 : i32
    %dma_wait3A_248 = tpu.memref_slice %arg9[%dma_wait3A_243, %dma_wait3A_247] : memref<20x128xi32, #tpu.memory_space<vmem>> -> memref<1x128xi32, #tpu.memory_space<vmem>>
    %dma_wait3A_249 = tpu.memref_squeeze %dma_wait3A_248 : memref<1x128xi32, #tpu.memory_space<vmem>> -> memref<128xi32, #tpu.memory_space<vmem>>
    %dma_wait3A_250 = arith.constant 0 : i32
    %dma_wait3A_251 = arith.constant 0 : i32
    %dma_wait3A_252 = tpu.memref_slice %arg13[%dma_wait3A_250, %dma_wait3A_251] : memref<16384x16xf32, #tpu.memory_space<vmem_shared>> -> memref<16384x16xf32, #tpu.memory_space<vmem_shared>>
    tpu.wait_indirect_dma semaphore(%arg16 : memref<!tpu.dma_semaphore, #tpu.memory_space<semaphore_mem>>) src(%dma_wait3A_246 : memref<128x16xf32, #tpu.memory_space<vmem>>) dst(%dma_wait3A_252 : memref<16384x16xf32, #tpu.memory_space<vmem_shared>>)
    %dma_wait3A_253 = arith.constant 17 : i32
    %dma_wait3A_254 = arith.constant 2176 : i32
    %dma_wait3A_255 = arith.constant 0 : i32
    %dma_wait3A_256 = tpu.memref_slice %arg11[%dma_wait3A_254, %dma_wait3A_255] : memref<2560x16xf32, #tpu.memory_space<vmem>> -> memref<128x16xf32, #tpu.memory_space<vmem>>
    %dma_wait3A_257 = arith.constant 0 : i32
    %dma_wait3A_258 = tpu.memref_slice %arg9[%dma_wait3A_253, %dma_wait3A_257] : memref<20x128xi32, #tpu.memory_space<vmem>> -> memref<1x128xi32, #tpu.memory_space<vmem>>
    %dma_wait3A_259 = tpu.memref_squeeze %dma_wait3A_258 : memref<1x128xi32, #tpu.memory_space<vmem>> -> memref<128xi32, #tpu.memory_space<vmem>>
    %dma_wait3A_260 = arith.constant 0 : i32
    %dma_wait3A_261 = arith.constant 0 : i32
    %dma_wait3A_262 = tpu.memref_slice %arg13[%dma_wait3A_260, %dma_wait3A_261] : memref<16384x16xf32, #tpu.memory_space<vmem_shared>> -> memref<16384x16xf32, #tpu.memory_space<vmem_shared>>
    tpu.wait_indirect_dma semaphore(%arg16 : memref<!tpu.dma_semaphore, #tpu.memory_space<semaphore_mem>>) src(%dma_wait3A_256 : memref<128x16xf32, #tpu.memory_space<vmem>>) dst(%dma_wait3A_262 : memref<16384x16xf32, #tpu.memory_space<vmem_shared>>)
    %dma_wait3A_263 = arith.constant 18 : i32
    %dma_wait3A_264 = arith.constant 2304 : i32
    %dma_wait3A_265 = arith.constant 0 : i32
    %dma_wait3A_266 = tpu.memref_slice %arg11[%dma_wait3A_264, %dma_wait3A_265] : memref<2560x16xf32, #tpu.memory_space<vmem>> -> memref<128x16xf32, #tpu.memory_space<vmem>>
    %dma_wait3A_267 = arith.constant 0 : i32
    %dma_wait3A_268 = tpu.memref_slice %arg9[%dma_wait3A_263, %dma_wait3A_267] : memref<20x128xi32, #tpu.memory_space<vmem>> -> memref<1x128xi32, #tpu.memory_space<vmem>>
    %dma_wait3A_269 = tpu.memref_squeeze %dma_wait3A_268 : memref<1x128xi32, #tpu.memory_space<vmem>> -> memref<128xi32, #tpu.memory_space<vmem>>
    %dma_wait3A_270 = arith.constant 0 : i32
    %dma_wait3A_271 = arith.constant 0 : i32
    %dma_wait3A_272 = tpu.memref_slice %arg13[%dma_wait3A_270, %dma_wait3A_271] : memref<16384x16xf32, #tpu.memory_space<vmem_shared>> -> memref<16384x16xf32, #tpu.memory_space<vmem_shared>>
    tpu.wait_indirect_dma semaphore(%arg16 : memref<!tpu.dma_semaphore, #tpu.memory_space<semaphore_mem>>) src(%dma_wait3A_266 : memref<128x16xf32, #tpu.memory_space<vmem>>) dst(%dma_wait3A_272 : memref<16384x16xf32, #tpu.memory_space<vmem_shared>>)
    %dma_wait3A_273 = arith.constant 19 : i32
    %dma_wait3A_274 = arith.constant 2432 : i32
    %dma_wait3A_275 = arith.constant 0 : i32
    %dma_wait3A_276 = tpu.memref_slice %arg11[%dma_wait3A_274, %dma_wait3A_275] : memref<2560x16xf32, #tpu.memory_space<vmem>> -> memref<128x16xf32, #tpu.memory_space<vmem>>
    %dma_wait3A_277 = arith.constant 0 : i32
    %dma_wait3A_278 = tpu.memref_slice %arg9[%dma_wait3A_273, %dma_wait3A_277] : memref<20x128xi32, #tpu.memory_space<vmem>> -> memref<1x128xi32, #tpu.memory_space<vmem>>
    %dma_wait3A_279 = tpu.memref_squeeze %dma_wait3A_278 : memref<1x128xi32, #tpu.memory_space<vmem>> -> memref<128xi32, #tpu.memory_space<vmem>>
    %dma_wait3A_280 = arith.constant 0 : i32
    %dma_wait3A_281 = arith.constant 0 : i32
    %dma_wait3A_282 = tpu.memref_slice %arg13[%dma_wait3A_280, %dma_wait3A_281] : memref<16384x16xf32, #tpu.memory_space<vmem_shared>> -> memref<16384x16xf32, #tpu.memory_space<vmem_shared>>
    tpu.wait_indirect_dma semaphore(%arg16 : memref<!tpu.dma_semaphore, #tpu.memory_space<semaphore_mem>>) src(%dma_wait3A_276 : memref<128x16xf32, #tpu.memory_space<vmem>>) dst(%dma_wait3A_282 : memref<16384x16xf32, #tpu.memory_space<vmem_shared>>)
    %barrier3A_283 = arith.constant 0 : index
    tpu.barrier barrier_id(%barrier3A_283)
    %mul3A_284 = arith.constant 1024 : i32
    %mul3A_285 = arith.muli %arg1, %mul3A_284 : i32
    %mul3A_286 = arith.constant 16384 : i32
    %mul3A_287 = arith.muli %arg0, %mul3A_286 : i32
    %mul3A_288 = arith.constant 1024 : i32
    %mul3A_289 = arith.muli %arg1, %mul3A_288 : i32
    %add3A_290 = arith.addi %mul3A_287, %mul3A_289 : i32
    "tpu.region"() ({
      %run_scoped3A = tpu.sem_alloc : memref<!tpu.dma_semaphore, #tpu.memory_space<semaphore_mem>>
      %dma_start3A_291 = arith.constant 0 : i32
      %dma_start3A_292 = tpu.memref_slice %arg5[%add3A_290, %dma_start3A_291] : memref<32768x16xf32, #tpu.memory_space<hbm>> -> memref<1024x16xf32, #tpu.memory_space<hbm>>
      %dma_start3A_293 = arith.constant 0 : i32
      %dma_start3A_294 = tpu.memref_slice %arg13[%mul3A_285, %dma_start3A_293] : memref<16384x16xf32, #tpu.memory_space<vmem_shared>> -> memref<1024x16xf32, #tpu.memory_space<vmem_shared>>
      tpu.enqueue_dma source(%dma_start3A_294 : memref<1024x16xf32, #tpu.memory_space<vmem_shared>>) target(%dma_start3A_292 : memref<1024x16xf32, #tpu.memory_space<hbm>>) target_semaphore(%run_scoped3A : memref<!tpu.dma_semaphore, #tpu.memory_space<semaphore_mem>>)
      %dma_wait3A_295 = arith.constant 0 : i32
      %dma_wait3A_296 = tpu.memref_slice %arg5[%add3A_290, %dma_wait3A_295] : memref<32768x16xf32, #tpu.memory_space<hbm>> -> memref<1024x16xf32, #tpu.memory_space<hbm>>
      %dma_wait3A_297 = arith.constant 0 : i32
      %dma_wait3A_298 = tpu.memref_slice %arg13[%mul3A_285, %dma_wait3A_297] : memref<16384x16xf32, #tpu.memory_space<vmem_shared>> -> memref<1024x16xf32, #tpu.memory_space<vmem_shared>>
      tpu.wait_dma2 semaphore(%run_scoped3A : memref<!tpu.dma_semaphore, #tpu.memory_space<semaphore_mem>>) src(%dma_wait3A_298 : memref<1024x16xf32, #tpu.memory_space<vmem_shared>>) dst(%dma_wait3A_296 : memref<1024x16xf32, #tpu.memory_space<hbm>>)
      tpu.yield
    }) : () -> ()
    return
  }
}

module attributes {stable_mosaic.version = 14 : i64} {
  func.func @_tr_body(%arg0: i32, %arg1: memref<16x16384xf32, #tpu.memory_space<vmem>>, %arg2: memref<2048x128xf32, #tpu.memory_space<vmem>>) attributes {dimension_semantics = [#tpu.dimension_semantics<arbitrary>], iteration_bounds = array<i64: 62>, scalar_prefetch = 0 : i64, scratch_operands = 0 : i64, tpu.core_type = #tpu.core_type<tc>, window_params = [{transform_indices = @transform_0, window_bounds = array<i64: 16, 16384>}, {transform_indices = @transform_1, window_bounds = array<i64: 2048, 128>}]} {
    %get3A = arith.constant 0 : index
    %get3A_0 = arith.constant 0 : index
    %get3A_1 = vector.load %arg1[%get3A, %get3A_0] : memref<16x16384xf32, #tpu.memory_space<vmem>>, vector<16x2048xf32>
    %get3A_2 = arith.constant 0 : index
    %get3A_3 = arith.constant 2048 : index
    %get3A_4 = vector.load %arg1[%get3A_2, %get3A_3] : memref<16x16384xf32, #tpu.memory_space<vmem>>, vector<16x2048xf32>
    %get3A_5 = arith.constant 0 : index
    %get3A_6 = arith.constant 4096 : index
    %get3A_7 = vector.load %arg1[%get3A_5, %get3A_6] : memref<16x16384xf32, #tpu.memory_space<vmem>>, vector<16x2048xf32>
    %get3A_8 = arith.constant 0 : index
    %get3A_9 = arith.constant 6144 : index
    %get3A_10 = vector.load %arg1[%get3A_8, %get3A_9] : memref<16x16384xf32, #tpu.memory_space<vmem>>, vector<16x2048xf32>
    %get3A_11 = arith.constant 0 : index
    %get3A_12 = arith.constant 8192 : index
    %get3A_13 = vector.load %arg1[%get3A_11, %get3A_12] : memref<16x16384xf32, #tpu.memory_space<vmem>>, vector<16x2048xf32>
    %get3A_14 = arith.constant 0 : index
    %get3A_15 = arith.constant 10240 : index
    %get3A_16 = vector.load %arg1[%get3A_14, %get3A_15] : memref<16x16384xf32, #tpu.memory_space<vmem>>, vector<16x2048xf32>
    %get3A_17 = arith.constant 0 : index
    %get3A_18 = arith.constant 12288 : index
    %get3A_19 = vector.load %arg1[%get3A_17, %get3A_18] : memref<16x16384xf32, #tpu.memory_space<vmem>>, vector<16x2048xf32>
    %get3A_20 = arith.constant 0 : index
    %get3A_21 = arith.constant 14336 : index
    %get3A_22 = vector.load %arg1[%get3A_20, %get3A_21] : memref<16x16384xf32, #tpu.memory_space<vmem>>, vector<16x2048xf32>
    %concatenate3A = tpu.concatenate %get3A_1, %get3A_4, %get3A_7, %get3A_10, %get3A_13, %get3A_16, %get3A_19, %get3A_22 in 0 : vector<16x2048xf32>, vector<16x2048xf32>, vector<16x2048xf32>, vector<16x2048xf32>, vector<16x2048xf32>, vector<16x2048xf32>, vector<16x2048xf32>, vector<16x2048xf32> -> vector<128x2048xf32>
    %transpose3A = tpu.transpose %concatenate3A, [1, 0] : vector<128x2048xf32> -> vector<2048x128xf32>
    %swap3A = arith.constant 0 : index
    %swap3A_23 = arith.constant 0 : index
    %swap3A_24 = vector.load %arg2[%swap3A, %swap3A_23] : memref<2048x128xf32, #tpu.memory_space<vmem>>, vector<2048x128xf32>
    tpu.vector_store %arg2[%swap3A, %swap3A_23], %transpose3A {strides = array<i32>} : memref<2048x128xf32, #tpu.memory_space<vmem>>, vector<2048x128xf32>,
    return
  }
  func.func @transform_0(%arg0: i32) -> (i32, i32) {
    %c0_i32 = arith.constant 0 : i32
    %c0_i32_0 = arith.constant 0 : i32
    return %c0_i32, %arg0 : i32, i32
  }
  func.func @transform_1(%arg0: i32) -> (i32, i32) {
    %c0_i32 = arith.constant 0 : i32
    %c0_i32_0 = arith.constant 0 : i32
    return %arg0, %c0_i32 : i32, i32
  }
}

module attributes {stable_mosaic.version = 14 : i64} {
  func.func @_mlp_body(%arg0: i32, %arg1: memref<1024x16xf32, #tpu.memory_space<vmem>>, %arg2: memref<1024x16xf32, #tpu.memory_space<vmem>>, %arg3: memref<1024x1xi32, #tpu.memory_space<vmem>>, %arg4: memref<16x128xf32, #tpu.memory_space<vmem>>, %arg5: memref<1x128xf32, #tpu.memory_space<vmem>>, %arg6: memref<128x10xf32, #tpu.memory_space<vmem>>, %arg7: memref<1x10xf32, #tpu.memory_space<vmem>>, %arg8: memref<1024x10xf32, #tpu.memory_space<vmem>>, %arg9: memref<1x1xf32, #tpu.memory_space<vmem>>) attributes {dimension_semantics = [#tpu.dimension_semantics<arbitrary>], iteration_bounds = array<i64: 16>, scalar_prefetch = 0 : i64, scratch_operands = 0 : i64, tpu.core_type = #tpu.core_type<tc>, window_params = [{transform_indices = @transform_0, window_bounds = array<i64: 1024, 16>}, {transform_indices = @transform_1, window_bounds = array<i64: 1024, 16>}, {transform_indices = @transform_2, window_bounds = array<i64: 1024, 1>}, {pipeline_mode = #tpu.pipeline_mode<synchronous>, transform_indices = @transform_3, window_bounds = array<i64: 16, 128>}, {pipeline_mode = #tpu.pipeline_mode<synchronous>, transform_indices = @transform_4, window_bounds = array<i64: 1, 128>}, {pipeline_mode = #tpu.pipeline_mode<synchronous>, transform_indices = @transform_5, window_bounds = array<i64: 128, 10>}, {pipeline_mode = #tpu.pipeline_mode<synchronous>, transform_indices = @transform_6, window_bounds = array<i64: 1, 10>}, {transform_indices = @transform_7, window_bounds = array<i64: 1024, 10>}, {pipeline_mode = #tpu.pipeline_mode<synchronous>, transform_indices = @transform_8, window_bounds = array<i64: 1, 1>}]} {
    %get3A = arith.constant 0 : index
    %get3A_0 = arith.constant 0 : index
    %get3A_1 = vector.load %arg1[%get3A, %get3A_0] : memref<1024x16xf32, #tpu.memory_space<vmem>>, vector<1024x16xf32>
    %get3A_2 = arith.constant 0 : index
    %get3A_3 = arith.constant 0 : index
    %get3A_4 = vector.load %arg2[%get3A_2, %get3A_3] : memref<1024x16xf32, #tpu.memory_space<vmem>>, vector<1024x16xf32>
    %add3A = arith.addf %get3A_1, %get3A_4 : vector<1024x16xf32>
    %get3A_5 = arith.constant 0 : index
    %get3A_6 = arith.constant 0 : index
    %get3A_7 = vector.load %arg4[%get3A_5, %get3A_6] : memref<16x128xf32, #tpu.memory_space<vmem>>, vector<16x128xf32>
    %dot_general3A = arith.constant dense<0.000000e+00> : vector<1024x128xf32>
    %dot_general3A_8 = tpu.matmul %add3A, %get3A_7, %dot_general3A {dimension_numbers = #tpu.dot_dimension_numbers<[1], [0], [0], [1], [0, 0, 1, 1], [], []>, transpose_lhs_hint = false} : vector<1024x16xf32>, vector<16x128xf32>, vector<1024x128xf32> -> vector<1024x128xf32>
    %get3A_9 = arith.constant 0 : index
    %get3A_10 = arith.constant 0 : index
    %get3A_11 = vector.load %arg5[%get3A_9, %get3A_10] : memref<1x128xf32, #tpu.memory_space<vmem>>, vector<1x128xf32>
    %add3A_12 = vector.broadcast %get3A_11 : vector<1x128xf32> to vector<1024x128xf32>
    %add3A_13 = arith.addf %dot_general3A_8, %add3A_12 : vector<1024x128xf32>
    %max3A = arith.constant 0.000000e+00 : f32
    %max3A_14 = vector.broadcast %max3A : f32 to vector<1024x128xf32>
    %max3A_15 = arith.maximumf %add3A_13, %max3A_14 : vector<1024x128xf32>
    %get3A_16 = arith.constant 0 : index
    %get3A_17 = arith.constant 0 : index
    %get3A_18 = vector.load %arg6[%get3A_16, %get3A_17] : memref<128x10xf32, #tpu.memory_space<vmem>>, vector<128x10xf32>
    %dot_general3A_19 = arith.constant dense<0.000000e+00> : vector<1024x10xf32>
    %dot_general3A_20 = tpu.matmul %max3A_15, %get3A_18, %dot_general3A_19 {dimension_numbers = #tpu.dot_dimension_numbers<[1], [0], [0], [1], [0, 0, 1, 1], [], []>, transpose_lhs_hint = false} : vector<1024x128xf32>, vector<128x10xf32>, vector<1024x10xf32> -> vector<1024x10xf32>
    %get3A_21 = arith.constant 0 : index
    %get3A_22 = arith.constant 0 : index
    %get3A_23 = vector.load %arg7[%get3A_21, %get3A_22] : memref<1x10xf32, #tpu.memory_space<vmem>>, vector<1x10xf32>
    %add3A_24 = vector.broadcast %get3A_23 : vector<1x10xf32> to vector<1024x10xf32>
    %add3A_25 = arith.addf %dot_general3A_20, %add3A_24 : vector<1024x10xf32>
    %swap3A = arith.constant 0 : index
    %swap3A_26 = arith.constant 0 : index
    %swap3A_27 = vector.load %arg8[%swap3A, %swap3A_26] : memref<1024x10xf32, #tpu.memory_space<vmem>>, vector<1024x10xf32>
    tpu.vector_store %arg8[%swap3A, %swap3A_26], %add3A_25 {strides = array<i32>} : memref<1024x10xf32, #tpu.memory_space<vmem>>, vector<1024x10xf32>,
    %get3A_28 = arith.constant 0 : index
    %get3A_29 = arith.constant 0 : index
    %get3A_30 = vector.load %arg3[%get3A_28, %get3A_29] : memref<1024x1xi32, #tpu.memory_space<vmem>>, vector<1024x1xi32>
    %iota3A = tpu.iota {dimensions = array<i32: 1>} : vector<1024x10xi32>
    %eq3A = vector.broadcast %get3A_30 : vector<1024x1xi32> to vector<1024x10xi32>
    %eq3A_31 = arith.cmpi eq, %iota3A, %eq3A : vector<1024x10xi32>
    %jit3A = arith.constant 0.000000e+00 : f32
    %broadcast_in_dim3A = vector.broadcast %jit3A : f32 to vector<1024x10xf32>
    %select_n3A = arith.select %eq3A_31, %add3A_25, %broadcast_in_dim3A : vector<1024x10xi1>, vector<1024x10xf32>
    %reduce_sum3A = arith.constant dense<0.000000e+00> : vector<1024xf32>
    %reduce_sum3A_32 = vector.multi_reduction <add>, %select_n3A, %reduce_sum3A [1] : vector<1024x10xf32> to vector<1024xf32>
    %broadcast_in_dim3A_33 = vector.shape_cast %reduce_sum3A_32 : vector<1024xf32> to vector<1024x1xf32>
    %reduce_max3A = arith.constant dense<0xFF800000> : vector<1024xf32>
    %reduce_max3A_34 = vector.multi_reduction <maximumf>, %add3A_25, %reduce_max3A [1] : vector<1024x10xf32> to vector<1024xf32>
    %broadcast_in_dim3A_35 = vector.shape_cast %reduce_max3A_34 : vector<1024xf32> to vector<1024x1xf32>
    %sub3A = vector.broadcast %broadcast_in_dim3A_35 : vector<1024x1xf32> to vector<1024x10xf32>
    %sub3A_36 = arith.subf %add3A_25, %sub3A : vector<1024x10xf32>
    %exp3A = math.exp %sub3A_36 : vector<1024x10xf32>
    %reduce_sum3A_37 = arith.constant dense<0.000000e+00> : vector<1024xf32>
    %reduce_sum3A_38 = vector.multi_reduction <add>, %exp3A, %reduce_sum3A_37 [1] : vector<1024x10xf32> to vector<1024xf32>
    %broadcast_in_dim3A_39 = vector.shape_cast %reduce_sum3A_38 : vector<1024xf32> to vector<1024x1xf32>
    %log3A = math.log %broadcast_in_dim3A_39 : vector<1024x1xf32>
    %add3A_40 = arith.addf %log3A, %broadcast_in_dim3A_35 : vector<1024x1xf32>
    %sub3A_41 = arith.subf %add3A_40, %broadcast_in_dim3A_33 : vector<1024x1xf32>
    %reduce_sum3A_42 = vector.shape_cast %sub3A_41 : vector<1024x1xf32> to vector<1x1024x1xf32>
    %reduce_sum3A_43 = arith.constant dense<0.000000e+00> : vector<1xf32>
    %reduce_sum3A_44 = vector.multi_reduction <add>, %reduce_sum3A_42, %reduce_sum3A_43 [1, 2] : vector<1x1024x1xf32> to vector<1xf32>
    %reduce_sum3A_45 = vector.shape_cast %reduce_sum3A_44 : vector<1xf32> to vector<1x1x1xf32>
    %reduce_sum3A_46 = vector.extract %reduce_sum3A_45[0, 0, 0] : f32 from vector<1x1x1xf32>
    %div3A = arith.constant 1.638400e+04 : f32
    %div3A_47 = arith.divf %reduce_sum3A_46, %div3A : f32
    %reshape3A = vector.broadcast %div3A_47 : f32 to vector<1x1xf32>
    %eq3A_48 = arith.constant 0 : i32
    %eq3A_49 = arith.cmpi eq, %arg0, %eq3A_48 : i32
    %convert_element_type3A = arith.extui %eq3A_49 : i1 to i32
    %cond3A = arith.constant 0 : i32
    %cond3A_50 = arith.cmpi ne, %convert_element_type3A, %cond3A : i32
    scf.if %cond3A_50 {
      %broadcast_in_dim3A_58 = arith.constant 0.000000e+00 : f32
      %broadcast_in_dim3A_59 = vector.broadcast %broadcast_in_dim3A_58 : f32 to vector<1x1xf32>
      %swap3A_60 = arith.constant 0 : index
      %swap3A_61 = arith.constant 0 : index
      %swap3A_62 = vector.load %arg9[%swap3A_60, %swap3A_61] : memref<1x1xf32, #tpu.memory_space<vmem>>, vector<1x1xf32>
      tpu.vector_store %arg9[%swap3A_60, %swap3A_61], %broadcast_in_dim3A_59 {strides = array<i32>} : memref<1x1xf32, #tpu.memory_space<vmem>>, vector<1x1xf32>,
    } else {
    }
    %get3A_51 = arith.constant 0 : index
    %get3A_52 = arith.constant 0 : index
    %get3A_53 = vector.load %arg9[%get3A_51, %get3A_52] : memref<1x1xf32, #tpu.memory_space<vmem>>, vector<1x1xf32>
    %add3A_54 = arith.addf %get3A_53, %reshape3A : vector<1x1xf32>
    %swap3A_55 = arith.constant 0 : index
    %swap3A_56 = arith.constant 0 : index
    %swap3A_57 = vector.load %arg9[%swap3A_55, %swap3A_56] : memref<1x1xf32, #tpu.memory_space<vmem>>, vector<1x1xf32>
    tpu.vector_store %arg9[%swap3A_55, %swap3A_56], %add3A_54 {strides = array<i32>} : memref<1x1xf32, #tpu.memory_space<vmem>>, vector<1x1xf32>,
    return
  }
  func.func @transform_0(%arg0: i32) -> (i32, i32) {
    %c0_i32 = arith.constant 0 : i32
    %c0_i32_0 = arith.constant 0 : i32
    return %arg0, %c0_i32 : i32, i32
  }
  func.func @transform_1(%arg0: i32) -> (i32, i32) {
    %add3A = arith.constant 16 : i32
    %add3A_0 = arith.addi %arg0, %add3A : i32
    %c0_i32 = arith.constant 0 : i32
    %c0_i32_1 = arith.constant 0 : i32
    return %add3A_0, %c0_i32 : i32, i32
  }
  func.func @transform_2(%arg0: i32) -> (i32, i32) {
    %c0_i32 = arith.constant 0 : i32
    %c0_i32_0 = arith.constant 0 : i32
    return %arg0, %c0_i32 : i32, i32
  }
  func.func @transform_3(%arg0: i32) -> (i32, i32) {
    %c0_i32 = arith.constant 0 : i32
    %c0_i32_0 = arith.constant 0 : i32
    %c0_i32_1 = arith.constant 0 : i32
    return %c0_i32, %c0_i32_0 : i32, i32
  }
  func.func @transform_4(%arg0: i32) -> (i32, i32) {
    %c0_i32 = arith.constant 0 : i32
    %c0_i32_0 = arith.constant 0 : i32
    %c0_i32_1 = arith.constant 0 : i32
    return %c0_i32, %c0_i32_0 : i32, i32
  }
  func.func @transform_5(%arg0: i32) -> (i32, i32) {
    %c0_i32 = arith.constant 0 : i32
    %c0_i32_0 = arith.constant 0 : i32
    %c0_i32_1 = arith.constant 0 : i32
    return %c0_i32, %c0_i32_0 : i32, i32
  }
  func.func @transform_6(%arg0: i32) -> (i32, i32) {
    %c0_i32 = arith.constant 0 : i32
    %c0_i32_0 = arith.constant 0 : i32
    %c0_i32_1 = arith.constant 0 : i32
    return %c0_i32, %c0_i32_0 : i32, i32
  }
  func.func @transform_7(%arg0: i32) -> (i32, i32) {
    %c0_i32 = arith.constant 0 : i32
    %c0_i32_0 = arith.constant 0 : i32
    return %arg0, %c0_i32 : i32, i32
  }
  func.func @transform_8(%arg0: i32) -> (i32, i32) {
    %c0_i32 = arith.constant 0 : i32
    %c0_i32_0 = arith.constant 0 : i32
    %c0_i32_1 = arith.constant 0 : i32
    return %c0_i32, %c0_i32_0 : i32, i32
  }
}

</mosaic_0001>

<sc_bundles>
// kernel: kernel.5.cloned.1.call-start
scs
__scs_entry_jumppad:
0x0: {  	(pc) =	sbr.rel $0x88, $3  }
0x1: {  	(tag) =	ssettag $0x0;
	lr =	simm.s32 $0x1  }
0x2: {  	[smem:$0x3F99] =	sst lr;
	_ =	strace $0xD0000000  }
0x3: {  	_ = 	snop  }
0x4: {  	_ = 	snop  }
0x5: {  	_ = 	snop  }
0x6: {  	_ = 	snop  }
0x7: {  	_ = 	snop  }
__scs_overlays_trampoline_lowered:
0x8: {  	[smem:$0x3FA8] =	sst s0  }
0x9: {  	[smem:$0x3FA9] =	sst s1  }
0xa: {  	[smem:$0x3FAA] =	sst s2  }
0xb: {  	[smem:$0x3FAB] =	sst s3  }
0xc: {  	[smem:$0x3FAC] =	sst s4  }
0xd: {  	[smem:$0x3FAD] =	sst s5  }
0xe: {  	[smem:$0x3FAE] =	sst s6  }
0xf: {  	[smem:$0x3FAF] =	sst s7  }
0x10: {  	[smem:$0x3FB0] =	sst s8  }
0x11: {  	[smem:$0x3FB1] =	sst s9;
	s0 =	simm.s32 @!p0 $0x0  }
0x12: {  	s1 =	sld [smem:$0x3F97];
	s0 =	simm.s32 @p0 $0x1  }
0x13: {  	[smem:$0x3FB2] =	sst s0;
	s0 =	simm.s32 @!p1 $0x0  }
0x14: {  	s2 =	sld [smem:$0x3F96];
	s0 =	simm.s32 @p1 $0x1  }
0x15: {  	[smem:$0x3FB3] =	sst s0;
	s0 =	simm.s32 @!p2 $0x0  }
0x16: {  	s3 =	sld [smem:$0x3FDB];
	s0 =	simm.s32 @p2 $0x1  }
0x17: {  	s4 =	simm.s32 $0x1BF5;
	[smem:$0x3FB5] =	sst s0  }
0x18: {  	s0 =	sld [smem:$0x3F98];
	_ =	swait.ge [sflag:s4], $0x0  }
0x19: {  	s7 =	sld [smem:$0x3F99]  }
0x1a: {  	s8 =	sadd.s32 $0xFFFFE003, lr  }
0x1b: {  	s9 =	sadd.s32 $0xFFFFFEF7, lr;
	s5 =	simm.s32 $0xFFFFFFFF;
	p2 =	slt.u32 s8, $0xFFFFF086  }
0x1c: {  	p1 =	slt.u32 s9, $0xF7A;
	s5 =	simm.s32 @!p2 $0x0  }
0x1d: {  	s5 =	simm.s32 @p1 $0x1;
	p0 =	seq.s32 s7, s2  }
0x1e: {  	s7 =	smul.u32 @!p0 $0xF7A, s2;
	p2 =	seq.s32 @!p0 s5, $0x0  }
0x1f: {  	s9 =	smul.u32 $0xF7A, s1;
	s8 =	simm.s32 @!p0 $0x1BF5;
	p2 =	por !p2, p0  }
0x20: {  	[sflag:s8] =	ssyncset.s32 @!p0 $0xFFFFF086;
	s6 =	sadd.s32 @!p0 s3, s7;
	s7 =	simm.s32 @!p0 $0x108  }
0x21: {  	s3 =	sadd.s32 s3, s9;
	s6 =	sadd.s32 @!p0 $0x88, s6;
	s7 =	simm.s32 @p2 $0x1082  }
0x22: {  	[simem:s7], [sflag:s8] =	dma.local @!p0 [hbm:s6], $0xF7A  }
0x23: {  	s9 =	sor.u32 $0xD0000000, s2;
	s6 =	simm.s32 $0x108;
	_ =	swait.ge @!p0 [sflag:s8], $0x0  }
0x24: {  	s3 =	sadd.s32 $0x88, s3;
	s6 =	simm.s32 @!p1 $0x1082;
	[sflag:s4] =	ssyncset.s32 $0xFFFFF086  }
0x25: {  	[simem:s6], [sflag:s4] =	dma.local [hbm:s3], $0xF7A  }
0x26: {  	[smem:$0x3F99] =	sst s1;
	(tag) =	ssettag s2;
	_ =	strace s9  }
0x27: {  	s1 =	sld [smem:$0x3FA9]  }
0x28: {  	s2 =	sld [smem:$0x3FAA]  }
0x29: {  	s4 =	sld [smem:$0x3FAC]  }
0x2a: {  	p0 =	seq.s32 s5, $0x0;
	s5 =	sld [smem:$0x3FAD]  }
0x2b: {  	s6 =	sld [smem:$0x3FAE]  }
0x2c: {  	s7 =	sld [smem:$0x3FAF]  }
0x2d: {  	s3 =	simm.s32 $0x108;
	s8 =	sld [smem:$0x3FB0]  }
0x2e: {  	s3 =	simm.s32 @!p0 $0x1082;
	s9 =	sld [smem:$0x3FB1]  }
0x2f: {  	lr =	sadd.s32 s0, s3;
	s0 =	sld [smem:$0x3FA8]  }
0x30: {  	s3 =	sld [smem:$0x3FAB]  }
0x31: {  	[smem:$0x3FB4] =	sst s10  }
0x32: {  	s10 =	sld [smem:$0x3FB2];
	_ =	sdelay $0x3  }
0x33: {  	p0 =	seq.s32 s10, $0x1;
	s10 =	sld [smem:$0x3FB4];
	_ =	sdelay $0x3  }
0x34: {  	[smem:$0x3FB4] =	sst s10  }
0x35: {  	s10 =	sld [smem:$0x3FB3];
	_ =	sdelay $0x3  }
0x36: {  	p1 =	seq.s32 s10, $0x1;
	s10 =	sld [smem:$0x3FB4];
	_ =	sdelay $0x3  }
0x37: {  	[smem:$0x3FB4] =	sst s10  }
0x38: {  	s10 =	sld [smem:$0x3FB5]  }
0x39: {  	_ = 	snop;
	(pc) =	sbr.ind lr, $3  }
0x3a: {  	_ = 	snop  }
0x3b: {  	_ = 	snop  }
0x3c: {  	p2 =	seq.s32 s10, $0x1;
	s10 =	sld [smem:$0x3FB4]  }
0x3d: {  	_ =	shalt  }
0x3e: {  	_ =	shalt  }
0x3f: {  	_ =	shalt  }
0x40: {  	_ =	shalt  }
0x41: {  	_ =	shalt  }
0x42: {  	_ =	shalt  }
0x43: {  	_ =	shalt  }
0x44: {  	_ =	shalt  }
0x45: {  	_ =	shalt  }
0x46: {  	_ =	shalt  }
0x47: {  	_ =	shalt  }
0x48: {  	_ =	shalt  }
0x49: {  	_ =	shalt  }
0x4a: {  	_ =	shalt  }
0x4b: {  	_ =	shalt  }
0x4c: {  	_ =	shalt  }
0x4d: {  	_ =	shalt  }
0x4e: {  	_ =	shalt  }
0x4f: {  	_ =	shalt  }
0x50: {  	_ =	shalt  }
0x51: {  	_ =	shalt  }
0x52: {  	_ =	shalt  }
0x53: {  	_ =	shalt  }
0x54: {  	_ =	shalt  }
0x55: {  	_ =	shalt  }
0x56: {  	_ =	shalt  }
0x57: {  	_ =	shalt  }
0x58: {  	_ =	shalt  }
0x59: {  	_ =	shalt  }
0x5a: {  	_ =	shalt  }
0x5b: {  	_ =	shalt  }
0x5c: {  	_ =	shalt  }
0x5d: {  	_ =	shalt  }
0x5e: {  	_ =	shalt  }
0x5f: {  	_ =	shalt  }
0x60: {  	_ =	shalt  }
0x61: {  	_ =	shalt  }
0x62: {  	_ =	shalt  }
0x63: {  	_ =	shalt  }
0x64: {  	_ =	shalt  }
0x65: {  	_ =	shalt  }
0x66: {  	_ =	shalt  }
0x67: {  	_ =	shalt  }
0x68: {  	_ =	shalt  }
0x69: {  	_ =	shalt  }
0x6a: {  	_ =	shalt  }
0x6b: {  	_ =	shalt  }
0x6c: {  	_ =	shalt  }
0x6d: {  	_ =	shalt  }
0x6e: {  	_ =	shalt  }
0x6f: {  	_ =	shalt  }
0x70: {  	_ =	shalt  }
0x71: {  	_ =	shalt  }
0x72: {  	_ =	shalt  }
0x73: {  	_ =	shalt  }
0x74: {  	_ =	shalt  }
0x75: {  	_ =	shalt  }
0x76: {  	_ =	shalt  }
0x77: {  	_ =	shalt  }
0x78: {  	_ =	shalt  }
0x79: {  	_ =	shalt  }
0x7a: {  	_ =	shalt  }
0x7b: {  	_ =	shalt  }
0x7c: {  	_ =	shalt  }
0x7d: {  	_ =	shalt  }
0x7e: {  	_ =	shalt  }
0x7f: {  	_ =	shalt  }
0x80: {  	_ =	shalt  }
0x81: {  	_ =	shalt  }
0x82: {  	_ =	shalt  }
0x83: {  	_ =	shalt  }
0x84: {  	_ =	shalt  }
0x85: {  	_ =	shalt  }
0x86: {  	_ =	shalt  }
0x87: {  	_ =	shalt  }
.Lfunc_end0:
.L_simem_size_0:
called_computation_lowered:
.L_overlay_start_0:
0x88: {  	s2 =	sld [smem:$0x3FD9]  }
0x89: {  	s3 =	sld [smem:$0x3FFE];
	_ =	sdelay $0x1  }
0x8a: {  	s1 =	srdreg.scid  }
0x8b: {  	s0 =	sand.u32 $0x1, s1  }
0x8c: {  	s17 =	sshll.u32 s0, $0xA;
	s2 =	sadd.s32 s3, s2  }
0x8d: {  	s2 =	sadd.s32 s2, s17  }
0x8e: {  	[smem:$0x3FC0] =	sst s2  }
0x8f: {  	_ = 	snop  }
0x90: {  	s2 =	sld [smem:$0x3FC9]  }
0x91: {  	s18 =	sld [smem:$0x3FC8];
	(tm) =	ssettm $0x1  }
0x92: {  	s4 =	sld [smem:$0x3FFB];
	_ =	sdelay $0x3  }
0x93: {  	_ =	strace s4  }
0x94: {  	s4 =	sld [smem:$0x3FFC];
	_ =	sdelay $0x3  }
0x95: {  	_ =	strace s4  }
0x96: {  	s4 =	sld [smem:$0x3FFD];
	_ =	sdelay $0x3  }
0x97: {  	_ =	strace s4  }
0x98: {  	_ =	strace $0x8FFFFFFF  }
0x99: {  	s19 =	sld [smem:$0x3FDB];
	_ =	sdelay $0x1  }
0x9a: {  	s5 =	simm.s32 $_scs_section_size  }
0x9b: {  	s6 =	simm.s32 $_size__tile_overlayer_lowered;
	s7 =	simm.s32 $_tile_overlayer_lowered  }
0x9c: {  	s22 =	simm.s32 $0x1BFF;
	s21 =	sshll.u32 s7, $0x1;
	s4 =	sadd.s32 s5, s19  }
0x9d: {  	s8 =	simm.s32 $0x0;
	s20 =	sshll.u32 s6, $0x1;
	s6 =	sadd.s32 s21, s4  }
0x9e: {  	[timem:s8], [sflag:s22] =	dma.local [hbm:s6], s20  }
0x9f: {  	_ =	swait.ge [sflag:s22], s20  }
0xa0: {  	s5 =	ssub.s32 $0x0, s20;
	[sflag:s22] =	ssyncset.done $0x0  }
0xa1: {  	[sflag:s22] =	ssyncadd.s32 s5;
	_ =	sdelay $0x1  }
0xa2: {  	s23 =	simm.s32 $0x1B8B  }
0xa3: {  	_ =	swait.ge [sflag:s23], $0x1  }
0xa4: {  	[sflag:s23] =	ssyncset.done $0x0  }
0xa5: {  	s25 =	simm.s32 $0x1B8E;
	s24 =	sld [smem:$0x3FFE];
	[sflag:s23] =	ssyncadd.s32 $0xFFFFFFFF  }
0xa6: {  	s26 =	simm.s32 $execute0_lowered;
	[smem:$0x3FD2] =	sst s25  }
0xa7: {  	s6 =	sshll.u32 s26, $0x1;
	_ =	strace $0x80000046;
	[dreg:$0x1] =	wrdreg $0xFFFFFFFF  }
0xa8: {  	s28 =	simm.s32 $_size_execute0_lowered;
	s4 =	sadd.s32 s4, s6;
	[dreg:$0x0] =	wrdreg $0x0  }
0xa9: {  	s6 =	sshll.u32 s28, $0x1;
	[dreg:$0x2] =	wrdreg s4  }
0xaa: {  	[dreg:$0x3] =	wrdreg s6  }
0xab: {  	[dreg:$0x4] =	wrdreg $0xC0  }
0xac: {  	_ =	task [dreg:s8], $0x5FFFF  }
0xad: {  	[dreg:$0x1] =	wrdreg $0xFFFFFFFF  }
0xae: {  	[dreg:$0x0] =	wrdreg $0x60  }
0xaf: {  	[dreg:$0x2] =	wrdreg s2  }
0xb0: {  	[dreg:$0x3] =	wrdreg s18  }
0xb1: {  	[dreg:$0x4] =	wrdreg s24  }
0xb2: {  	[dreg:$0x5] =	wrdreg $0x170000  }
0xb3: {  	[dreg:$0x6] =	wrdreg $0x9  }
0xb4: {  	_ =	task.clear_ibuf [dreg:s8], $0x7FFFF;
	_ =	strace $0x90000046  }
0xb5: {  	s29 =	simm.s32 $0x9;
	_ =	strace $0x80000048  }
0xb6: {  	_ =	swait.ge [sflag:s29], $0x1  }
0xb7: {  	[sflag:s29] =	ssyncadd.s32 $0xFFFFFFFF  }
0xb8: {  	_ =	strace $0x90000048  }
0xb9: {  	_ =	sfence  }
0xba: {  	s30 =	sld [smem:$0x0];
	_ =	sdelay $0x2  }
0xbb: {  	s31 =	sshll.u32 s1, $0xD;
	s1 =	sshrl.u32 s1, $0x2  }
0xbc: {  	s3 =	sand.u32 $0x4000, s31;
	s1 =	sadd.s32 s1, s30  }
0xbd: {  	s0 =	sor.u32 s3, s0;
	s1 =	sshll.u32 s1, $0x11  }
0xbe: {  	s0 =	sor.u32 s1, s0  }
0xbf: {  	s0 =	sadd.s32 $0x8F2B, s0  }
0xc0: {  	[sflag:s0] =	ssyncadd.remote.s32 $0x1  }
0xc1: {  	_ =	sfence.sel $0xFFFF  }
0xc2: {  	[dreg:$0x0] =	wrdreg $0xFFFFFFFF;
	(pc) =	sbr.abs _section_cstart, $3  }
0xc3: {  	[dreg:$0x1] =	wrdreg $0xFFFFFFFF  }
0xc4: {  	_ =	task.clear_ibuf [dreg:s8], $0x2FFFF;
	_ =	strace $0x9FFFFFFF  }
0xc5: {  	(tm) =	ssettm $0x7FFFFFFF  }
tec
execute0_lowered:
.L_overlay_start_1:
0x0: {  	(tag) =	ssettag $0x1  }
0x1: {  	s1 =	rddreg [dreg:$0x0]  }
0x2: {  	s2 =	rddreg [dreg:$0x1]  }
0x3: {  	s0 =	rddreg [dreg:$0x2]  }
0x4: {  	s4 =	rddreg [dreg:$0x3];
	s5 =	simm.s32 $0x0;
	s11 =	stileid.u32  }
0x5: {  	s3 =	srdreg.scid;
	s28 =	simm.s32 $0x1;
	s29 =	simm.s32 $0x80  }
0x6: {  	s30 =	simm.s32 $0x1E00;
	s31 =	simm.s32 $0xC800;
	s12 =	simm.s32 $0x2780  }
0x7: {  	s13 =	simm.s32 $0x16000;
	[smem:$0x7FF] =	sst s5;
	s7 =	sshll.u32 s11, $0xB  }
0x8: {  	s3 =	sand.u32 $0x1, s3;
	s6 =	sadd.s32 $0x1000, s0;
	s10 =	sshll.u32 s11, $0xE  }
0x9: {  	_ =	strace $0x80000047;
	s0 =	sadd.s32 s7, s0;
	s14 =	ssub.s32 $0x2, s3  }
0xa: {  	s9 =	sshll.u32 s3, $0x4;
	s16 =	sadd.s32 s10, s4;
	s3 =	sshll.u32 s3, $0xF  }
0xb: {  	s8 =	sshrl.u32 s14, $0x1;
	s17 =	sadd.s32 $0x800, s16;
	[dreg:$0x5] =	wrdreg s16  }
0xc: {  	s15 =	sor.u32 s11, s9;
	s18 =	sadd.s32 $0x1000, s16;
	[dreg:$0x6] =	wrdreg s17  }
0xd: {  	s19 =	sadd.s32 $0x1800, s16;
	s20 =	sadd.s32 $0x2000, s16;
	[dreg:$0x7] =	wrdreg s18  }
0xe: {  	s21 =	sadd.s32 $0x2800, s16;
	s22 =	sadd.s32 $0x3000, s16;
	[dreg:$0x8] =	wrdreg s19  }
0xf: {  	s10 =	sadd.s32 $0x3800, s16;
	s0 =	sadd.s32 s3, s0;
	[dreg:$0x9] =	wrdreg s20  }
0x10: {  	s3 =	simm.s32 $0x14800;
	s9 =	simm.s32 $0x15000;
	[dreg:$0xa] =	wrdreg s21  }
0x11: {  	s11 =	simm.s32 $0x15800;
	s7 =	ssub.s32 s14, s8;
	[dreg:$0xb] =	wrdreg s22  }
0x12: {  	s8 =	smul.u32 $0xC800, s15;
	[dreg:$0xc] =	wrdreg s10;
	s0 =	sadd.s32 $0x1F1000, s0  }
0x13: {  	s21 =	simm.s32 $0x5;
	s22 =	simm.s32 $0x1400;
	s10 =	simm.s32 $0x2700  }
0x14: {  	s14 =	simm.s32 $0x3;
	s15 =	simm.s32 $0x0;
	[dreg:$0xf] =	wrdreg s0  }
.Ltmp0:
0x15: {  	s26 =	smax.u32 s7, $0x1;
	s0 =	simm.s32 $0x2600;
	(pc) =	sbr.rel .LBB2_1-.Ltmp0, $4  }
0x16: {  	s23 =	sshrl.u32 s8, $0x3;
	s17 =	sadd.s32 $0xA00, s8;
	[dreg:$0x10] =	wrdreg s26  }
0x17: {  	s26 =	simm.s32 $0x2;
	s8 =	simm.s32 $0x2680;
	s24 =	sadd.s32 s1, s23  }
0x18: {  	s25 =	sadd.s32 s2, s23;
	s23 =	simm.s32 $0x4;
	[dreg:$0xd] =	wrdreg s24  }
0x19: {  	v0 =	vimm.f32 $0.0e+00;
	[dreg:$0xe] =	wrdreg s25;
	s24 =	simm.s32 $0xA00;
	s25 =	simm.s32 $0x2800  }
.LBB2_17:
0x1a: {  	_ =	swait.ge [sflag:s14], $0x800  }
0x1b: {  	[sflag:s14] =	ssyncset.done $0x0  }
0x1c: {  	[sflag:s14] =	ssyncadd.s32 $0xFFFFF800  }
0x1d: {  	_ =	swait.ge [sflag:s14], $0x800  }
0x1e: {  	[sflag:s14] =	ssyncset.done $0x0  }
0x1f: {  	[sflag:s14] =	ssyncadd.s32 $0xFFFFF800  }
0x20: {  	_ =	swait.ge [sflag:s14], $0x800  }
0x21: {  	[sflag:s14] =	ssyncset.done $0x0  }
0x22: {  	[sflag:s14] =	ssyncadd.s32 $0xFFFFF800  }
0x23: {  	_ =	swait.ge [sflag:s14], $0x800  }
0x24: {  	[sflag:s14] =	ssyncset.done $0x0  }
0x25: {  	[sflag:s14] =	ssyncadd.s32 $0xFFFFF800  }
0x26: {  	_ =	swait.ge [sflag:s14], $0x800  }
0x27: {  	[sflag:s14] =	ssyncset.done $0x0  }
0x28: {  	[sflag:s14] =	ssyncadd.s32 $0xFFFFF800  }
0x29: {  	_ =	swait.ge [sflag:s14], $0x800  }
0x2a: {  	[sflag:s14] =	ssyncset.done $0x0  }
0x2b: {  	[sflag:s14] =	ssyncadd.s32 $0xFFFFF800  }
0x2c: {  	_ =	swait.ge [sflag:s14], $0x800  }
0x2d: {  	[sflag:s14] =	ssyncset.done $0x0  }
0x2e: {  	[sflag:s14] =	ssyncadd.s32 $0xFFFFF800  }
0x2f: {  	_ =	swait.ge [sflag:s14], $0x800  }
0x30: {  	[sflag:s14] =	ssyncset.done $0x0  }
0x31: {  	[sflag:s14] =	ssyncadd.s32 $0xFFFFF800  }
0x32: {  	_ =	swait.ge [sflag:s14], $0x800  }
0x33: {  	[sflag:s14] =	ssyncset.done $0x0  }
0x34: {  	[sflag:s14] =	ssyncadd.s32 $0xFFFFF800  }
0x35: {  	_ =	swait.ge [sflag:s14], $0x800  }
0x36: {  	[sflag:s14] =	ssyncset.done $0x0  }
0x37: {  	[sflag:s14] =	ssyncadd.s32 $0xFFFFF800  }
0x38: {  	_ =	swait.ge [sflag:s14], $0x800  }
0x39: {  	[sflag:s14] =	ssyncset.done $0x0  }
0x3a: {  	[sflag:s14] =	ssyncadd.s32 $0xFFFFF800  }
0x3b: {  	_ =	swait.ge [sflag:s14], $0x800  }
0x3c: {  	[sflag:s14] =	ssyncset.done $0x0  }
0x3d: {  	[sflag:s14] =	ssyncadd.s32 $0xFFFFF800  }
0x3e: {  	_ =	swait.ge [sflag:s14], $0x800  }
0x3f: {  	[sflag:s14] =	ssyncset.done $0x0  }
0x40: {  	[sflag:s14] =	ssyncadd.s32 $0xFFFFF800  }
0x41: {  	_ =	swait.ge [sflag:s14], $0x800  }
0x42: {  	[sflag:s14] =	ssyncset.done $0x0  }
0x43: {  	[sflag:s14] =	ssyncadd.s32 $0xFFFFF800  }
0x44: {  	_ =	swait.ge [sflag:s14], $0x800  }
0x45: {  	[sflag:s14] =	ssyncset.done $0x0  }
0x46: {  	[sflag:s14] =	ssyncadd.s32 $0xFFFFF800  }
0x47: {  	_ =	swait.ge [sflag:s14], $0x800  }
0x48: {  	[sflag:s14] =	ssyncset.done $0x0  }
0x49: {  	[sflag:s14] =	ssyncadd.s32 $0xFFFFF800  }
0x4a: {  	_ =	swait.ge [sflag:s14], $0x800  }
0x4b: {  	[sflag:s14] =	ssyncset.done $0x0  }
0x4c: {  	[sflag:s14] =	ssyncadd.s32 $0xFFFFF800  }
0x4d: {  	_ =	swait.ge [sflag:s14], $0x800  }
0x4e: {  	[sflag:s14] =	ssyncset.done $0x0  }
0x4f: {  	[sflag:s14] =	ssyncadd.s32 $0xFFFFF800  }
0x50: {  	_ =	swait.ge [sflag:s14], $0x800  }
0x51: {  	[sflag:s14] =	ssyncset.done $0x0  }
0x52: {  	[sflag:s14] =	ssyncadd.s32 $0xFFFFF800  }
0x53: {  	_ =	swait.ge [sflag:s14], $0x800  }
0x54: {  	[sflag:s14] =	ssyncset.done $0x0  }
0x55: {  	[sflag:s14] =	ssyncadd.s32 $0xFFFFF800  }
0x56: {  	s7 =	stileid.u32;
	[bflag:$0x0] =	sbarrier.arrive $0xFFFF  }
0x57: {  	s7 =	sshll.u32 s7, $0x6;
	s16 =	rddreg [dreg:$0x5]  }
0x58: {  	s7 =	sor.u32 $0x1C05, s7;
	s18 =	rddreg [dreg:$0xf];
	s15 =	sshrl.u32 s16, $0x3  }
0x59: {  	[hbm:s18], [sflag:s7] =	dma.local [spmem:s15], $0x800  }
0x5a: {  	_ =	swait.ge [sflag:s21], $0x800  }
0x5b: {  	s19 =	rddreg [dreg:$0x11]  }
0x5c: {  	s20 =	rddreg [dreg:$0x10];
	s15 =	sadd.s32 $0x1, s19  }
0x5d: {  	p0 =	sne.s32 s15, s20  }
.Ltmp1:
0x5e: {  	_ = 	snop;
	(pc) =	sbr.rel @!p0 .LBB2_18-.Ltmp1, $3  }
0x5f: {  	_ =	sdelay $0x1  }
0x60: {  	[sflag:s21] =	ssyncset.done $0x0  }
0x61: {  	[sflag:s21] =	ssyncadd.s32 $0xFFFFF800  }
.LBB2_1:
0x62: {  	[dreg:$0x11] =	wrdreg s15;
	s7 =	simm.s32 $0x40;
	s15 =	simm.s32 $0x0  }
.LBB2_2:
0x63: {  	p0 =	sne.s32 s7, $0x1FC0;
	[tilespmem:s15+$0x16800] =	vst v0;
	s15 =	smov.u32 s7;
	s7 =	sadd.s32 $0x40, s7  }
.Ltmp2:
0x64: {  	(pc) =	sbr.rel @p0 .LBB2_2-.Ltmp2, $2  }
0x65: {  	_ =	sdelay $0x2  }
0x66: {  	s15 =	sshra.s32 s15, $0x2  }
0x67: {  	[tilespmem:s15+$0x16800] =	vst v0;
	s15 =	simm.s32 $0x16800  }
0x68: {  	[spmem:s16] =	stream.linear.scatter [tilespmem:s15], [sflag:$0x5], $0x800, $0x38;
	[tilespmem:$0x1B000] =	vst v63  }
0x69: {  	_ =	swait.ge [sflag:s21], $0x800  }
0x6a: {  	[sflag:s21] =	ssyncset.done $0x0  }
0x6b: {  	s7 =	rddreg [dreg:$0x6];
	[sflag:s21] =	ssyncadd.s32 $0xFFFFF800  }
0x6c: {  	[spmem:s7] =	stream.linear.scatter [tilespmem:s15], [sflag:$0x5], $0x800, $0x38;
	[tilespmem:$0x1B000] =	vst v63  }
0x6d: {  	_ =	swait.ge [sflag:s21], $0x800  }
0x6e: {  	[sflag:s21] =	ssyncset.done $0x0  }
0x6f: {  	s16 =	rddreg [dreg:$0x7];
	[sflag:s21] =	ssyncadd.s32 $0xFFFFF800  }
0x70: {  	[spmem:s16] =	stream.linear.scatter [tilespmem:s15], [sflag:$0x5], $0x800, $0x38;
	[tilespmem:$0x1B000] =	vst v63  }
0x71: {  	_ =	swait.ge [sflag:s21], $0x800  }
0x72: {  	[sflag:s21] =	ssyncset.done $0x0  }
0x73: {  	s18 =	rddreg [dreg:$0x8];
	[sflag:s21] =	ssyncadd.s32 $0xFFFFF800  }
0x74: {  	[spmem:s18] =	stream.linear.scatter [tilespmem:s15], [sflag:$0x5], $0x800, $0x38;
	[tilespmem:$0x1B000] =	vst v63  }
0x75: {  	_ =	swait.ge [sflag:s21], $0x800  }
0x76: {  	[sflag:s21] =	ssyncset.done $0x0  }
0x77: {  	s19 =	rddreg [dreg:$0x9];
	[sflag:s21] =	ssyncadd.s32 $0xFFFFF800  }
0x78: {  	[spmem:s19] =	stream.linear.scatter [tilespmem:s15], [sflag:$0x5], $0x800, $0x38;
	[tilespmem:$0x1B000] =	vst v63  }
0x79: {  	_ =	swait.ge [sflag:s21], $0x800  }
0x7a: {  	[sflag:s21] =	ssyncset.done $0x0  }
0x7b: {  	s20 =	rddreg [dreg:$0xa];
	[sflag:s21] =	ssyncadd.s32 $0xFFFFF800  }
0x7c: {  	[spmem:s20] =	stream.linear.scatter [tilespmem:s15], [sflag:$0x5], $0x800, $0x38;
	[tilespmem:$0x1B000] =	vst v63  }
0x7d: {  	_ =	swait.ge [sflag:s21], $0x800  }
0x7e: {  	[sflag:s21] =	ssyncset.done $0x0  }
0x7f: {  	s16 =	rddreg [dreg:$0xb];
	[sflag:s21] =	ssyncadd.s32 $0xFFFFF800  }
0x80: {  	[spmem:s16] =	stream.linear.scatter [tilespmem:s15], [sflag:$0x5], $0x800, $0x38;
	[tilespmem:$0x1B000] =	vst v63  }
0x81: {  	_ =	swait.ge [sflag:s21], $0x800  }
0x82: {  	[sflag:s21] =	ssyncset.done $0x0  }
0x83: {  	s18 =	rddreg [dreg:$0xc];
	[sflag:s21] =	ssyncadd.s32 $0xFFFFF800  }
0x84: {  	[spmem:s18] =	stream.linear.scatter [tilespmem:s15], [sflag:$0x5], $0x800, $0x38;
	[tilespmem:$0x1B000] =	vst v63  }
0x85: {  	_ =	swait.ge [sflag:s21], $0x800  }
0x86: {  	[sflag:s21] =	ssyncset.done $0x0  }
0x87: {  	[sflag:s21] =	ssyncadd.s32 $0xFFFFF800  }
0x88: {  	[bflag:$0x0] =	sbarrier.arrive $0xFFFF  }
0x89: {  	s19 =	rddreg [dreg:$0xd]  }
0x8a: {  	[tilespmem:s5], [sflag:$0x4] =	stream.linear.gather [hbm4b:s19+s5], $0xA00, $0x38;
	[tilespmem:$0x1B000] =	vst v63  }
0x8b: {  	s20 =	rddreg [dreg:$0xe]  }
0x8c: {  	[tilespmem:s22], [sflag:$0x4] =	stream.linear.gather [hbm4b:s20+s5], $0xA00, $0x38;
	[tilespmem:$0x1B000] =	vst v63  }
0x8d: {  	_ =	swait.ge [sflag:s23], $0xA00  }
0x8e: {  	[sflag:s23] =	ssyncset.done $0x0  }
0x8f: {  	[sflag:s23] =	ssyncadd.s32 $0xFFFFF600  }
0x90: {  	_ =	swait.ge [sflag:s23], $0xA00  }
0x91: {  	[sflag:s23] =	ssyncset.done $0x0  }
0x92: {  	s15 =	simm.s32 $0x40;
	[sflag:s23] =	ssyncadd.s32 $0xFFFFF600  }
0x93: {  	v1 =	vld [tilespmem:s15+$0xFFFFFFC0]  }
0x94: {  	v2 =	vld [tilespmem:s15+$0xFFFFFFD0]  }
0x95: {  	v4 =	vld [tilespmem:s15+$0xFFFFFFE0]  }
0x96: {  	v11 =	vld [tilespmem:s15+$0x10];
	_ =	sdelay $0x1  }
0x97: {  	v5 =	vshll.u32 v1, $0x3;
	v6 =	vand.u32 $0xFFFFC000, v1  }
0x98: {  	v3 =	vld [tilespmem:s15+$0xFFFFFFF0];
	v1 =	vshrl.u32 v1, $0xB;
	v7 =	vshll.u32 v2, $0x3;
	v9 =	vand.u32 $0xFFFFC000, v2  }
0x99: {  	v2 =	vshrl.u32 v2, $0xB;
	v10 =	vshll.u32 v4, $0x3;
	v12 =	vand.u32 $0xFFFFC000, v4  }
0x9a: {  	v8 =	vld [tilespmem:s15+$0x0];
	v4 =	vshrl.u32 v4, $0xB;
	v13 =	vand.u32 $0xFFFFC000, v11;
	v5 =	vand.u32 $0x3FF8, v5  }
0x9b: {  	v1 =	vand.u32 $0x7, v1;
	v7 =	vand.u32 $0x3FF8, v7;
	v2 =	vand.u32 $0x7, v2  }
0x9c: {  	v10 =	vand.u32 $0x3FF8, v10;
	v4 =	vand.u32 $0x7, v4;
	v5 =	vor.u32 v6, v5  }
0x9d: {  	v6 =	vshll.u32 v3, $0x3;
	v7 =	vor.u32 v9, v7;
	v9 =	vor.u32 v12, v10  }
0x9e: {  	v10 =	vshll.u32 v11, $0x3;
	v11 =	vshrl.u32 v11, $0xB;
	v1 =	vor.u32 v1, v5;
	v5 =	vld [tilespmem:s15+$0x20]  }
0x9f: {  	v59 =	vld [tilespmem:s15+$0x30];
	v2 =	vor.u32 v2, v7;
	v4 =	vor.u32 v4, v9;
	v7 =	vshll.u32 v8, $0x3  }
0xa0: {  	v9 =	vand.u32 $0xFFFFC000, v8;
	v8 =	vshrl.u32 v8, $0xB;
	v10 =	vand.u32 $0x3FF8, v10  }
0xa1: {  	v6 =	vand.u32 $0x3FF8, v6;
	v7 =	vand.u32 $0x3FF8, v7;
	v8 =	vand.u32 $0x7, v8  }
0xa2: {  	[tilespmem:s15+$0xFFFFFFC0] =	vst v1;
	v1 =	vor.u32 v13, v10;
	v7 =	vor.u32 v9, v7;
	v9 =	vand.u32 $0x7, v11  }
0xa3: {  	s16 =	simm.s32 $0xC0;
	[tilespmem:s15+$0xFFFFFFD0] =	vst v2;
	v7 =	vor.u32 v8, v7;
	v1 =	vor.u32 v9, v1;
	v10 =	vshll.u32 v5, $0x3  }
0xa4: {  	v9 =	vand.u32 $0xFFFFC000, v59;
	v2 =	vand.u32 $0xFFFFC000, v5;
	v8 =	vand.u32 $0x3FF8, v10;
	v10 =	vld [tilespmem:s16+$0xFFFFFFC0]  }
0xa5: {  	v5 =	vshrl.u32 v5, $0xB;
	[tilespmem:s15+$0xFFFFFFE0] =	vst v4;
	v4 =	vor.u32 v2, v8;
	v8 =	vshll.u32 v59, $0x3  }
0xa6: {  	v5 =	vand.u32 $0x7, v5;
	v2 =	vld [tilespmem:s16+$0xFFFFFFF0];
	[tilespmem:s15+$0x0] =	vst v7;
	v7 =	vand.u32 $0x3FF8, v8;
	v8 =	vshrl.u32 v59, $0xB  }
0xa7: {  	[tilespmem:s15+$0x10] =	vst v1;
	v4 =	vor.u32 v5, v4;
	v1 =	vor.u32 v9, v7;
	v5 =	vand.u32 $0x7, v8;
	v7 =	vld [tilespmem:s16+$0xFFFFFFD0]  }
0xa8: {  	v8 =	vand.u32 $0xFFFFC000, v3;
	v9 =	vld [tilespmem:s16+$0xFFFFFFE0];
	v3 =	vshrl.u32 v3, $0xB;
	v5 =	vor.u32 v5, v1  }
0xa9: {  	v1 =	vor.u32 v8, v6;
	v3 =	vand.u32 $0x7, v3;
	v6 =	vshll.u32 v10, $0x3  }
0xaa: {  	[tilespmem:s15+$0x20] =	vst v4;
	v4 =	vand.u32 $0xFFFFC000, v10;
	v8 =	vshrl.u32 v10, $0xB;
	v6 =	vand.u32 $0x3FF8, v6  }
0xab: {  	[tilespmem:s15+$0x30] =	vst v5;
	v5 =	vor.u32 v4, v6;
	v6 =	vand.u32 $0x7, v8;
	v4 =	vshll.u32 v2, $0x3  }
0xac: {  	v11 =	vld [tilespmem:s16+$0x0];
	v8 =	vand.u32 $0xFFFFC000, v7;
	v10 =	vshll.u32 v7, $0x3;
	v7 =	vshrl.u32 v7, $0xB  }
0xad: {  	v61 =	vld [tilespmem:s16+$0x10];
	v60 =	vshll.u32 v9, $0x3;
	v14 =	vand.u32 $0xFFFFC000, v9;
	v9 =	vshrl.u32 v9, $0xB  }
0xae: {  	v10 =	vand.u32 $0x3FF8, v10;
	v7 =	vand.u32 $0x7, v7;
	v12 =	vand.u32 $0x3FF8, v60  }
0xaf: {  	v9 =	vand.u32 $0x7, v9;
	v8 =	vor.u32 v8, v10;
	v10 =	vor.u32 v14, v12  }
0xb0: {  	v6 =	vor.u32 v6, v5;
	v62 =	vor.u32 v7, v8;
	v5 =	vor.u32 v9, v10;
	v10 =	vld [tilespmem:s16+$0x20]  }
0xb1: {  	v7 =	vand.u32 $0xFFFFC000, v11;
	v8 =	vshll.u32 v11, $0x3;
	v9 =	vshrl.u32 v11, $0xB  }
0xb2: {  	[tilespmem:s16+$0xFFFFFFC0] =	vst v6;
	v6 =	vld [tilespmem:s16+$0x30];
	v11 =	vshll.u32 v61, $0x3;
	v63 =	vand.u32 $0xFFFFC000, v61;
	v13 =	vshrl.u32 v61, $0xB  }
0xb3: {  	v8 =	vand.u32 $0x3FF8, v8;
	v9 =	vand.u32 $0x7, v9;
	v11 =	vand.u32 $0x3FF8, v11  }
0xb4: {  	v13 =	vand.u32 $0x7, v13;
	v7 =	vor.u32 v7, v8;
	v11 =	vor.u32 v63, v11  }
0xb5: {  	v8 =	vor.u32 v9, v7;
	v7 =	vor.u32 v13, v11;
	v11 =	vshll.u32 v10, $0x3  }
0xb6: {  	s7 =	simm.s32 $0x140;
	s18 =	simm.s32 $0x8;
	[tilespmem:s16+$0xFFFFFFD0] =	vst v62;
	v9 =	vand.u32 $0xFFFFC000, v10;
	v10 =	vshrl.u32 v10, $0xB;
	v11 =	vand.u32 $0x3FF8, v11  }
.LBB2_4:
0xb7: {  	v12 =	vld [tilespmem:s7+$0xFFFFFFC0];
	[tilespmem:s16+$0xFFFFFFE0] =	vst v5;
	v5 =	vor.u32 v9, v11;
	v9 =	vand.u32 $0x7, v10;
	v10 =	vshll.u32 v6, $0x3  }
0xb8: {  	v11 =	vld [tilespmem:s7+$0xFFFFFFF0];
	[tilespmem:s16+$0x0] =	vst v8;
	v8 =	vand.u32 $0xFFFFC000, v6;
	v10 =	vand.u32 $0x3FF8, v10;
	v6 =	vshrl.u32 v6, $0xB  }
0xb9: {  	v5 =	vor.u32 v9, v5;
	[tilespmem:s16+$0x10] =	vst v7;
	v7 =	vor.u32 v8, v10;
	v6 =	vand.u32 $0x7, v6  }
0xba: {  	v4 =	vand.u32 $0x3FF8, v4;
	v9 =	vand.u32 $0xFFFFC000, v2;
	v8 =	vld [tilespmem:s7+$0xFFFFFFD0];
	[tilespmem:s16+$0x20] =	vst v5;
	v5 =	vor.u32 v6, v7  }
0xbb: {  	v10 =	vshrl.u32 v2, $0xB;
	v6 =	vld [tilespmem:s7+$0xFFFFFFE0];
	[tilespmem:s16+$0x30] =	vst v5;
	v5 =	vor.u32 v3, v1;
	v1 =	vor.u32 v9, v4  }
0xbc: {  	v3 =	vand.u32 $0x7, v10;
	v4 =	vshll.u32 v12, $0x3;
	[tilespmem:s15+$0xFFFFFFF0] =	vst v5;
	s15 =	smov.u32 s16;
	s16 =	smov.u32 s7  }
0xbd: {  	v5 =	vand.u32 $0xFFFFC000, v12;
	v7 =	vshrl.u32 v12, $0xB;
	v4 =	vand.u32 $0x3FF8, v4;
	v2 =	vmovc v11  }
0xbe: {  	v7 =	vand.u32 $0x7, v7;
	v5 =	vor.u32 v5, v4;
	v4 =	vshll.u32 v2, $0x3  }
0xbf: {  	v9 =	vand.u32 $0xFFFFC000, v8;
	v10 =	vshll.u32 v8, $0x3;
	v8 =	vshrl.u32 v8, $0xB;
	v11 =	vld [tilespmem:s7+$0x0]  }
0xc0: {  	v10 =	vand.u32 $0x3FF8, v10;
	v8 =	vand.u32 $0x7, v8;
	v12 =	vshll.u32 v6, $0x3;
	v13 =	vld [tilespmem:s7+$0x10]  }
0xc1: {  	v14 =	vand.u32 $0xFFFFC000, v6;
	v6 =	vshrl.u32 v6, $0xB;
	v12 =	vand.u32 $0x3FF8, v12  }
0xc2: {  	v9 =	vor.u32 v9, v10;
	v6 =	vand.u32 $0x7, v6;
	v10 =	vor.u32 v14, v12  }
0xc3: {  	s18 =	sadd.s32 $0x8, s18;
	v7 =	vor.u32 v7, v5;
	v9 =	vor.u32 v8, v9;
	v5 =	vor.u32 v6, v10;
	v10 =	vld [tilespmem:s7+$0x20]  }
0xc4: {  	p0 =	slt.u32 s18, $0x98;
	v8 =	vand.u32 $0xFFFFC000, v11;
	v6 =	vshll.u32 v11, $0x3;
	v11 =	vshrl.u32 v11, $0xB  }
.Ltmp3:
0xc5: {  	v12 =	vand.u32 $0x3FF8, v6;
	v11 =	vand.u32 $0x7, v11;
	v14 =	vshll.u32 v13, $0x3;
	v6 =	vld [tilespmem:s7+$0x30];
	(pc) =	sbr.rel @p0 .LBB2_4-.Ltmp3, $4  }
0xc6: {  	v15 =	vand.u32 $0xFFFFC000, v13;
	v13 =	vshrl.u32 v13, $0xB;
	v14 =	vand.u32 $0x3FF8, v14  }
0xc7: {  	v8 =	vor.u32 v8, v12;
	v13 =	vand.u32 $0x7, v13;
	v12 =	vor.u32 v15, v14  }
0xc8: {  	v8 =	vor.u32 v11, v8;
	[tilespmem:s7+$0xFFFFFFC0] =	vst v7;
	v7 =	vor.u32 v13, v12;
	v11 =	vshll.u32 v10, $0x3  }
0xc9: {  	s7 =	sadd.s32 $0x80, s7;
	[tilespmem:s16+$0xFFFFFFD0] =	vst v9;
	v9 =	vand.u32 $0xFFFFC000, v10;
	v11 =	vand.u32 $0x3FF8, v11;
	v10 =	vshrl.u32 v10, $0xB  }
0xca: {  	v9 =	vor.u32 v9, v11  }
0xcb: {  	[tilespmem:s16+$0xFFFFFFE0] =	vst v5;
	v56 =	vand.u32 $0x7, v10;
	v57 =	vshll.u32 v6, $0x3;
	v58 =	vand.u32 $0xFFFFC000, v6  }
0xcc: {  	[tilespmem:s16+$0x0] =	vst v8;
	v60 =	vshrl.u32 v6, $0xB;
	v62 =	vand.u32 $0xFFFFC000, v2;
	v4 =	vand.u32 $0x3FF8, v4  }
0xcd: {  	[tilespmem:s16+$0x10] =	vst v7;
	v2 =	vshrl.u32 v2, $0xB;
	v59 =	vand.u32 $0x3FF8, v57;
	v5 =	vor.u32 v56, v9  }
.Ltmp4:
0xce: {  	v1 =	vor.u32 v3, v1;
	v6 =	vand.u32 $0x7, v60;
	v61 =	vor.u32 v58, v59;
	[tilespmem:s16+$0x20] =	vst v5;
	(pc) =	sbr.rel .LBB2_6-.Ltmp4, $4  }
0xcf: {  	v4 =	vor.u32 v62, v4;
	v2 =	vand.u32 $0x7, v2;
	v63 =	vor.u32 v6, v61;
	[tilespmem:s15+$0xFFFFFFF0] =	vst v1  }
0xd0: {  	v1 =	vor.u32 v2, v4;
	[tilespmem:s16+$0x30] =	vst v63  }
0xd1: {  	s15 =	simm.s32 $0x0;
	[tilespmem:s16+$0xFFFFFFF0] =	vst v1  }
0xd2: {  	[tilespmem:s25], [sflag:$0x1] =	stream.indirect.gather [hbm4b:s6+s24], $0x10, s15, s24, $0xb8;
	[tilespmem:$0x1B000] =	vst v63  }
.LBB2_14:
0xd3: {  	_ =	swait.ge [sflag:s28], $0xA000  }
0xd4: {  	[sflag:s28] =	ssyncset.done $0x0  }
0xd5: {  	[sflag:s28] =	ssyncadd.s32 $0xFFFF6000  }
.LBB2_15:
0xd6: {  	[spmem:s4] =	stream.indirect.scatter.add.f32 [tilespmem:s31], [sflag:$0x3], $0x10, s30, s29, $0xb8;
	[tilespmem:$0x1B000] =	vst v63  }
0xd7: {  	s7 =	simm.s32 $0x1E80;
	s16 =	simm.s32 $0xD000  }
0xd8: {  	[spmem:s4] =	stream.indirect.scatter.add.f32 [tilespmem:s16], [sflag:$0x3], $0x10, s7, s29, $0xb8;
	[tilespmem:$0x1B000] =	vst v63  }
0xd9: {  	s18 =	simm.s32 $0xD800;
	s16 =	simm.s32 $0x1F00  }
0xda: {  	[spmem:s4] =	stream.indirect.scatter.add.f32 [tilespmem:s18], [sflag:$0x3], $0x10, s16, s29, $0xb8;
	[tilespmem:$0x1B000] =	vst v63  }
0xdb: {  	s19 =	simm.s32 $0x1F80;
	s20 =	simm.s32 $0xE000  }
0xdc: {  	[spmem:s4] =	stream.indirect.scatter.add.f32 [tilespmem:s20], [sflag:$0x3], $0x10, s19, s29, $0xb8;
	[tilespmem:$0x1B000] =	vst v63  }
0xdd: {  	s16 =	simm.s32 $0x2000;
	s18 =	simm.s32 $0xE800  }
0xde: {  	[spmem:s4] =	stream.indirect.scatter.add.f32 [tilespmem:s18], [sflag:$0x3], $0x10, s16, s29, $0xb8;
	[tilespmem:$0x1B000] =	vst v63  }
0xdf: {  	s19 =	simm.s32 $0x2080;
	s20 =	simm.s32 $0xF000  }
0xe0: {  	[spmem:s4] =	stream.indirect.scatter.add.f32 [tilespmem:s20], [sflag:$0x3], $0x10, s19, s29, $0xb8;
	[tilespmem:$0x1B000] =	vst v63  }
0xe1: {  	s16 =	simm.s32 $0x2100;
	s18 =	simm.s32 $0xF800  }
0xe2: {  	[spmem:s4] =	stream.indirect.scatter.add.f32 [tilespmem:s18], [sflag:$0x3], $0x10, s16, s29, $0xb8;
	[tilespmem:$0x1B000] =	vst v63  }
0xe3: {  	s19 =	simm.s32 $0x2180;
	s20 =	simm.s32 $0x10000  }
0xe4: {  	[spmem:s4] =	stream.indirect.scatter.add.f32 [tilespmem:s20], [sflag:$0x3], $0x10, s19, s29, $0xb8;
	[tilespmem:$0x1B000] =	vst v63  }
0xe5: {  	s16 =	simm.s32 $0x2200;
	s18 =	simm.s32 $0x10800  }
0xe6: {  	[spmem:s4] =	stream.indirect.scatter.add.f32 [tilespmem:s18], [sflag:$0x3], $0x10, s16, s29, $0xb8;
	[tilespmem:$0x1B000] =	vst v63  }
0xe7: {  	s19 =	simm.s32 $0x2280;
	s20 =	simm.s32 $0x11000  }
0xe8: {  	[spmem:s4] =	stream.indirect.scatter.add.f32 [tilespmem:s20], [sflag:$0x3], $0x10, s19, s29, $0xb8;
	[tilespmem:$0x1B000] =	vst v63  }
0xe9: {  	s16 =	simm.s32 $0x2300;
	s18 =	simm.s32 $0x11800  }
0xea: {  	[spmem:s4] =	stream.indirect.scatter.add.f32 [tilespmem:s18], [sflag:$0x3], $0x10, s16, s29, $0xb8;
	[tilespmem:$0x1B000] =	vst v63  }
0xeb: {  	s19 =	simm.s32 $0x2380;
	s20 =	simm.s32 $0x12000  }
0xec: {  	[spmem:s4] =	stream.indirect.scatter.add.f32 [tilespmem:s20], [sflag:$0x3], $0x10, s19, s29, $0xb8;
	[tilespmem:$0x1B000] =	vst v63  }
0xed: {  	s16 =	simm.s32 $0x2400;
	s18 =	simm.s32 $0x12800  }
0xee: {  	[spmem:s4] =	stream.indirect.scatter.add.f32 [tilespmem:s18], [sflag:$0x3], $0x10, s16, s29, $0xb8;
	[tilespmem:$0x1B000] =	vst v63  }
0xef: {  	s19 =	simm.s32 $0x2480;
	s20 =	simm.s32 $0x13000  }
0xf0: {  	[spmem:s4] =	stream.indirect.scatter.add.f32 [tilespmem:s20], [sflag:$0x3], $0x10, s19, s29, $0xb8;
	[tilespmem:$0x1B000] =	vst v63  }
0xf1: {  	s16 =	simm.s32 $0x2500;
	s18 =	simm.s32 $0x13800  }
0xf2: {  	[spmem:s4] =	stream.indirect.scatter.add.f32 [tilespmem:s18], [sflag:$0x3], $0x10, s16, s29, $0xb8;
	[tilespmem:$0x1B000] =	vst v63  }
0xf3: {  	s19 =	simm.s32 $0x2580;
	s20 =	simm.s32 $0x14000  }
0xf4: {  	[spmem:s4] =	stream.indirect.scatter.add.f32 [tilespmem:s20], [sflag:$0x3], $0x10, s19, s29, $0xb8;
	[tilespmem:$0x1B000] =	vst v63  }
0xf5: {  	_ = 	snop  }
0xf6: {  	[spmem:s4] =	stream.indirect.scatter.add.f32 [tilespmem:s3], [sflag:$0x3], $0x10, s0, s29, $0xb8;
	[tilespmem:$0x1B000] =	vst v63  }
0xf7: {  	_ = 	snop  }
0xf8: {  	[spmem:s4] =	stream.indirect.scatter.add.f32 [tilespmem:s9], [sflag:$0x3], $0x10, s8, s29, $0xb8;
	[tilespmem:$0x1B000] =	vst v63  }
0xf9: {  	_ = 	snop  }
0xfa: {  	[spmem:s4] =	stream.indirect.scatter.add.f32 [tilespmem:s11], [sflag:$0x3], $0x10, s10, s29, $0xb8;
	[tilespmem:$0x1B000] =	vst v63  }
0xfb: {  	_ = 	snop  }
0xfc: {  	[spmem:s4] =	stream.indirect.scatter.add.f32 [tilespmem:s13], [sflag:$0x3], $0x10, s12, s29, $0xb8;
	[tilespmem:$0x1B000] =	vst v63  }
.LBB2_16:
0xfd: {  	s15 =	sadd.s32 $0x1, s15  }
0xfe: {  	p0 =	sne.s32 s15, $0x14  }
.Ltmp5:
0xff: {  	_ = 	snop;
	(pc) =	sbr.rel @!p0 .LBB2_17-.Ltmp5, $1  }
0x100: {  	_ =	sdelay $0x3  }
.LBB2_6:
0x101: {  	s16 =	sand.u32 $0x1, s15  }
0x102: {  	p0 =	seq.s32 s16, $0x1  }
.Ltmp6:
0x103: {  	_ = 	snop;
	(pc) =	sbr.rel @p0 .LBB2_10-.Ltmp6, $1  }
0x104: {  	_ =	sdelay $0x3  }
0x105: {  	p0 =	seq.s32 s15, $0x0  }
0x106: {  	s7 =	simm.s32 @!p0 $0x3  }
0x107: {  	_ =	swait.ge @!p0 [sflag:s7], $0x800  }
0x108: {  	[sflag:s7] =	ssyncset.done @!p0 $0x0  }
0x109: {  	[sflag:s7] =	ssyncadd.s32 @!p0 $0xFFFFF800  }
0x10a: {  	_ =	swait.ge @!p0 [sflag:s7], $0x800  }
0x10b: {  	[sflag:s7] =	ssyncset.done @!p0 $0x0  }
0x10c: {  	[sflag:s7] =	ssyncadd.s32 @!p0 $0xFFFFF800  }
0x10d: {  	_ =	swait.ge @!p0 [sflag:s7], $0x800  }
0x10e: {  	[sflag:s7] =	ssyncset.done @!p0 $0x0  }
0x10f: {  	[sflag:s7] =	ssyncadd.s32 @!p0 $0xFFFFF800  }
0x110: {  	_ =	swait.ge @!p0 [sflag:s7], $0x800  }
0x111: {  	[sflag:s7] =	ssyncset.done @!p0 $0x0  }
0x112: {  	[sflag:s7] =	ssyncadd.s32 @!p0 $0xFFFFF800  }
0x113: {  	_ =	swait.ge @!p0 [sflag:s7], $0x800  }
0x114: {  	[sflag:s7] =	ssyncset.done @!p0 $0x0  }
0x115: {  	[sflag:s7] =	ssyncadd.s32 @!p0 $0xFFFFF800  }
0x116: {  	_ =	swait.ge @!p0 [sflag:s7], $0x800  }
0x117: {  	[sflag:s7] =	ssyncset.done @!p0 $0x0  }
0x118: {  	[sflag:s7] =	ssyncadd.s32 @!p0 $0xFFFFF800  }
0x119: {  	_ =	swait.ge @!p0 [sflag:s7], $0x800  }
0x11a: {  	[sflag:s7] =	ssyncset.done @!p0 $0x0  }
0x11b: {  	[sflag:s7] =	ssyncadd.s32 @!p0 $0xFFFFF800  }
0x11c: {  	_ =	swait.ge @!p0 [sflag:s7], $0x800  }
0x11d: {  	[sflag:s7] =	ssyncset.done @!p0 $0x0  }
0x11e: {  	[sflag:s7] =	ssyncadd.s32 @!p0 $0xFFFFF800  }
0x11f: {  	_ =	swait.ge @!p0 [sflag:s7], $0x800  }
0x120: {  	[sflag:s7] =	ssyncset.done @!p0 $0x0  }
0x121: {  	[sflag:s7] =	ssyncadd.s32 @!p0 $0xFFFFF800  }
0x122: {  	_ =	swait.ge @!p0 [sflag:s7], $0x800  }
0x123: {  	[sflag:s7] =	ssyncset.done @!p0 $0x0  }
0x124: {  	[sflag:s7] =	ssyncadd.s32 @!p0 $0xFFFFF800  }
0x125: {  	_ =	swait.ge @!p0 [sflag:s7], $0x800  }
0x126: {  	[sflag:s7] =	ssyncset.done @!p0 $0x0  }
0x127: {  	[sflag:s7] =	ssyncadd.s32 @!p0 $0xFFFFF800  }
0x128: {  	_ =	swait.ge @!p0 [sflag:s7], $0x800  }
0x129: {  	[sflag:s7] =	ssyncset.done @!p0 $0x0  }
0x12a: {  	[sflag:s7] =	ssyncadd.s32 @!p0 $0xFFFFF800  }
0x12b: {  	_ =	swait.ge @!p0 [sflag:s7], $0x800  }
0x12c: {  	[sflag:s7] =	ssyncset.done @!p0 $0x0  }
0x12d: {  	[sflag:s7] =	ssyncadd.s32 @!p0 $0xFFFFF800  }
0x12e: {  	_ =	swait.ge @!p0 [sflag:s7], $0x800  }
0x12f: {  	[sflag:s7] =	ssyncset.done @!p0 $0x0  }
0x130: {  	[sflag:s7] =	ssyncadd.s32 @!p0 $0xFFFFF800  }
0x131: {  	_ =	swait.ge @!p0 [sflag:s7], $0x800  }
0x132: {  	[sflag:s7] =	ssyncset.done @!p0 $0x0  }
0x133: {  	[sflag:s7] =	ssyncadd.s32 @!p0 $0xFFFFF800  }
0x134: {  	_ =	swait.ge @!p0 [sflag:s7], $0x800  }
0x135: {  	[sflag:s7] =	ssyncset.done @!p0 $0x0  }
0x136: {  	[sflag:s7] =	ssyncadd.s32 @!p0 $0xFFFFF800  }
0x137: {  	_ =	swait.ge @!p0 [sflag:s7], $0x800  }
0x138: {  	[sflag:s7] =	ssyncset.done @!p0 $0x0  }
0x139: {  	[sflag:s7] =	ssyncadd.s32 @!p0 $0xFFFFF800  }
0x13a: {  	_ =	swait.ge @!p0 [sflag:s7], $0x800  }
0x13b: {  	[sflag:s7] =	ssyncset.done @!p0 $0x0  }
0x13c: {  	[sflag:s7] =	ssyncadd.s32 @!p0 $0xFFFFF800  }
0x13d: {  	_ =	swait.ge @!p0 [sflag:s7], $0x800  }
0x13e: {  	s18 =	smul.u32 $0xA00, s15;
	[sflag:s7] =	ssyncset.done @!p0 $0x0  }
0x13f: {  	[sflag:s7] =	ssyncadd.s32 @!p0 $0xFFFFF800  }
0x140: {  	s18 =	sadd.s32 s18, s17;
	_ =	swait.ge @!p0 [sflag:s7], $0x800  }
0x141: {  	s18 =	sshrl.u32 s18, $0x3;
	[sflag:s7] =	ssyncset.done @!p0 $0x0  }
0x142: {  	s19 =	sadd.s32 s1, s18;
	[sflag:s7] =	ssyncadd.s32 @!p0 $0xFFFFF800  }
0x143: {  	[tilespmem:s24], [sflag:$0x4] =	stream.linear.gather [hbm4b:s19+s5], $0xA00, $0x38;
	[tilespmem:$0x1B000] =	vst v63  }
0x144: {  	s20 =	sadd.s32 s2, s18  }
0x145: {  	[tilespmem:s30], [sflag:$0x4] =	stream.linear.gather [hbm4b:s20+s5], $0xA00, $0x38;
	[tilespmem:$0x1B000] =	vst v63  }
0x146: {  	_ =	swait.ge [sflag:s23], $0xA00  }
0x147: {  	[sflag:s23] =	ssyncset.done $0x0  }
0x148: {  	[sflag:s23] =	ssyncadd.s32 $0xFFFFF600  }
0x149: {  	_ =	swait.ge [sflag:s23], $0xA00  }
0x14a: {  	[sflag:s23] =	ssyncset.done $0x0  }
0x14b: {  	s18 =	simm.s32 $0xA40;
	[sflag:s23] =	ssyncadd.s32 $0xFFFFF600  }
0x14c: {  	v1 =	vld [tilespmem:s18+$0xFFFFFFC0]  }
0x14d: {  	v3 =	vld [tilespmem:s18+$0xFFFFFFD0]  }
0x14e: {  	v4 =	vld [tilespmem:s18+$0xFFFFFFE0]  }
0x14f: {  	v11 =	vld [tilespmem:s18+$0x10];
	_ =	sdelay $0x1  }
0x150: {  	v5 =	vshll.u32 v1, $0x3;
	v6 =	vand.u32 $0xFFFFC000, v1  }
0x151: {  	v2 =	vld [tilespmem:s18+$0xFFFFFFF0];
	v1 =	vshrl.u32 v1, $0xB;
	v7 =	vshll.u32 v3, $0x3;
	v9 =	vand.u32 $0xFFFFC000, v3  }
0x152: {  	v3 =	vshrl.u32 v3, $0xB;
	v10 =	vshll.u32 v4, $0x3;
	v12 =	vand.u32 $0xFFFFC000, v4  }
0x153: {  	v8 =	vld [tilespmem:s18+$0x0];
	v4 =	vshrl.u32 v4, $0xB;
	v13 =	vand.u32 $0xFFFFC000, v11;
	v5 =	vand.u32 $0x3FF8, v5  }
0x154: {  	v1 =	vand.u32 $0x7, v1;
	v7 =	vand.u32 $0x3FF8, v7;
	v3 =	vand.u32 $0x7, v3  }
0x155: {  	v10 =	vand.u32 $0x3FF8, v10;
	v4 =	vand.u32 $0x7, v4;
	v5 =	vor.u32 v6, v5  }
0x156: {  	v6 =	vshll.u32 v2, $0x3;
	v7 =	vor.u32 v9, v7;
	v9 =	vor.u32 v12, v10  }
0x157: {  	v10 =	vshll.u32 v11, $0x3;
	v11 =	vshrl.u32 v11, $0xB;
	v1 =	vor.u32 v1, v5;
	v5 =	vld [tilespmem:s18+$0x20]  }
0x158: {  	v3 =	vor.u32 v3, v7;
	v4 =	vor.u32 v4, v9;
	v7 =	vshll.u32 v8, $0x3  }
0x159: {  	v59 =	vld [tilespmem:s18+$0x30];
	v9 =	vand.u32 $0xFFFFC000, v8;
	v8 =	vshrl.u32 v8, $0xB;
	v10 =	vand.u32 $0x3FF8, v10  }
0x15a: {  	v6 =	vand.u32 $0x3FF8, v6;
	v7 =	vand.u32 $0x3FF8, v7;
	v8 =	vand.u32 $0x7, v8  }
0x15b: {  	[tilespmem:s18+$0xFFFFFFC0] =	vst v1;
	v1 =	vor.u32 v13, v10;
	v7 =	vor.u32 v9, v7;
	v9 =	vand.u32 $0x7, v11  }
0x15c: {  	s19 =	simm.s32 $0xAC0;
	[tilespmem:s18+$0xFFFFFFD0] =	vst v3;
	v3 =	vor.u32 v8, v7;
	v9 =	vor.u32 v9, v1;
	v10 =	vshll.u32 v5, $0x3  }
0x15d: {  	v7 =	vand.u32 $0xFFFFC000, v5;
	v1 =	vshrl.u32 v5, $0xB;
	v8 =	vand.u32 $0x3FF8, v10;
	v10 =	vld [tilespmem:s19+$0xFFFFFFC0];
	[tilespmem:s18+$0xFFFFFFE0] =	vst v4  }
0x15e: {  	v5 =	vand.u32 $0x7, v1;
	v4 =	vor.u32 v7, v8;
	v7 =	vshll.u32 v59, $0x3;
	v1 =	vld [tilespmem:s19+$0xFFFFFFF0];
	[tilespmem:s18+$0x0] =	vst v3  }
0x15f: {  	v8 =	vand.u32 $0xFFFFC000, v59;
	[tilespmem:s18+$0x10] =	vst v9;
	v3 =	vand.u32 $0x3FF8, v7;
	v7 =	vshrl.u32 v59, $0xB  }
0x160: {  	v4 =	vor.u32 v5, v4;
	v9 =	vld [tilespmem:s19+$0xFFFFFFE0];
	v3 =	vor.u32 v8, v3;
	v5 =	vand.u32 $0x7, v7  }
0x161: {  	v7 =	vld [tilespmem:s19+$0xFFFFFFD0];
	v8 =	vand.u32 $0xFFFFC000, v2;
	v5 =	vor.u32 v5, v3;
	v3 =	vshrl.u32 v2, $0xB  }
0x162: {  	v2 =	vor.u32 v8, v6;
	v6 =	vshll.u32 v10, $0x3;
	v3 =	vand.u32 $0x7, v3  }
0x163: {  	[tilespmem:s18+$0x20] =	vst v4;
	v4 =	vand.u32 $0xFFFFC000, v10;
	v8 =	vshrl.u32 v10, $0xB;
	v6 =	vand.u32 $0x3FF8, v6  }
0x164: {  	[tilespmem:s18+$0x30] =	vst v5;
	v5 =	vor.u32 v4, v6;
	v6 =	vand.u32 $0x7, v8;
	v4 =	vshll.u32 v1, $0x3  }
0x165: {  	v11 =	vld [tilespmem:s19+$0x0];
	v60 =	vshll.u32 v9, $0x3;
	v14 =	vand.u32 $0xFFFFC000, v9;
	v9 =	vshrl.u32 v9, $0xB  }
0x166: {  	v61 =	vld [tilespmem:s19+$0x10];
	v8 =	vand.u32 $0xFFFFC000, v7;
	v10 =	vshll.u32 v7, $0x3;
	v7 =	vshrl.u32 v7, $0xB  }
0x167: {  	v12 =	vand.u32 $0x3FF8, v60;
	v9 =	vand.u32 $0x7, v9;
	v10 =	vand.u32 $0x3FF8, v10  }
0x168: {  	v7 =	vand.u32 $0x7, v7;
	v8 =	vor.u32 v8, v10;
	v10 =	vor.u32 v14, v12  }
0x169: {  	v6 =	vor.u32 v6, v5;
	v62 =	vor.u32 v7, v8;
	v5 =	vor.u32 v9, v10;
	v10 =	vld [tilespmem:s19+$0x20]  }
0x16a: {  	v7 =	vand.u32 $0xFFFFC000, v11;
	v8 =	vshll.u32 v11, $0x3;
	v9 =	vshrl.u32 v11, $0xB  }
0x16b: {  	[tilespmem:s19+$0xFFFFFFC0] =	vst v6;
	v6 =	vld [tilespmem:s19+$0x30];
	v11 =	vshll.u32 v61, $0x3;
	v63 =	vand.u32 $0xFFFFC000, v61;
	v13 =	vshrl.u32 v61, $0xB  }
0x16c: {  	v8 =	vand.u32 $0x3FF8, v8;
	v9 =	vand.u32 $0x7, v9;
	v11 =	vand.u32 $0x3FF8, v11  }
0x16d: {  	v13 =	vand.u32 $0x7, v13;
	v7 =	vor.u32 v7, v8;
	v11 =	vor.u32 v63, v11  }
0x16e: {  	v8 =	vor.u32 v9, v7;
	v7 =	vor.u32 v13, v11;
	v11 =	vshll.u32 v10, $0x3  }
0x16f: {  	s7 =	simm.s32 $0x8;
	s20 =	simm.s32 $0xB40;
	[tilespmem:s19+$0xFFFFFFD0] =	vst v62;
	v9 =	vand.u32 $0xFFFFC000, v10;
	v10 =	vshrl.u32 v10, $0xB;
	v11 =	vand.u32 $0x3FF8, v11  }
.LBB2_8:
0x170: {  	v12 =	vld [tilespmem:s20+$0xFFFFFFC0];
	[tilespmem:s19+$0xFFFFFFE0] =	vst v5;
	v5 =	vor.u32 v9, v11;
	v9 =	vand.u32 $0x7, v10;
	v10 =	vshll.u32 v6, $0x3  }
0x171: {  	v11 =	vld [tilespmem:s20+$0xFFFFFFF0];
	[tilespmem:s19+$0x0] =	vst v8;
	v8 =	vand.u32 $0xFFFFC000, v6;
	v10 =	vand.u32 $0x3FF8, v10;
	v6 =	vshrl.u32 v6, $0xB  }
0x172: {  	v5 =	vor.u32 v9, v5;
	[tilespmem:s19+$0x10] =	vst v7;
	v7 =	vor.u32 v8, v10;
	v6 =	vand.u32 $0x7, v6  }
0x173: {  	v4 =	vand.u32 $0x3FF8, v4;
	v9 =	vand.u32 $0xFFFFC000, v1;
	v8 =	vld [tilespmem:s20+$0xFFFFFFD0];
	[tilespmem:s19+$0x20] =	vst v5;
	v5 =	vor.u32 v6, v7  }
0x174: {  	v10 =	vshrl.u32 v1, $0xB;
	v6 =	vld [tilespmem:s20+$0xFFFFFFE0];
	[tilespmem:s19+$0x30] =	vst v5;
	v5 =	vor.u32 v3, v2;
	v2 =	vor.u32 v9, v4  }
0x175: {  	v3 =	vand.u32 $0x7, v10;
	v4 =	vshll.u32 v12, $0x3;
	[tilespmem:s18+$0xFFFFFFF0] =	vst v5;
	s18 =	smov.u32 s19;
	s19 =	smov.u32 s20  }
0x176: {  	v5 =	vand.u32 $0xFFFFC000, v12;
	v7 =	vshrl.u32 v12, $0xB;
	v4 =	vand.u32 $0x3FF8, v4;
	v1 =	vmovc v11  }
0x177: {  	v7 =	vand.u32 $0x7, v7;
	v5 =	vor.u32 v5, v4;
	v4 =	vshll.u32 v1, $0x3  }
0x178: {  	v9 =	vand.u32 $0xFFFFC000, v8;
	v10 =	vshll.u32 v8, $0x3;
	v8 =	vshrl.u32 v8, $0xB;
	v11 =	vld [tilespmem:s20+$0x0]  }
0x179: {  	v10 =	vand.u32 $0x3FF8, v10;
	v8 =	vand.u32 $0x7, v8;
	v12 =	vshll.u32 v6, $0x3;
	v13 =	vld [tilespmem:s20+$0x10]  }
0x17a: {  	v14 =	vand.u32 $0xFFFFC000, v6;
	v6 =	vshrl.u32 v6, $0xB;
	v12 =	vand.u32 $0x3FF8, v12  }
0x17b: {  	v9 =	vor.u32 v9, v10;
	v6 =	vand.u32 $0x7, v6;
	v10 =	vor.u32 v14, v12  }
0x17c: {  	s7 =	sadd.s32 $0x8, s7;
	v7 =	vor.u32 v7, v5;
	v9 =	vor.u32 v8, v9;
	v5 =	vor.u32 v6, v10;
	v10 =	vld [tilespmem:s20+$0x20]  }
0x17d: {  	p0 =	slt.u32 s7, $0x98;
	v8 =	vand.u32 $0xFFFFC000, v11;
	v6 =	vshll.u32 v11, $0x3;
	v11 =	vshrl.u32 v11, $0xB  }
.Ltmp7:
0x17e: {  	v12 =	vand.u32 $0x3FF8, v6;
	v11 =	vand.u32 $0x7, v11;
	v14 =	vshll.u32 v13, $0x3;
	v6 =	vld [tilespmem:s20+$0x30];
	(pc) =	sbr.rel @p0 .LBB2_8-.Ltmp7, $4  }
0x17f: {  	v15 =	vand.u32 $0xFFFFC000, v13;
	v13 =	vshrl.u32 v13, $0xB;
	v14 =	vand.u32 $0x3FF8, v14  }
0x180: {  	v8 =	vor.u32 v8, v12;
	v13 =	vand.u32 $0x7, v13;
	v12 =	vor.u32 v15, v14  }
0x181: {  	v8 =	vor.u32 v11, v8;
	[tilespmem:s20+$0xFFFFFFC0] =	vst v7;
	v7 =	vor.u32 v13, v12;
	v11 =	vshll.u32 v10, $0x3  }
0x182: {  	s20 =	sadd.s32 $0x80, s20;
	[tilespmem:s19+$0xFFFFFFD0] =	vst v9;
	v9 =	vand.u32 $0xFFFFC000, v10;
	v11 =	vand.u32 $0x3FF8, v11;
	v10 =	vshrl.u32 v10, $0xB  }
0x183: {  	v9 =	vor.u32 v9, v11  }
0x184: {  	[tilespmem:s19+$0xFFFFFFE0] =	vst v5;
	v57 =	vand.u32 $0x7, v10;
	v58 =	vshll.u32 v6, $0x3;
	v59 =	vand.u32 $0xFFFFC000, v6  }
0x185: {  	[tilespmem:s19+$0x0] =	vst v8;
	v61 =	vshrl.u32 v6, $0xB;
	v63 =	vand.u32 $0xFFFFC000, v1;
	v4 =	vand.u32 $0x3FF8, v4  }
0x186: {  	[tilespmem:s19+$0x10] =	vst v7;
	v1 =	vshrl.u32 v1, $0xB;
	v60 =	vand.u32 $0x3FF8, v58;
	v5 =	vor.u32 v57, v9  }
0x187: {  	v2 =	vor.u32 v3, v2;
	v6 =	vand.u32 $0x7, v61;
	v62 =	vor.u32 v59, v60;
	[tilespmem:s19+$0x20] =	vst v5  }
0x188: {  	v3 =	vor.u32 v63, v4;
	v1 =	vand.u32 $0x7, v1;
	[tilespmem:s18+$0xFFFFFFF0] =	vst v2;
	v2 =	vor.u32 v6, v62  }
0x189: {  	v1 =	vor.u32 v1, v3;
	[tilespmem:s19+$0x30] =	vst v2  }
0x18a: {  	[tilespmem:s19+$0xFFFFFFF0] =	vst v1  }
0x18b: {  	_ =	swait.ge [sflag:s28], $0xA000  }
0x18c: {  	[sflag:s28] =	ssyncset.done $0x0  }
0x18d: {  	[sflag:s28] =	ssyncadd.s32 $0xFFFF6000  }
0x18e: {  	[tilespmem:s31], [sflag:$0x1] =	stream.indirect.gather [hbm4b:s6+s24], $0x10, s24, s24, $0xb8;
	[tilespmem:$0x1B000] =	vst v63  }
0x18f: {  	_ = 	snop  }
0x190: {  	[spmem:s4] =	stream.indirect.scatter.add.f32 [tilespmem:s25], [sflag:$0x2], $0x10, s22, s29, $0xb8;
	[tilespmem:$0x1B000] =	vst v63  }
0x191: {  	s7 =	simm.s32 $0x1480;
	s20 =	simm.s32 $0x3000  }
0x192: {  	[spmem:s4] =	stream.indirect.scatter.add.f32 [tilespmem:s20], [sflag:$0x2], $0x10, s7, s29, $0xb8;
	[tilespmem:$0x1B000] =	vst v63  }
0x193: {  	s19 =	simm.s32 $0x1500;
	s20 =	simm.s32 $0x3800  }
0x194: {  	[spmem:s4] =	stream.indirect.scatter.add.f32 [tilespmem:s20], [sflag:$0x2], $0x10, s19, s29, $0xb8;
	[tilespmem:$0x1B000] =	vst v63  }
0x195: {  	s19 =	simm.s32 $0x1580;
	s20 =	simm.s32 $0x4000  }
0x196: {  	[spmem:s4] =	stream.indirect.scatter.add.f32 [tilespmem:s20], [sflag:$0x2], $0x10, s19, s29, $0xb8;
	[tilespmem:$0x1B000] =	vst v63  }
0x197: {  	s19 =	simm.s32 $0x1600;
	s20 =	simm.s32 $0x4800  }
0x198: {  	[spmem:s4] =	stream.indirect.scatter.add.f32 [tilespmem:s20], [sflag:$0x2], $0x10, s19, s29, $0xb8;
	[tilespmem:$0x1B000] =	vst v63  }
0x199: {  	s19 =	simm.s32 $0x1680;
	s20 =	simm.s32 $0x5000  }
0x19a: {  	[spmem:s4] =	stream.indirect.scatter.add.f32 [tilespmem:s20], [sflag:$0x2], $0x10, s19, s29, $0xb8;
	[tilespmem:$0x1B000] =	vst v63  }
0x19b: {  	s19 =	simm.s32 $0x1700;
	s20 =	simm.s32 $0x5800  }
0x19c: {  	[spmem:s4] =	stream.indirect.scatter.add.f32 [tilespmem:s20], [sflag:$0x2], $0x10, s19, s29, $0xb8;
	[tilespmem:$0x1B000] =	vst v63  }
0x19d: {  	s19 =	simm.s32 $0x1780;
	s20 =	simm.s32 $0x6000  }
0x19e: {  	[spmem:s4] =	stream.indirect.scatter.add.f32 [tilespmem:s20], [sflag:$0x2], $0x10, s19, s29, $0xb8;
	[tilespmem:$0x1B000] =	vst v63  }
0x19f: {  	s19 =	simm.s32 $0x1800;
	s20 =	simm.s32 $0x6800  }
0x1a0: {  	[spmem:s4] =	stream.indirect.scatter.add.f32 [tilespmem:s20], [sflag:$0x2], $0x10, s19, s29, $0xb8;
	[tilespmem:$0x1B000] =	vst v63  }
0x1a1: {  	s19 =	simm.s32 $0x1880;
	s20 =	simm.s32 $0x7000  }
0x1a2: {  	[spmem:s4] =	stream.indirect.scatter.add.f32 [tilespmem:s20], [sflag:$0x2], $0x10, s19, s29, $0xb8;
	[tilespmem:$0x1B000] =	vst v63  }
0x1a3: {  	s19 =	simm.s32 $0x1900;
	s20 =	simm.s32 $0x7800  }
0x1a4: {  	[spmem:s4] =	stream.indirect.scatter.add.f32 [tilespmem:s20], [sflag:$0x2], $0x10, s19, s29, $0xb8;
	[tilespmem:$0x1B000] =	vst v63  }
0x1a5: {  	s19 =	simm.s32 $0x1980;
	s20 =	simm.s32 $0x8000  }
0x1a6: {  	[spmem:s4] =	stream.indirect.scatter.add.f32 [tilespmem:s20], [sflag:$0x2], $0x10, s19, s29, $0xb8;
	[tilespmem:$0x1B000] =	vst v63  }
0x1a7: {  	s19 =	simm.s32 $0x1A00;
	s20 =	simm.s32 $0x8800  }
0x1a8: {  	[spmem:s4] =	stream.indirect.scatter.add.f32 [tilespmem:s20], [sflag:$0x2], $0x10, s19, s29, $0xb8;
	[tilespmem:$0x1B000] =	vst v63  }
0x1a9: {  	s19 =	simm.s32 $0x1A80;
	s20 =	simm.s32 $0x9000  }
0x1aa: {  	[spmem:s4] =	stream.indirect.scatter.add.f32 [tilespmem:s20], [sflag:$0x2], $0x10, s19, s29, $0xb8;
	[tilespmem:$0x1B000] =	vst v63  }
0x1ab: {  	s19 =	simm.s32 $0x1B00;
	s20 =	simm.s32 $0x9800  }
0x1ac: {  	[spmem:s4] =	stream.indirect.scatter.add.f32 [tilespmem:s20], [sflag:$0x2], $0x10, s19, s29, $0xb8;
	[tilespmem:$0x1B000] =	vst v63  }
0x1ad: {  	s19 =	simm.s32 $0x1B80;
	s20 =	simm.s32 $0xA000  }
0x1ae: {  	[spmem:s4] =	stream.indirect.scatter.add.f32 [tilespmem:s20], [sflag:$0x2], $0x10, s19, s29, $0xb8;
	[tilespmem:$0x1B000] =	vst v63  }
0x1af: {  	s19 =	simm.s32 $0x1C00;
	s20 =	simm.s32 $0xA800  }
0x1b0: {  	[spmem:s4] =	stream.indirect.scatter.add.f32 [tilespmem:s20], [sflag:$0x2], $0x10, s19, s29, $0xb8;
	[tilespmem:$0x1B000] =	vst v63  }
0x1b1: {  	p0 =	seq.s32 s16, $0x0;
	s19 =	simm.s32 $0x1C80;
	s20 =	simm.s32 $0xB000  }
0x1b2: {  	[spmem:s4] =	stream.indirect.scatter.add.f32 [tilespmem:s20], [sflag:$0x2], $0x10, s19, s29, $0xb8;
	[tilespmem:$0x1B000] =	vst v63  }
.Ltmp8:
0x1b3: {  	_ = 	snop;
	(pc) =	sbr.rel @p0 .LBB2_16-.Ltmp8, $4  }
0x1b4: {  	s19 =	simm.s32 $0x1D00;
	s20 =	simm.s32 $0xB800  }
0x1b5: {  	[spmem:s4] =	stream.indirect.scatter.add.f32 [tilespmem:s20], [sflag:$0x2], $0x10, s19, s29, $0xb8;
	[tilespmem:$0x1B000] =	vst v63  }
0x1b6: {  	s19 =	simm.s32 $0x1D80;
	s20 =	simm.s32 $0xC000  }
0x1b7: {  	[spmem:s4] =	stream.indirect.scatter.add.f32 [tilespmem:s20], [sflag:$0x2], $0x10, s19, s29, $0xb8;
	[tilespmem:$0x1B000] =	vst v63  }
.LBB2_10:
0x1b8: {  	_ =	swait.ge [sflag:s26], $0x800  }
0x1b9: {  	[sflag:s26] =	ssyncset.done $0x0  }
0x1ba: {  	[sflag:s26] =	ssyncadd.s32 $0xFFFFF800  }
0x1bb: {  	_ =	swait.ge [sflag:s26], $0x800  }
0x1bc: {  	[sflag:s26] =	ssyncset.done $0x0  }
0x1bd: {  	[sflag:s26] =	ssyncadd.s32 $0xFFFFF800  }
0x1be: {  	_ =	swait.ge [sflag:s26], $0x800  }
0x1bf: {  	[sflag:s26] =	ssyncset.done $0x0  }
0x1c0: {  	[sflag:s26] =	ssyncadd.s32 $0xFFFFF800  }
0x1c1: {  	_ =	swait.ge [sflag:s26], $0x800  }
0x1c2: {  	[sflag:s26] =	ssyncset.done $0x0  }
0x1c3: {  	[sflag:s26] =	ssyncadd.s32 $0xFFFFF800  }
0x1c4: {  	_ =	swait.ge [sflag:s26], $0x800  }
0x1c5: {  	[sflag:s26] =	ssyncset.done $0x0  }
0x1c6: {  	[sflag:s26] =	ssyncadd.s32 $0xFFFFF800  }
0x1c7: {  	_ =	swait.ge [sflag:s26], $0x800  }
0x1c8: {  	[sflag:s26] =	ssyncset.done $0x0  }
0x1c9: {  	[sflag:s26] =	ssyncadd.s32 $0xFFFFF800  }
0x1ca: {  	_ =	swait.ge [sflag:s26], $0x800  }
0x1cb: {  	[sflag:s26] =	ssyncset.done $0x0  }
0x1cc: {  	[sflag:s26] =	ssyncadd.s32 $0xFFFFF800  }
0x1cd: {  	_ =	swait.ge [sflag:s26], $0x800  }
0x1ce: {  	[sflag:s26] =	ssyncset.done $0x0  }
0x1cf: {  	[sflag:s26] =	ssyncadd.s32 $0xFFFFF800  }
0x1d0: {  	_ =	swait.ge [sflag:s26], $0x800  }
0x1d1: {  	[sflag:s26] =	ssyncset.done $0x0  }
0x1d2: {  	[sflag:s26] =	ssyncadd.s32 $0xFFFFF800  }
0x1d3: {  	_ =	swait.ge [sflag:s26], $0x800  }
0x1d4: {  	[sflag:s26] =	ssyncset.done $0x0  }
0x1d5: {  	[sflag:s26] =	ssyncadd.s32 $0xFFFFF800  }
0x1d6: {  	_ =	swait.ge [sflag:s26], $0x800  }
0x1d7: {  	[sflag:s26] =	ssyncset.done $0x0  }
0x1d8: {  	[sflag:s26] =	ssyncadd.s32 $0xFFFFF800  }
0x1d9: {  	_ =	swait.ge [sflag:s26], $0x800  }
0x1da: {  	[sflag:s26] =	ssyncset.done $0x0  }
0x1db: {  	[sflag:s26] =	ssyncadd.s32 $0xFFFFF800  }
0x1dc: {  	_ =	swait.ge [sflag:s26], $0x800  }
0x1dd: {  	[sflag:s26] =	ssyncset.done $0x0  }
0x1de: {  	[sflag:s26] =	ssyncadd.s32 $0xFFFFF800  }
0x1df: {  	_ =	swait.ge [sflag:s26], $0x800  }
0x1e0: {  	[sflag:s26] =	ssyncset.done $0x0  }
0x1e1: {  	[sflag:s26] =	ssyncadd.s32 $0xFFFFF800  }
0x1e2: {  	_ =	swait.ge [sflag:s26], $0x800  }
0x1e3: {  	[sflag:s26] =	ssyncset.done $0x0  }
0x1e4: {  	[sflag:s26] =	ssyncadd.s32 $0xFFFFF800  }
0x1e5: {  	_ =	swait.ge [sflag:s26], $0x800  }
0x1e6: {  	[sflag:s26] =	ssyncset.done $0x0  }
0x1e7: {  	[sflag:s26] =	ssyncadd.s32 $0xFFFFF800  }
0x1e8: {  	_ =	swait.ge [sflag:s26], $0x800  }
0x1e9: {  	[sflag:s26] =	ssyncset.done $0x0  }
0x1ea: {  	[sflag:s26] =	ssyncadd.s32 $0xFFFFF800  }
0x1eb: {  	_ =	swait.ge [sflag:s26], $0x800  }
0x1ec: {  	[sflag:s26] =	ssyncset.done $0x0  }
0x1ed: {  	[sflag:s26] =	ssyncadd.s32 $0xFFFFF800  }
0x1ee: {  	p0 =	seq.s32 s15, $0x13;
	_ =	swait.ge [sflag:s26], $0x800  }
.Ltmp9:
0x1ef: {  	[sflag:s26] =	ssyncset.done $0x0;
	(pc) =	sbr.rel @p0 .LBB2_14-.Ltmp9, $4  }
0x1f0: {  	[sflag:s26] =	ssyncadd.s32 $0xFFFFF800  }
0x1f1: {  	_ =	swait.ge [sflag:s26], $0x800  }
0x1f2: {  	[sflag:s26] =	ssyncset.done $0x0  }
0x1f3: {  	[sflag:s26] =	ssyncadd.s32 $0xFFFFF800  }
0x1f4: {  	s7 =	smul.u32 $0xA00, s15;
	_ =	sdelay $0x1  }
0x1f5: {  	s7 =	sadd.s32 s7, s17  }
0x1f6: {  	s7 =	sshrl.u32 s7, $0x3  }
0x1f7: {  	s16 =	sadd.s32 s1, s7  }
0x1f8: {  	[tilespmem:s5], [sflag:$0x4] =	stream.linear.gather [hbm4b:s16+s5], $0xA00, $0x38;
	[tilespmem:$0x1B000] =	vst v63  }
0x1f9: {  	s7 =	sadd.s32 s2, s7  }
0x1fa: {  	[tilespmem:s22], [sflag:$0x4] =	stream.linear.gather [hbm4b:s7+s5], $0xA00, $0x38;
	[tilespmem:$0x1B000] =	vst v63  }
0x1fb: {  	_ =	swait.ge [sflag:s23], $0xA00  }
0x1fc: {  	[sflag:s23] =	ssyncset.done $0x0  }
0x1fd: {  	[sflag:s23] =	ssyncadd.s32 $0xFFFFF600  }
0x1fe: {  	_ =	swait.ge [sflag:s23], $0xA00  }
0x1ff: {  	[sflag:s23] =	ssyncset.done $0x0  }
0x200: {  	s16 =	simm.s32 $0x40;
	[sflag:s23] =	ssyncadd.s32 $0xFFFFF600  }
0x201: {  	v1 =	vld [tilespmem:s16+$0xFFFFFFC0]  }
0x202: {  	v2 =	vld [tilespmem:s16+$0xFFFFFFD0]  }
0x203: {  	v4 =	vld [tilespmem:s16+$0xFFFFFFE0]  }
0x204: {  	v11 =	vld [tilespmem:s16+$0x10];
	_ =	sdelay $0x1  }
0x205: {  	v5 =	vshll.u32 v1, $0x3;
	v6 =	vand.u32 $0xFFFFC000, v1  }
0x206: {  	v3 =	vld [tilespmem:s16+$0xFFFFFFF0];
	v1 =	vshrl.u32 v1, $0xB;
	v7 =	vshll.u32 v2, $0x3;
	v9 =	vand.u32 $0xFFFFC000, v2  }
0x207: {  	v2 =	vshrl.u32 v2, $0xB;
	v10 =	vshll.u32 v4, $0x3;
	v12 =	vand.u32 $0xFFFFC000, v4  }
0x208: {  	v8 =	vld [tilespmem:s16+$0x0];
	v4 =	vshrl.u32 v4, $0xB;
	v13 =	vand.u32 $0xFFFFC000, v11;
	v5 =	vand.u32 $0x3FF8, v5  }
0x209: {  	v1 =	vand.u32 $0x7, v1;
	v7 =	vand.u32 $0x3FF8, v7;
	v2 =	vand.u32 $0x7, v2  }
0x20a: {  	v10 =	vand.u32 $0x3FF8, v10;
	v4 =	vand.u32 $0x7, v4;
	v5 =	vor.u32 v6, v5  }
0x20b: {  	v6 =	vshll.u32 v3, $0x3;
	v7 =	vor.u32 v9, v7;
	v9 =	vor.u32 v12, v10  }
0x20c: {  	v10 =	vshll.u32 v11, $0x3;
	v11 =	vshrl.u32 v11, $0xB;
	v1 =	vor.u32 v1, v5;
	v5 =	vld [tilespmem:s16+$0x20]  }
0x20d: {  	v59 =	vld [tilespmem:s16+$0x30];
	v2 =	vor.u32 v2, v7;
	v4 =	vor.u32 v4, v9;
	v7 =	vshll.u32 v8, $0x3  }
0x20e: {  	v9 =	vand.u32 $0xFFFFC000, v8;
	v8 =	vshrl.u32 v8, $0xB;
	v10 =	vand.u32 $0x3FF8, v10  }
0x20f: {  	v6 =	vand.u32 $0x3FF8, v6;
	v7 =	vand.u32 $0x3FF8, v7;
	v8 =	vand.u32 $0x7, v8  }
0x210: {  	[tilespmem:s16+$0xFFFFFFC0] =	vst v1;
	v1 =	vor.u32 v13, v10;
	v7 =	vor.u32 v9, v7;
	v9 =	vand.u32 $0x7, v11  }
0x211: {  	s18 =	simm.s32 $0xC0;
	[tilespmem:s16+$0xFFFFFFD0] =	vst v2;
	v7 =	vor.u32 v8, v7;
	v1 =	vor.u32 v9, v1;
	v10 =	vshll.u32 v5, $0x3  }
0x212: {  	v9 =	vand.u32 $0xFFFFC000, v59;
	v2 =	vand.u32 $0xFFFFC000, v5;
	v8 =	vand.u32 $0x3FF8, v10;
	v10 =	vld [tilespmem:s18+$0xFFFFFFC0]  }
0x213: {  	v5 =	vshrl.u32 v5, $0xB;
	[tilespmem:s16+$0xFFFFFFE0] =	vst v4;
	v4 =	vor.u32 v2, v8;
	v8 =	vshll.u32 v59, $0x3  }
0x214: {  	v5 =	vand.u32 $0x7, v5;
	v2 =	vld [tilespmem:s18+$0xFFFFFFF0];
	[tilespmem:s16+$0x0] =	vst v7;
	v7 =	vand.u32 $0x3FF8, v8;
	v8 =	vshrl.u32 v59, $0xB  }
0x215: {  	[tilespmem:s16+$0x10] =	vst v1;
	v4 =	vor.u32 v5, v4;
	v1 =	vor.u32 v9, v7;
	v5 =	vand.u32 $0x7, v8;
	v7 =	vld [tilespmem:s18+$0xFFFFFFD0]  }
0x216: {  	v8 =	vand.u32 $0xFFFFC000, v3;
	v9 =	vld [tilespmem:s18+$0xFFFFFFE0];
	v3 =	vshrl.u32 v3, $0xB;
	v5 =	vor.u32 v5, v1  }
0x217: {  	v1 =	vor.u32 v8, v6;
	v3 =	vand.u32 $0x7, v3;
	v6 =	vshll.u32 v10, $0x3  }
0x218: {  	[tilespmem:s16+$0x20] =	vst v4;
	v4 =	vand.u32 $0xFFFFC000, v10;
	v8 =	vshrl.u32 v10, $0xB;
	v6 =	vand.u32 $0x3FF8, v6  }
0x219: {  	[tilespmem:s16+$0x30] =	vst v5;
	v5 =	vor.u32 v4, v6;
	v6 =	vand.u32 $0x7, v8;
	v4 =	vshll.u32 v2, $0x3  }
0x21a: {  	v11 =	vld [tilespmem:s18+$0x0];
	v8 =	vand.u32 $0xFFFFC000, v7;
	v10 =	vshll.u32 v7, $0x3;
	v7 =	vshrl.u32 v7, $0xB  }
0x21b: {  	v61 =	vld [tilespmem:s18+$0x10];
	v60 =	vshll.u32 v9, $0x3;
	v14 =	vand.u32 $0xFFFFC000, v9;
	v9 =	vshrl.u32 v9, $0xB  }
0x21c: {  	v10 =	vand.u32 $0x3FF8, v10;
	v7 =	vand.u32 $0x7, v7;
	v12 =	vand.u32 $0x3FF8, v60  }
0x21d: {  	v9 =	vand.u32 $0x7, v9;
	v8 =	vor.u32 v8, v10;
	v10 =	vor.u32 v14, v12  }
0x21e: {  	v6 =	vor.u32 v6, v5;
	v62 =	vor.u32 v7, v8;
	v5 =	vor.u32 v9, v10;
	v10 =	vld [tilespmem:s18+$0x20]  }
0x21f: {  	v7 =	vand.u32 $0xFFFFC000, v11;
	v8 =	vshll.u32 v11, $0x3;
	v9 =	vshrl.u32 v11, $0xB  }
0x220: {  	[tilespmem:s18+$0xFFFFFFC0] =	vst v6;
	v6 =	vld [tilespmem:s18+$0x30];
	v11 =	vshll.u32 v61, $0x3;
	v63 =	vand.u32 $0xFFFFC000, v61;
	v13 =	vshrl.u32 v61, $0xB  }
0x221: {  	v8 =	vand.u32 $0x3FF8, v8;
	v9 =	vand.u32 $0x7, v9;
	v11 =	vand.u32 $0x3FF8, v11  }
0x222: {  	v13 =	vand.u32 $0x7, v13;
	v7 =	vor.u32 v7, v8;
	v11 =	vor.u32 v63, v11  }
0x223: {  	v8 =	vor.u32 v9, v7;
	v7 =	vor.u32 v13, v11;
	v11 =	vshll.u32 v10, $0x3  }
0x224: {  	s19 =	simm.s32 $0x140;
	s7 =	simm.s32 $0x8;
	[tilespmem:s18+$0xFFFFFFD0] =	vst v62;
	v9 =	vand.u32 $0xFFFFC000, v10;
	v10 =	vshrl.u32 v10, $0xB;
	v11 =	vand.u32 $0x3FF8, v11  }
.LBB2_12:
0x225: {  	v12 =	vld [tilespmem:s19+$0xFFFFFFC0];
	[tilespmem:s18+$0xFFFFFFE0] =	vst v5;
	v5 =	vor.u32 v9, v11;
	v9 =	vand.u32 $0x7, v10;
	v10 =	vshll.u32 v6, $0x3  }
0x226: {  	v11 =	vld [tilespmem:s19+$0xFFFFFFF0];
	[tilespmem:s18+$0x0] =	vst v8;
	v8 =	vand.u32 $0xFFFFC000, v6;
	v10 =	vand.u32 $0x3FF8, v10;
	v6 =	vshrl.u32 v6, $0xB  }
0x227: {  	v5 =	vor.u32 v9, v5;
	[tilespmem:s18+$0x10] =	vst v7;
	v7 =	vor.u32 v8, v10;
	v6 =	vand.u32 $0x7, v6  }
0x228: {  	v4 =	vand.u32 $0x3FF8, v4;
	v9 =	vand.u32 $0xFFFFC000, v2;
	v8 =	vld [tilespmem:s19+$0xFFFFFFD0];
	[tilespmem:s18+$0x20] =	vst v5;
	v5 =	vor.u32 v6, v7  }
0x229: {  	v10 =	vshrl.u32 v2, $0xB;
	v6 =	vld [tilespmem:s19+$0xFFFFFFE0];
	[tilespmem:s18+$0x30] =	vst v5;
	v5 =	vor.u32 v3, v1;
	v1 =	vor.u32 v9, v4  }
0x22a: {  	v3 =	vand.u32 $0x7, v10;
	v4 =	vshll.u32 v12, $0x3;
	[tilespmem:s16+$0xFFFFFFF0] =	vst v5;
	s16 =	smov.u32 s18;
	s18 =	smov.u32 s19  }
0x22b: {  	v5 =	vand.u32 $0xFFFFC000, v12;
	v7 =	vshrl.u32 v12, $0xB;
	v4 =	vand.u32 $0x3FF8, v4;
	v2 =	vmovc v11  }
0x22c: {  	v7 =	vand.u32 $0x7, v7;
	v5 =	vor.u32 v5, v4;
	v4 =	vshll.u32 v2, $0x3  }
0x22d: {  	v9 =	vand.u32 $0xFFFFC000, v8;
	v10 =	vshll.u32 v8, $0x3;
	v8 =	vshrl.u32 v8, $0xB;
	v11 =	vld [tilespmem:s19+$0x0]  }
0x22e: {  	v10 =	vand.u32 $0x3FF8, v10;
	v8 =	vand.u32 $0x7, v8;
	v12 =	vshll.u32 v6, $0x3;
	v13 =	vld [tilespmem:s19+$0x10]  }
0x22f: {  	v14 =	vand.u32 $0xFFFFC000, v6;
	v6 =	vshrl.u32 v6, $0xB;
	v12 =	vand.u32 $0x3FF8, v12  }
0x230: {  	v9 =	vor.u32 v9, v10;
	v6 =	vand.u32 $0x7, v6;
	v10 =	vor.u32 v14, v12  }
0x231: {  	s7 =	sadd.s32 $0x8, s7;
	v7 =	vor.u32 v7, v5;
	v9 =	vor.u32 v8, v9;
	v5 =	vor.u32 v6, v10;
	v10 =	vld [tilespmem:s19+$0x20]  }
0x232: {  	p0 =	slt.u32 s7, $0x98;
	v8 =	vand.u32 $0xFFFFC000, v11;
	v6 =	vshll.u32 v11, $0x3;
	v11 =	vshrl.u32 v11, $0xB  }
.Ltmp10:
0x233: {  	v12 =	vand.u32 $0x3FF8, v6;
	v11 =	vand.u32 $0x7, v11;
	v14 =	vshll.u32 v13, $0x3;
	v6 =	vld [tilespmem:s19+$0x30];
	(pc) =	sbr.rel @p0 .LBB2_12-.Ltmp10, $4  }
0x234: {  	v15 =	vand.u32 $0xFFFFC000, v13;
	v13 =	vshrl.u32 v13, $0xB;
	v14 =	vand.u32 $0x3FF8, v14  }
0x235: {  	v8 =	vor.u32 v8, v12;
	v13 =	vand.u32 $0x7, v13;
	v12 =	vor.u32 v15, v14  }
0x236: {  	v8 =	vor.u32 v11, v8;
	[tilespmem:s19+$0xFFFFFFC0] =	vst v7;
	v7 =	vor.u32 v13, v12;
	v11 =	vshll.u32 v10, $0x3  }
0x237: {  	s19 =	sadd.s32 $0x80, s19;
	[tilespmem:s18+$0xFFFFFFD0] =	vst v9;
	v9 =	vand.u32 $0xFFFFC000, v10;
	v11 =	vand.u32 $0x3FF8, v11;
	v10 =	vshrl.u32 v10, $0xB  }
0x238: {  	v9 =	vor.u32 v9, v11  }
0x239: {  	[tilespmem:s18+$0xFFFFFFE0] =	vst v5;
	v56 =	vand.u32 $0x7, v10;
	v57 =	vshll.u32 v6, $0x3;
	v58 =	vand.u32 $0xFFFFC000, v6  }
0x23a: {  	[tilespmem:s18+$0x0] =	vst v8;
	v60 =	vshrl.u32 v6, $0xB;
	v62 =	vand.u32 $0xFFFFC000, v2;
	v4 =	vand.u32 $0x3FF8, v4  }
0x23b: {  	[tilespmem:s18+$0x10] =	vst v7;
	v2 =	vshrl.u32 v2, $0xB;
	v59 =	vand.u32 $0x3FF8, v57;
	v5 =	vor.u32 v56, v9  }
0x23c: {  	v1 =	vor.u32 v3, v1;
	v6 =	vand.u32 $0x7, v60;
	v61 =	vor.u32 v58, v59;
	[tilespmem:s18+$0x20] =	vst v5  }
0x23d: {  	v4 =	vor.u32 v62, v4;
	v2 =	vand.u32 $0x7, v2;
	v63 =	vor.u32 v6, v61;
	[tilespmem:s16+$0xFFFFFFF0] =	vst v1  }
0x23e: {  	v1 =	vor.u32 v2, v4;
	[tilespmem:s18+$0x30] =	vst v63  }
.Ltmp11:
0x23f: {  	[tilespmem:s18+$0xFFFFFFF0] =	vst v1;
	(pc) =	sbr.rel .LBB2_15-.Ltmp11, $4  }
0x240: {  	_ =	swait.ge [sflag:s28], $0xA000  }
0x241: {  	[sflag:s28] =	ssyncset.done $0x0  }
0x242: {  	[sflag:s28] =	ssyncadd.s32 $0xFFFF6000  }
0x243: {  	[tilespmem:s25], [sflag:$0x1] =	stream.indirect.gather [hbm4b:s6+s24], $0x10, s5, s24, $0xb8;
	[tilespmem:$0x1B000] =	vst v63  }
.LBB2_18:
0x244: {  	_ =	sfence.sel $0x180000  }
0x245: {  	[bflag:$0x0] =	sbarrier.arrive $0xFFFF  }
0x246: {  	_ =	strace $0x90000047  }
0x247: {  	s0 =	stileid.u32;
	[bflag:$0x2] =	sbarrier.arrive $0xFFFF  }
0x248: {  	p0 =	sne.s32 s0, $0x0;
	s0 =	rddreg [dreg:$0x4]  }
0x249: {  	s0 =	sadd.s32 @!p0 $0x100000, s0  }
0x24a: {  	[sflag:s0] =	ssyncadd.tile.s32 @!p0 $0x1;
	_ =	shalt  }
.Lfunc_end2:
_tile_overlayer_lowered:
.L_overlay_start_2:
0x24b: {  	(tag) =	ssettag $0x2  }
0x24c: {  	s0 =	rddreg [dreg:$0x0];
	s2 =	stileid.u32  }
0x24d: {  	s1 =	rddreg [dreg:$0x1];
	p0 =	sne.s32 s2, $0x0  }
0x24e: {  	s3 =	rddreg [dreg:$0x2];
	[bflag:$0x3] =	sbarrier.arrive $0xFFFF;
	s2 =	simm.s32 @!p0 $0x1C05  }
0x24f: {  	[timem:s3], [sflag:s2] =	dma.local @!p0 [hbm:s0], s1  }
0x250: {  	s0 =	simm.s32 @!p0 $0x5  }
0x251: {  	_ =	swait.ge @!p0 [sflag:s0], s1  }
0x252: {  	s1 =	ssub.s32 @!p0 $0x0, s1;
	[sflag:s0] =	ssyncset.done @!p0 $0x0  }
0x253: {  	[sflag:s0] =	ssyncadd.s32 @!p0 s1  }
0x254: {  	[bflag:$0x3] =	sbarrier.arrive $0xFFFF  }
0x255: {  	_ =	shalt  }

</sc_bundles>
